<compile_context>
chip_gen: v7x
topology: tpu7x:2x2x1
jax: 0.10.2.dev20260603
libtpu: 0.0.44.dev20260713+nightly
codegen_flags: <defaults>
</compile_context>

<pallas_src>
import functools

import jax
import jax.numpy as jnp
from jax import lax
from jax.experimental import pallas as pl
from jax.experimental.pallas import tpu as pltpu
from jax.experimental.pallas import tpu_sc as plsc

N_NODES = 10000
D_IN = 128
D_H = 16
D_OUT = 7

NC = 2
NS = 16
NW = NC * NS

N_PAD = 10240
CHUNK = 128
ROWS_PER_TILE = N_PAD // NS
L = 16


def _aggregate(d, kj, eb_hbm, out_hbm, src_v, dst_v, rows_v, xs, acc, sem, sem_s,
               cid, sid, wid):
    pltpu.sync_copy(eb_hbm.at[0, wid], src_v)
    pltpu.sync_copy(eb_hbm.at[1, wid], dst_v)
    plsc.subcore_barrier()

    for jp in range(3):
        pltpu.async_copy(xs.at[src_v.at[jp]], rows_v.at[jp], sem)

    def _chunk(j, carry):
        buf = lax.rem(j, 6)
        pltpu.make_async_copy(xs.at[src_v.at[j]], rows_v.at[buf], sem).wait()

        @pl.when(j >= 3)
        def _():
            b2 = lax.rem(j + 3, 6)
            pltpu.make_async_copy(
                rows_v.at[b2], acc.at[dst_v.at[j - 3]], sem_s
            ).wait()

        @pl.when(j + 3 < kj)
        def _():
            pltpu.async_copy(
                xs.at[src_v.at[j + 3]], rows_v.at[lax.rem(j + 3, 6)], sem
            )

        pltpu.async_copy(rows_v.at[buf], acc.at[dst_v.at[j]], sem_s, add=True)
        return carry

    lax.fori_loop(0, kj, _chunk, 0, unroll=2)
    for j in (kj - 3, kj - 2, kj - 1):
        pltpu.make_async_copy(
            rows_v.at[lax.rem(j, 6)], acc.at[dst_v.at[j]], sem_s
        ).wait()
    plsc.subcore_barrier()

    pltpu.sync_copy(
        acc.at[pl.ds(sid * ROWS_PER_TILE, ROWS_PER_TILE)],
        out_hbm.at[cid, pl.ds(sid * ROWS_PER_TILE, ROWS_PER_TILE)],
    )


def _zero_acc(d, zbuf, acc, sid):
    if d == L:
        @plsc.parallel_loop(0, ROWS_PER_TILE, unroll=4)
        def _zero(i):
            zbuf[i, :] = jnp.zeros((L,), jnp.float32)
    else:
        zf = jnp.zeros((L,), jnp.float32)
        zi = jnp.zeros((L,), jnp.int32)
        riota = lax.iota(jnp.int32, L)

        @plsc.parallel_loop(0, ROWS_PER_TILE // L, unroll=2)
        def _zero(g):
            rows = g * L + riota
            for j in range(d):
                plsc.store_scatter(zbuf, [rows, zi + j], zf)
    pltpu.sync_copy(zbuf, acc.at[pl.ds(sid * ROWS_PER_TILE, ROWS_PER_TILE)])


def _spmm1_body(kj, x_hbm, eb_hbm, out_hbm,
                src_v, dst_v, rows_v, zbuf, xs, acc, sem, sem_s):
    cid = lax.axis_index("c")
    sid = lax.axis_index("s")
    wid = sid * NC + cid

    stage = pltpu.make_async_copy(
        x_hbm.at[pl.ds(sid * ROWS_PER_TILE, ROWS_PER_TILE)],
        xs.at[pl.ds(sid * ROWS_PER_TILE, ROWS_PER_TILE)],
        sem,
    )
    stage.start()
    _zero_acc(D_H, zbuf, acc, sid)
    stage.wait()
    _aggregate(D_H, kj, eb_hbm, out_hbm, src_v, dst_v, rows_v, xs, acc, sem, sem_s,
               cid, sid, wid)


def _spmm2_body(kj, p_hbm, eb_hbm, w_hbm, out_hbm,
                src_v, dst_v, rows_v, zbuf, pv, x2v, w_v, xs, acc, sem, sem_s):
    cid = lax.axis_index("c")
    sid = lax.axis_index("s")
    wid = sid * NC + cid
    base = sid * ROWS_PER_TILE

    st_w = pltpu.make_async_copy(w_hbm, w_v, sem)
    st_0 = pltpu.make_async_copy(p_hbm.at[0, pl.ds(base, ROWS_PER_TILE)], pv.at[0], sem)
    st_1 = pltpu.make_async_copy(p_hbm.at[1, pl.ds(base, ROWS_PER_TILE)], pv.at[1], sem)
    st_w.start()
    st_0.start()
    st_1.start()
    _zero_acc(8, zbuf, acc, sid)
    st_w.wait()
    st_0.wait()
    st_1.wait()

    zero_i = jnp.zeros((L,), jnp.int32)
    riota = lax.iota(jnp.int32, L)
    wregs = [w_v[pl.ds(t * L, L)] for t in range(8 * D_H // L)]

    def _wscal(k, j):
        flat = k * 8 + j
        return wregs[flat // L][flat % L]

    def _group(g, carry):
        rows = g * L + riota
        cols = [None] * D_H
        for k in range(D_H):
            a = plsc.load_gather(pv, [zero_i, rows, zero_i + k])
            b = plsc.load_gather(pv, [zero_i + 1, rows, zero_i + k])
            cols[k] = jnp.maximum(a + b, 0.0)
        for j in range(8):
            o = cols[0] * _wscal(0, j)
            for k in range(1, D_H):
                o = o + cols[k] * _wscal(k, j)
            plsc.store_scatter(x2v, [rows, zero_i + j], o)
        return carry

    lax.fori_loop(0, ROWS_PER_TILE // L, _group, 0)
    pltpu.sync_copy(x2v, xs.at[pl.ds(base, ROWS_PER_TILE)])

    _aggregate(8, kj, eb_hbm, out_hbm, src_v, dst_v, rows_v, xs, acc, sem, sem_s,
               cid, sid, wid)


@functools.cache
def _build_spmm1(kj):
    mesh = plsc.VectorSubcoreMesh(
        core_axis_name="c", subcore_axis_name="s", num_cores=NC, num_subcores=NS
    )
    return pl.kernel(
        functools.partial(_spmm1_body, kj),
        out_type=jax.ShapeDtypeStruct((NC, N_PAD, D_H), jnp.float32),
        mesh=mesh,
        scratch_types=[
            pltpu.VMEM((kj, CHUNK), jnp.int32),
            pltpu.VMEM((kj, CHUNK), jnp.int32),
            pltpu.VMEM((6, CHUNK, D_H), jnp.float32),
            pltpu.VMEM((ROWS_PER_TILE, D_H), jnp.float32),
            pltpu.VMEM_SHARED((N_PAD, D_H), jnp.float32),
            pltpu.VMEM_SHARED((N_PAD, D_H), jnp.float32),
            pltpu.SemaphoreType.DMA,
            pltpu.SemaphoreType.DMA,
        ],
        compiler_params=pltpu.CompilerParams(use_tc_tiling_on_sc=False),
    )


@functools.cache
def _build_spmm2(kj):
    mesh = plsc.VectorSubcoreMesh(
        core_axis_name="c", subcore_axis_name="s", num_cores=NC, num_subcores=NS
    )
    return pl.kernel(
        functools.partial(_spmm2_body, kj),
        out_type=jax.ShapeDtypeStruct((NC, N_PAD, 8), jnp.float32),
        mesh=mesh,
        scratch_types=[
            pltpu.VMEM((kj, CHUNK), jnp.int32),
            pltpu.VMEM((kj, CHUNK), jnp.int32),
            pltpu.VMEM((6, CHUNK, 8), jnp.float32),
            pltpu.VMEM((ROWS_PER_TILE, 8), jnp.float32),
            pltpu.VMEM((2, ROWS_PER_TILE, D_H), jnp.float32),
            pltpu.VMEM((ROWS_PER_TILE, 8), jnp.float32),
            pltpu.VMEM((8 * D_H,), jnp.float32),
            pltpu.VMEM_SHARED((N_PAD, 8), jnp.float32),
            pltpu.VMEM_SHARED((N_PAD, 8), jnp.float32),
            pltpu.SemaphoreType.DMA,
            pltpu.SemaphoreType.DMA,
        ],
        compiler_params=pltpu.CompilerParams(
            use_tc_tiling_on_sc=False, needs_layout_passes=False
        ),
    )


ROWS_PER_WORKER = 400
N_COMBINE_W = N_NODES // ROWS_PER_WORKER


def _combine_sc_body(q_hbm, out_hbm, qv, sv):
    cid = lax.axis_index("c")
    sid = lax.axis_index("s")
    wid = sid * NC + cid

    @pl.when(wid < N_COMBINE_W)
    def _():
        base = wid * ROWS_PER_WORKER
        pltpu.sync_copy(q_hbm.at[0, pl.ds(base, ROWS_PER_WORKER)], qv.at[0])
        pltpu.sync_copy(q_hbm.at[1, pl.ds(base, ROWS_PER_WORKER)], qv.at[1])

        zero_i = jnp.zeros((L,), jnp.int32)
        lane = lax.iota(jnp.int32, L)

        @plsc.parallel_loop(0, ROWS_PER_WORKER * D_OUT // L, unroll=2)
        def _pack(t):
            fo = t * L + lane
            r = fo // D_OUT
            c = fo - r * D_OUT
            a = plsc.load_gather(qv, [zero_i, r, c])
            b = plsc.load_gather(qv, [zero_i + 1, r, c])
            plsc.store_scatter(sv, [r, c], a + b)

        pltpu.sync_copy(sv, out_hbm.at[pl.ds(base, ROWS_PER_WORKER)])


@functools.cache
def _build_combine_sc():
    mesh = plsc.VectorSubcoreMesh(
        core_axis_name="c", subcore_axis_name="s", num_cores=NC, num_subcores=NS
    )
    return pl.kernel(
        _combine_sc_body,
        out_type=jax.ShapeDtypeStruct((N_NODES, D_OUT), jnp.float32),
        mesh=mesh,
        scratch_types=[
            pltpu.VMEM((2, ROWS_PER_WORKER, 8), jnp.float32),
            pltpu.VMEM((ROWS_PER_WORKER, D_OUT), jnp.float32),
        ],
        compiler_params=pltpu.CompilerParams(
            use_tc_tiling_on_sc=False, needs_layout_passes=False
        ),
    )


def _mm1_body(f_ref, w1_ref, o_ref):
    o_ref[...] = jnp.dot(f_ref[...], w1_ref[...],
                         preferred_element_type=jnp.float32)


def kernel(features, edge_index, W1, W2):
    e = edge_index.shape[1]
    kj = (e + NW * CHUNK - 1) // (NW * CHUNK)
    e_pad = NW * CHUNK * kj
    eb = jnp.pad(
        edge_index.astype(jnp.int32),
        ((0, 0), (0, e_pad - e)),
        constant_values=N_NODES,
    ).reshape(2, NW, kj, CHUNK)

    w2f = jnp.pad(W2, ((0, 0), (0, 8 - D_OUT))).reshape(8 * D_H)

    x1 = pl.pallas_call(
        _mm1_body,
        grid=(2,),
        in_specs=[
            pl.BlockSpec((N_PAD // 2, D_IN), lambda i: (i, 0)),
            pl.BlockSpec((D_IN, D_H), lambda i: (0, 0)),
        ],
        out_specs=pl.BlockSpec((N_PAD // 2, D_H), lambda i: (i, 0)),
        out_shape=jax.ShapeDtypeStruct((N_PAD, D_H), jnp.float32),
    )(features, W1)

    p = _build_spmm1(kj)(x1, eb)

    q = _build_spmm2(kj)(p, eb, w2f)

    return _build_combine_sc()(q)

# --- scband reference (transcript-rebuilt; emitter-appended) ---
"""Pipeline reference for scband-gcnnet-40544491274285 (READ-ONLY COPY).

The authoritative reference and input builder live on the scoring server;
editing this copy changes nothing except your own understanding.
"""

import jax, jax.numpy as jnp
import numpy as np

N_NODES = 10000
N_EDGES = 320000
D_IN = 128
D_H = 16
D_OUT = 7


def setup_inputs(seed: int = 0) -> dict:
    key = jax.random.key(seed)
    k1, k2, k3, k4 = jax.random.split(key, 4)
    features = jax.random.normal(k1, (N_NODES, D_IN), dtype=jnp.float32)
    edge_index = jax.random.randint(k2, (2, N_EDGES), 0, N_NODES, dtype=jnp.int64)
    # Glorot-style init for the two GCN layer weights (bias=False in the module)
    W1 = jax.random.normal(k3, (D_IN, D_H), dtype=jnp.float32) * (1.0 / np.sqrt(D_IN))
    W2 = jax.random.normal(k4, (D_H, D_OUT), dtype=jnp.float32) * (1.0 / np.sqrt(D_H))
    return {"features": features, "edge_index": edge_index, "W1": W1, "W2": W2}


def _spmm(edge_index, x, num_nodes):
    # Sparse adjacency (COO edge list, unit values) times dense matrix:
    # out[dst] += x[src]  for every edge (src, dst)
    src = edge_index[0]
    dst = edge_index[1]
    gathered = jnp.take(x, src, axis=0)
    return jax.ops.segment_sum(gathered, dst, num_segments=num_nodes)


def reference(features, edge_index, W1, W2):
    # GraphConvolutional layer: support = dropout(x) @ W (drop_rate=0.0 -> identity),
    # output = A_sparse @ support. PairNorm=False, bias=False.
    h = _spmm(edge_index, features @ W1, N_NODES)
    h = jax.nn.relu(h)
    h = _spmm(edge_index, h @ W2, N_NODES)
    return h

if __name__ == "__main__":
    import jax
    _d = setup_inputs()
    print(jax.jit(kernel)(*tuple(_d.values())))

</pallas_src>

<mosaic_0001>
#map = affine_map<(d0, d1) -> (0, 0)>
#map1 = affine_map<(d0, d1) -> (0, 0, 0, 0)>
#map2 = affine_map<(d0, d1) -> (0, 0, 0)>
module attributes {stable_mosaic.version = 14 : i64} {
  func.func @_spmm1_body(%arg0: i32, %arg1: i32, %arg2: memref<10240x16xf32, #tpu.memory_space<hbm>>, %arg3: memref<2x32x79x128xi32, #tpu.memory_space<hbm>>, %arg4: memref<2x10240x16xf32, #tpu.memory_space<hbm>>, %arg5: memref<79x128xi32, #tpu.memory_space<vmem>>, %arg6: memref<79x128xi32, #tpu.memory_space<vmem>>, %arg7: memref<6x128x16xf32, #tpu.memory_space<vmem>>, %arg8: memref<640x16xf32, #tpu.memory_space<vmem>>, %arg9: memref<10240x16xf32, #tpu.memory_space<vmem_shared>>, %arg10: memref<10240x16xf32, #tpu.memory_space<vmem_shared>>, %arg11: memref<!tpu.dma_semaphore, #tpu.memory_space<semaphore_mem>>, %arg12: memref<!tpu.dma_semaphore, #tpu.memory_space<semaphore_mem>>) attributes {dimension_semantics = [#tpu.dimension_semantics<core_parallel>, #tpu.dimension_semantics<subcore_parallel>], iteration_bounds = array<i64: 2, 16>, scalar_prefetch = 0 : i64, scratch_operands = 8 : i64, tpu.core_type = #tpu.core_type<sc_vector_subcore>, window_params = [{transform_indices = #map}, {transform_indices = #map1}, {transform_indices = #map2}]} {
    %mul3A = arith.constant 2 : i32
    %mul3A_0 = arith.muli %arg1, %mul3A : i32
    %add3A = arith.addi %mul3A_0, %arg0 : i32
    %mul3A_1 = arith.constant 640 : i32
    %mul3A_2 = arith.muli %arg1, %mul3A_1 : i32
    %mul3A_3 = arith.constant 640 : i32
    %mul3A_4 = arith.muli %arg1, %mul3A_3 : i32
    %dma_start3A = arith.constant 0 : i32
    %dma_start3A_5 = tpu.memref_slice %arg9[%mul3A_4, %dma_start3A] : memref<10240x16xf32, #tpu.memory_space<vmem_shared>> -> memref<640x16xf32, #tpu.memory_space<vmem_shared>>
    %dma_start3A_6 = arith.constant 0 : i32
    %dma_start3A_7 = tpu.memref_slice %arg2[%mul3A_2, %dma_start3A_6] : memref<10240x16xf32, #tpu.memory_space<hbm>> -> memref<640x16xf32, #tpu.memory_space<hbm>>
    tpu.enqueue_dma source(%dma_start3A_7 : memref<640x16xf32, #tpu.memory_space<hbm>>) target(%dma_start3A_5 : memref<640x16xf32, #tpu.memory_space<vmem_shared>>) target_semaphore(%arg11 : memref<!tpu.dma_semaphore, #tpu.memory_space<semaphore_mem>>)
    %parallel_loop3A = arith.constant 0 : i32
    %parallel_loop3A_8 = arith.constant 640 : i32
    %parallel_loop3A_9 = arith.constant 1 : i32
    scf.for %parallel_loop3A_135 = %parallel_loop3A to %parallel_loop3A_8 step %parallel_loop3A_9  : i32 {
      %parallel_loop3A_136 = arith.constant 0.000000e+00 : f32
      %parallel_loop3A_137 = vector.broadcast %parallel_loop3A_136 : f32 to vector<16xf32>
      %parallel_loop3A_138 = arith.index_cast %parallel_loop3A_135 : i32 to index
      %parallel_loop3A_139 = arith.constant 0 : index
      %parallel_loop3A_140 = tpu.vector_load %arg8[%parallel_loop3A_138, %parallel_loop3A_139] {strides = array<i32>} : memref<640x16xf32, #tpu.memory_space<vmem>>, vector<1x16xf32>,
      %parallel_loop3A_141 = vector.shape_cast %parallel_loop3A_140 : vector<1x16xf32> to vector<16xf32>
      %parallel_loop3A_142 = vector.shape_cast %parallel_loop3A_137 : vector<16xf32> to vector<1x16xf32>
      tpu.vector_store %arg8[%parallel_loop3A_138, %parallel_loop3A_139], %parallel_loop3A_142 {strides = array<i32>} : memref<640x16xf32, #tpu.memory_space<vmem>>, vector<1x16xf32>,
    } {sc.loop_unroll_factor = 4 : i64, sc.parallel_access}
    %mul3A_10 = arith.constant 640 : i32
    %mul3A_11 = arith.muli %arg1, %mul3A_10 : i32
    "tpu.region"() ({
      %run_scoped3A_135 = tpu.sem_alloc : memref<!tpu.dma_semaphore, #tpu.memory_space<semaphore_mem>>
      %dma_start3A_136 = arith.constant 0 : i32
      %dma_start3A_137 = tpu.memref_slice %arg10[%mul3A_11, %dma_start3A_136] : memref<10240x16xf32, #tpu.memory_space<vmem_shared>> -> memref<640x16xf32, #tpu.memory_space<vmem_shared>>
      %dma_start3A_138 = arith.constant 0 : i32
      %dma_start3A_139 = tpu.memref_slice %arg10[%mul3A_11, %dma_start3A_138] : memref<10240x16xf32, #tpu.memory_space<vmem_shared>> -> memref<640x16xf32, #tpu.memory_space<vmem_shared>>
      tpu.enqueue_dma source(%arg8 : memref<640x16xf32, #tpu.memory_space<vmem>>) target(%dma_start3A_139 : memref<640x16xf32, #tpu.memory_space<vmem_shared>>) target_semaphore(%run_scoped3A_135 : memref<!tpu.dma_semaphore, #tpu.memory_space<semaphore_mem>>)
      %dma_wait3A_140 = arith.constant 0 : i32
      %dma_wait3A_141 = tpu.memref_slice %arg10[%mul3A_11, %dma_wait3A_140] : memref<10240x16xf32, #tpu.memory_space<vmem_shared>> -> memref<640x16xf32, #tpu.memory_space<vmem_shared>>
      %dma_wait3A_142 = arith.constant 0 : i32
      %dma_wait3A_143 = tpu.memref_slice %arg10[%mul3A_11, %dma_wait3A_142] : memref<10240x16xf32, #tpu.memory_space<vmem_shared>> -> memref<640x16xf32, #tpu.memory_space<vmem_shared>>
      tpu.wait_dma2 semaphore(%run_scoped3A_135 : memref<!tpu.dma_semaphore, #tpu.memory_space<semaphore_mem>>) src(%arg8 : memref<640x16xf32, #tpu.memory_space<vmem>>) dst(%dma_wait3A_143 : memref<640x16xf32, #tpu.memory_space<vmem_shared>>)
      tpu.yield
    }) : () -> ()
    %dma_wait3A = arith.constant 0 : i32
    %dma_wait3A_12 = tpu.memref_slice %arg9[%mul3A_4, %dma_wait3A] : memref<10240x16xf32, #tpu.memory_space<vmem_shared>> -> memref<640x16xf32, #tpu.memory_space<vmem_shared>>
    %dma_wait3A_13 = arith.constant 0 : i32
    %dma_wait3A_14 = tpu.memref_slice %arg2[%mul3A_2, %dma_wait3A_13] : memref<10240x16xf32, #tpu.memory_space<hbm>> -> memref<640x16xf32, #tpu.memory_space<hbm>>
    tpu.wait_dma2 semaphore(%arg11 : memref<!tpu.dma_semaphore, #tpu.memory_space<semaphore_mem>>) src(%dma_wait3A_14 : memref<640x16xf32, #tpu.memory_space<hbm>>) dst(%dma_wait3A_12 : memref<640x16xf32, #tpu.memory_space<vmem_shared>>)
    %run_scoped3A = arith.constant 0 : i32
    "tpu.region"() ({
      %run_scoped3A_135 = tpu.sem_alloc : memref<!tpu.dma_semaphore, #tpu.memory_space<semaphore_mem>>
      %dma_start3A_136 = arith.constant 0 : i32
      %dma_start3A_137 = arith.constant 0 : i32
      %dma_start3A_138 = tpu.memref_slice %arg3[%run_scoped3A, %add3A, %dma_start3A_136, %dma_start3A_137] : memref<2x32x79x128xi32, #tpu.memory_space<hbm>> -> memref<1x1x79x128xi32, #tpu.memory_space<hbm>>
      %dma_start3A_139 = tpu.memref_squeeze %dma_start3A_138 : memref<1x1x79x128xi32, #tpu.memory_space<hbm>> -> memref<79x128xi32, #tpu.memory_space<hbm>>
      %dma_start3A_140 = arith.constant 0 : i32
      %dma_start3A_141 = arith.constant 0 : i32
      %dma_start3A_142 = tpu.memref_slice %arg3[%run_scoped3A, %add3A, %dma_start3A_140, %dma_start3A_141] : memref<2x32x79x128xi32, #tpu.memory_space<hbm>> -> memref<1x1x79x128xi32, #tpu.memory_space<hbm>>
      %dma_start3A_143 = tpu.memref_squeeze %dma_start3A_142 : memref<1x1x79x128xi32, #tpu.memory_space<hbm>> -> memref<79x128xi32, #tpu.memory_space<hbm>>
      tpu.enqueue_dma source(%dma_start3A_143 : memref<79x128xi32, #tpu.memory_space<hbm>>) target(%arg5 : memref<79x128xi32, #tpu.memory_space<vmem>>) target_semaphore(%run_scoped3A_135 : memref<!tpu.dma_semaphore, #tpu.memory_space<semaphore_mem>>)
      %dma_wait3A_144 = arith.constant 0 : i32
      %dma_wait3A_145 = arith.constant 0 : i32
      %dma_wait3A_146 = tpu.memref_slice %arg3[%run_scoped3A, %add3A, %dma_wait3A_144, %dma_wait3A_145] : memref<2x32x79x128xi32, #tpu.memory_space<hbm>> -> memref<1x1x79x128xi32, #tpu.memory_space<hbm>>
      %dma_wait3A_147 = tpu.memref_squeeze %dma_wait3A_146 : memref<1x1x79x128xi32, #tpu.memory_space<hbm>> -> memref<79x128xi32, #tpu.memory_space<hbm>>
      %dma_wait3A_148 = arith.constant 0 : i32
      %dma_wait3A_149 = arith.constant 0 : i32
      %dma_wait3A_150 = tpu.memref_slice %arg3[%run_scoped3A, %add3A, %dma_wait3A_148, %dma_wait3A_149] : memref<2x32x79x128xi32, #tpu.memory_space<hbm>> -> memref<1x1x79x128xi32, #tpu.memory_space<hbm>>
      %dma_wait3A_151 = tpu.memref_squeeze %dma_wait3A_150 : memref<1x1x79x128xi32, #tpu.memory_space<hbm>> -> memref<79x128xi32, #tpu.memory_space<hbm>>
      tpu.wait_dma2 semaphore(%run_scoped3A_135 : memref<!tpu.dma_semaphore, #tpu.memory_space<semaphore_mem>>) src(%dma_wait3A_151 : memref<79x128xi32, #tpu.memory_space<hbm>>) dst(%arg5 : memref<79x128xi32, #tpu.memory_space<vmem>>)
      tpu.yield
    }) : () -> ()
    %run_scoped3A_15 = arith.constant 1 : i32
    "tpu.region"() ({
      %run_scoped3A_135 = tpu.sem_alloc : memref<!tpu.dma_semaphore, #tpu.memory_space<semaphore_mem>>
      %dma_start3A_136 = arith.constant 0 : i32
      %dma_start3A_137 = arith.constant 0 : i32
      %dma_start3A_138 = tpu.memref_slice %arg3[%run_scoped3A_15, %add3A, %dma_start3A_136, %dma_start3A_137] : memref<2x32x79x128xi32, #tpu.memory_space<hbm>> -> memref<1x1x79x128xi32, #tpu.memory_space<hbm>>
      %dma_start3A_139 = tpu.memref_squeeze %dma_start3A_138 : memref<1x1x79x128xi32, #tpu.memory_space<hbm>> -> memref<79x128xi32, #tpu.memory_space<hbm>>
      %dma_start3A_140 = arith.constant 0 : i32
      %dma_start3A_141 = arith.constant 0 : i32
      %dma_start3A_142 = tpu.memref_slice %arg3[%run_scoped3A_15, %add3A, %dma_start3A_140, %dma_start3A_141] : memref<2x32x79x128xi32, #tpu.memory_space<hbm>> -> memref<1x1x79x128xi32, #tpu.memory_space<hbm>>
      %dma_start3A_143 = tpu.memref_squeeze %dma_start3A_142 : memref<1x1x79x128xi32, #tpu.memory_space<hbm>> -> memref<79x128xi32, #tpu.memory_space<hbm>>
      tpu.enqueue_dma source(%dma_start3A_143 : memref<79x128xi32, #tpu.memory_space<hbm>>) target(%arg6 : memref<79x128xi32, #tpu.memory_space<vmem>>) target_semaphore(%run_scoped3A_135 : memref<!tpu.dma_semaphore, #tpu.memory_space<semaphore_mem>>)
      %dma_wait3A_144 = arith.constant 0 : i32
      %dma_wait3A_145 = arith.constant 0 : i32
      %dma_wait3A_146 = tpu.memref_slice %arg3[%run_scoped3A_15, %add3A, %dma_wait3A_144, %dma_wait3A_145] : memref<2x32x79x128xi32, #tpu.memory_space<hbm>> -> memref<1x1x79x128xi32, #tpu.memory_space<hbm>>
      %dma_wait3A_147 = tpu.memref_squeeze %dma_wait3A_146 : memref<1x1x79x128xi32, #tpu.memory_space<hbm>> -> memref<79x128xi32, #tpu.memory_space<hbm>>
      %dma_wait3A_148 = arith.constant 0 : i32
      %dma_wait3A_149 = arith.constant 0 : i32
      %dma_wait3A_150 = tpu.memref_slice %arg3[%run_scoped3A_15, %add3A, %dma_wait3A_148, %dma_wait3A_149] : memref<2x32x79x128xi32, #tpu.memory_space<hbm>> -> memref<1x1x79x128xi32, #tpu.memory_space<hbm>>
      %dma_wait3A_151 = tpu.memref_squeeze %dma_wait3A_150 : memref<1x1x79x128xi32, #tpu.memory_space<hbm>> -> memref<79x128xi32, #tpu.memory_space<hbm>>
      tpu.wait_dma2 semaphore(%run_scoped3A_135 : memref<!tpu.dma_semaphore, #tpu.memory_space<semaphore_mem>>) src(%dma_wait3A_151 : memref<79x128xi32, #tpu.memory_space<hbm>>) dst(%arg6 : memref<79x128xi32, #tpu.memory_space<vmem>>)
      tpu.yield
    }) : () -> ()
    %barrier3A = arith.constant 0 : index
    tpu.barrier barrier_id(%barrier3A)
    %dma_start3A_16 = arith.constant 0 : i32
    %dma_start3A_17 = arith.constant 0 : i32
    %dma_start3A_18 = arith.constant 0 : i32
    %dma_start3A_19 = arith.constant 0 : i32
    %dma_start3A_20 = tpu.memref_slice %arg7[%dma_start3A_17, %dma_start3A_18, %dma_start3A_19] : memref<6x128x16xf32, #tpu.memory_space<vmem>> -> memref<1x128x16xf32, #tpu.memory_space<vmem>>
    %dma_start3A_21 = tpu.memref_squeeze %dma_start3A_20 : memref<1x128x16xf32, #tpu.memory_space<vmem>> -> memref<128x16xf32, #tpu.memory_space<vmem>>
    %dma_start3A_22 = arith.constant 0 : i32
    %dma_start3A_23 = tpu.memref_slice %arg5[%dma_start3A_16, %dma_start3A_22] : memref<79x128xi32, #tpu.memory_space<vmem>> -> memref<1x128xi32, #tpu.memory_space<vmem>>
    %dma_start3A_24 = tpu.memref_squeeze %dma_start3A_23 : memref<1x128xi32, #tpu.memory_space<vmem>> -> memref<128xi32, #tpu.memory_space<vmem>>
    %dma_start3A_25 = arith.constant 0 : i32
    %dma_start3A_26 = arith.constant 0 : i32
    %dma_start3A_27 = tpu.memref_slice %arg9[%dma_start3A_25, %dma_start3A_26] : memref<10240x16xf32, #tpu.memory_space<vmem_shared>> -> memref<10240x16xf32, #tpu.memory_space<vmem_shared>>
    tpu.enqueue_indirect_dma source(%dma_start3A_27 : memref<10240x16xf32, #tpu.memory_space<vmem_shared>>) target(%dma_start3A_21 : memref<128x16xf32, #tpu.memory_space<vmem>>) offsets(%dma_start3A_24 : memref<128xi32, #tpu.memory_space<vmem>>) semaphore(%arg11 : memref<!tpu.dma_semaphore, #tpu.memory_space<semaphore_mem>>)
    %dma_start3A_28 = arith.constant 1 : i32
    %dma_start3A_29 = arith.constant 1 : i32
    %dma_start3A_30 = arith.constant 0 : i32
    %dma_start3A_31 = arith.constant 0 : i32
    %dma_start3A_32 = tpu.memref_slice %arg7[%dma_start3A_29, %dma_start3A_30, %dma_start3A_31] : memref<6x128x16xf32, #tpu.memory_space<vmem>> -> memref<1x128x16xf32, #tpu.memory_space<vmem>>
    %dma_start3A_33 = tpu.memref_squeeze %dma_start3A_32 : memref<1x128x16xf32, #tpu.memory_space<vmem>> -> memref<128x16xf32, #tpu.memory_space<vmem>>
    %dma_start3A_34 = arith.constant 0 : i32
    %dma_start3A_35 = tpu.memref_slice %arg5[%dma_start3A_28, %dma_start3A_34] : memref<79x128xi32, #tpu.memory_space<vmem>> -> memref<1x128xi32, #tpu.memory_space<vmem>>
    %dma_start3A_36 = tpu.memref_squeeze %dma_start3A_35 : memref<1x128xi32, #tpu.memory_space<vmem>> -> memref<128xi32, #tpu.memory_space<vmem>>
    %dma_start3A_37 = arith.constant 0 : i32
    %dma_start3A_38 = arith.constant 0 : i32
    %dma_start3A_39 = tpu.memref_slice %arg9[%dma_start3A_37, %dma_start3A_38] : memref<10240x16xf32, #tpu.memory_space<vmem_shared>> -> memref<10240x16xf32, #tpu.memory_space<vmem_shared>>
    tpu.enqueue_indirect_dma source(%dma_start3A_39 : memref<10240x16xf32, #tpu.memory_space<vmem_shared>>) target(%dma_start3A_33 : memref<128x16xf32, #tpu.memory_space<vmem>>) offsets(%dma_start3A_36 : memref<128xi32, #tpu.memory_space<vmem>>) semaphore(%arg11 : memref<!tpu.dma_semaphore, #tpu.memory_space<semaphore_mem>>)
    %dma_start3A_40 = arith.constant 2 : i32
    %dma_start3A_41 = arith.constant 2 : i32
    %dma_start3A_42 = arith.constant 0 : i32
    %dma_start3A_43 = arith.constant 0 : i32
    %dma_start3A_44 = tpu.memref_slice %arg7[%dma_start3A_41, %dma_start3A_42, %dma_start3A_43] : memref<6x128x16xf32, #tpu.memory_space<vmem>> -> memref<1x128x16xf32, #tpu.memory_space<vmem>>
    %dma_start3A_45 = tpu.memref_squeeze %dma_start3A_44 : memref<1x128x16xf32, #tpu.memory_space<vmem>> -> memref<128x16xf32, #tpu.memory_space<vmem>>
    %dma_start3A_46 = arith.constant 0 : i32
    %dma_start3A_47 = tpu.memref_slice %arg5[%dma_start3A_40, %dma_start3A_46] : memref<79x128xi32, #tpu.memory_space<vmem>> -> memref<1x128xi32, #tpu.memory_space<vmem>>
    %dma_start3A_48 = tpu.memref_squeeze %dma_start3A_47 : memref<1x128xi32, #tpu.memory_space<vmem>> -> memref<128xi32, #tpu.memory_space<vmem>>
    %dma_start3A_49 = arith.constant 0 : i32
    %dma_start3A_50 = arith.constant 0 : i32
    %dma_start3A_51 = tpu.memref_slice %arg9[%dma_start3A_49, %dma_start3A_50] : memref<10240x16xf32, #tpu.memory_space<vmem_shared>> -> memref<10240x16xf32, #tpu.memory_space<vmem_shared>>
    tpu.enqueue_indirect_dma source(%dma_start3A_51 : memref<10240x16xf32, #tpu.memory_space<vmem_shared>>) target(%dma_start3A_45 : memref<128x16xf32, #tpu.memory_space<vmem>>) offsets(%dma_start3A_48 : memref<128xi32, #tpu.memory_space<vmem>>) semaphore(%arg11 : memref<!tpu.dma_semaphore, #tpu.memory_space<semaphore_mem>>)
    %scan3A = arith.constant 0 : i32
    %scan3A_52 = arith.constant 0 : i32
    %scan3A_53 = arith.constant 78 : i32
    %scan3A_54 = arith.addi %scan3A_52, %scan3A_53 : i32
    %scan3A_55 = arith.constant 2 : i32
    scf.for %scan3A_135 = %scan3A_52 to %scan3A_54 step %scan3A_55  : i32 {
      %rem3A_136 = arith.constant 6 : i32
      %rem3A_137 = arith.remsi %scan3A_135, %rem3A_136 : i32
      %dma_wait3A_138 = arith.constant 0 : i32
      %dma_wait3A_139 = arith.constant 0 : i32
      %dma_wait3A_140 = tpu.memref_slice %arg7[%rem3A_137, %dma_wait3A_138, %dma_wait3A_139] : memref<6x128x16xf32, #tpu.memory_space<vmem>> -> memref<1x128x16xf32, #tpu.memory_space<vmem>>
      %dma_wait3A_141 = tpu.memref_squeeze %dma_wait3A_140 : memref<1x128x16xf32, #tpu.memory_space<vmem>> -> memref<128x16xf32, #tpu.memory_space<vmem>>
      %dma_wait3A_142 = arith.constant 0 : i32
      %dma_wait3A_143 = tpu.memref_slice %arg5[%scan3A_135, %dma_wait3A_142] : memref<79x128xi32, #tpu.memory_space<vmem>> -> memref<1x128xi32, #tpu.memory_space<vmem>>
      %dma_wait3A_144 = tpu.memref_squeeze %dma_wait3A_143 : memref<1x128xi32, #tpu.memory_space<vmem>> -> memref<128xi32, #tpu.memory_space<vmem>>
      %dma_wait3A_145 = arith.constant 0 : i32
      %dma_wait3A_146 = arith.constant 0 : i32
      %dma_wait3A_147 = tpu.memref_slice %arg9[%dma_wait3A_145, %dma_wait3A_146] : memref<10240x16xf32, #tpu.memory_space<vmem_shared>> -> memref<10240x16xf32, #tpu.memory_space<vmem_shared>>
      tpu.wait_indirect_dma semaphore(%arg11 : memref<!tpu.dma_semaphore, #tpu.memory_space<semaphore_mem>>) src(%dma_wait3A_147 : memref<10240x16xf32, #tpu.memory_space<vmem_shared>>) dst(%dma_wait3A_141 : memref<128x16xf32, #tpu.memory_space<vmem>>)
      %ge3A_148 = arith.constant 3 : i32
      %ge3A_149 = arith.cmpi sge, %scan3A_135, %ge3A_148 : i32
      %convert_element_type3A_150 = arith.extui %ge3A_149 : i1 to i32
      %cond3A_151 = arith.constant 0 : i32
      %cond3A_152 = arith.cmpi ne, %convert_element_type3A_150, %cond3A_151 : i32
      scf.if %cond3A_152 {
        %add3A_206 = arith.constant 3 : i32
        %add3A_207 = arith.addi %scan3A_135, %add3A_206 : i32
        %rem3A_208 = arith.constant 6 : i32
        %rem3A_209 = arith.remsi %add3A_207, %rem3A_208 : i32
        %sub3A = arith.constant 3 : i32
        %sub3A_210 = arith.subi %scan3A_135, %sub3A : i32
        %dma_wait3A_211 = arith.constant 0 : i32
        %dma_wait3A_212 = arith.constant 0 : i32
        %dma_wait3A_213 = tpu.memref_slice %arg7[%rem3A_209, %dma_wait3A_211, %dma_wait3A_212] : memref<6x128x16xf32, #tpu.memory_space<vmem>> -> memref<1x128x16xf32, #tpu.memory_space<vmem>>
        %dma_wait3A_214 = tpu.memref_squeeze %dma_wait3A_213 : memref<1x128x16xf32, #tpu.memory_space<vmem>> -> memref<128x16xf32, #tpu.memory_space<vmem>>
        %dma_wait3A_215 = arith.constant 0 : i32
        %dma_wait3A_216 = tpu.memref_slice %arg6[%sub3A_210, %dma_wait3A_215] : memref<79x128xi32, #tpu.memory_space<vmem>> -> memref<1x128xi32, #tpu.memory_space<vmem>>
        %dma_wait3A_217 = tpu.memref_squeeze %dma_wait3A_216 : memref<1x128xi32, #tpu.memory_space<vmem>> -> memref<128xi32, #tpu.memory_space<vmem>>
        %dma_wait3A_218 = arith.constant 0 : i32
        %dma_wait3A_219 = arith.constant 0 : i32
        %dma_wait3A_220 = tpu.memref_slice %arg10[%dma_wait3A_218, %dma_wait3A_219] : memref<10240x16xf32, #tpu.memory_space<vmem_shared>> -> memref<10240x16xf32, #tpu.memory_space<vmem_shared>>
        tpu.wait_indirect_dma semaphore(%arg12 : memref<!tpu.dma_semaphore, #tpu.memory_space<semaphore_mem>>) src(%dma_wait3A_214 : memref<128x16xf32, #tpu.memory_space<vmem>>) dst(%dma_wait3A_220 : memref<10240x16xf32, #tpu.memory_space<vmem_shared>>)
      } else {
      }
      %add3A_153 = arith.constant 3 : i32
      %add3A_154 = arith.addi %scan3A_135, %add3A_153 : i32
      %lt3A_155 = arith.constant 79 : i32
      %lt3A_156 = arith.cmpi slt, %add3A_154, %lt3A_155 : i32
      %convert_element_type3A_157 = arith.extui %lt3A_156 : i1 to i32
      %cond3A_158 = arith.constant 0 : i32
      %cond3A_159 = arith.cmpi ne, %convert_element_type3A_157, %cond3A_158 : i32
      scf.if %cond3A_159 {
        %add3A_206 = arith.constant 3 : i32
        %add3A_207 = arith.addi %scan3A_135, %add3A_206 : i32
        %add3A_208 = arith.constant 3 : i32
        %add3A_209 = arith.addi %scan3A_135, %add3A_208 : i32
        %rem3A_210 = arith.constant 6 : i32
        %rem3A_211 = arith.remsi %add3A_209, %rem3A_210 : i32
        %dma_start3A_212 = arith.constant 0 : i32
        %dma_start3A_213 = arith.constant 0 : i32
        %dma_start3A_214 = tpu.memref_slice %arg7[%rem3A_211, %dma_start3A_212, %dma_start3A_213] : memref<6x128x16xf32, #tpu.memory_space<vmem>> -> memref<1x128x16xf32, #tpu.memory_space<vmem>>
        %dma_start3A_215 = tpu.memref_squeeze %dma_start3A_214 : memref<1x128x16xf32, #tpu.memory_space<vmem>> -> memref<128x16xf32, #tpu.memory_space<vmem>>
        %dma_start3A_216 = arith.constant 0 : i32
        %dma_start3A_217 = tpu.memref_slice %arg5[%add3A_207, %dma_start3A_216] : memref<79x128xi32, #tpu.memory_space<vmem>> -> memref<1x128xi32, #tpu.memory_space<vmem>>
        %dma_start3A_218 = tpu.memref_squeeze %dma_start3A_217 : memref<1x128xi32, #tpu.memory_space<vmem>> -> memref<128xi32, #tpu.memory_space<vmem>>
        %dma_start3A_219 = arith.constant 0 : i32
        %dma_start3A_220 = arith.constant 0 : i32
        %dma_start3A_221 = tpu.memref_slice %arg9[%dma_start3A_219, %dma_start3A_220] : memref<10240x16xf32, #tpu.memory_space<vmem_shared>> -> memref<10240x16xf32, #tpu.memory_space<vmem_shared>>
        tpu.enqueue_indirect_dma source(%dma_start3A_221 : memref<10240x16xf32, #tpu.memory_space<vmem_shared>>) target(%dma_start3A_215 : memref<128x16xf32, #tpu.memory_space<vmem>>) offsets(%dma_start3A_218 : memref<128xi32, #tpu.memory_space<vmem>>) semaphore(%arg11 : memref<!tpu.dma_semaphore, #tpu.memory_space<semaphore_mem>>)
      } else {
      }
      %dma_start3A_160 = arith.constant 0 : i32
      %dma_start3A_161 = arith.constant 0 : i32
      %dma_start3A_162 = tpu.memref_slice %arg7[%rem3A_137, %dma_start3A_160, %dma_start3A_161] : memref<6x128x16xf32, #tpu.memory_space<vmem>> -> memref<1x128x16xf32, #tpu.memory_space<vmem>>
      %dma_start3A_163 = tpu.memref_squeeze %dma_start3A_162 : memref<1x128x16xf32, #tpu.memory_space<vmem>> -> memref<128x16xf32, #tpu.memory_space<vmem>>
      %dma_start3A_164 = arith.constant 0 : i32
      %dma_start3A_165 = tpu.memref_slice %arg6[%scan3A_135, %dma_start3A_164] : memref<79x128xi32, #tpu.memory_space<vmem>> -> memref<1x128xi32, #tpu.memory_space<vmem>>
      %dma_start3A_166 = tpu.memref_squeeze %dma_start3A_165 : memref<1x128xi32, #tpu.memory_space<vmem>> -> memref<128xi32, #tpu.memory_space<vmem>>
      %dma_start3A_167 = arith.constant 0 : i32
      %dma_start3A_168 = arith.constant 0 : i32
      %dma_start3A_169 = tpu.memref_slice %arg10[%dma_start3A_167, %dma_start3A_168] : memref<10240x16xf32, #tpu.memory_space<vmem_shared>> -> memref<10240x16xf32, #tpu.memory_space<vmem_shared>>
      tpu.enqueue_indirect_dma source(%dma_start3A_163 : memref<128x16xf32, #tpu.memory_space<vmem>>) target(%dma_start3A_169 : memref<10240x16xf32, #tpu.memory_space<vmem_shared>>) offsets(%dma_start3A_166 : memref<128xi32, #tpu.memory_space<vmem>>) semaphore(%arg12 : memref<!tpu.dma_semaphore, #tpu.memory_space<semaphore_mem>>) {add = true}
      %scan3A_170 = arith.constant 1 : i32
      %scan3A_171 = arith.addi %scan3A_135, %scan3A_170 : i32
      %rem3A_172 = arith.constant 6 : i32
      %rem3A_173 = arith.remsi %scan3A_171, %rem3A_172 : i32
      %dma_wait3A_174 = arith.constant 0 : i32
      %dma_wait3A_175 = arith.constant 0 : i32
      %dma_wait3A_176 = tpu.memref_slice %arg7[%rem3A_173, %dma_wait3A_174, %dma_wait3A_175] : memref<6x128x16xf32, #tpu.memory_space<vmem>> -> memref<1x128x16xf32, #tpu.memory_space<vmem>>
      %dma_wait3A_177 = tpu.memref_squeeze %dma_wait3A_176 : memref<1x128x16xf32, #tpu.memory_space<vmem>> -> memref<128x16xf32, #tpu.memory_space<vmem>>
      %dma_wait3A_178 = arith.constant 0 : i32
      %dma_wait3A_179 = tpu.memref_slice %arg5[%scan3A_171, %dma_wait3A_178] : memref<79x128xi32, #tpu.memory_space<vmem>> -> memref<1x128xi32, #tpu.memory_space<vmem>>
      %dma_wait3A_180 = tpu.memref_squeeze %dma_wait3A_179 : memref<1x128xi32, #tpu.memory_space<vmem>> -> memref<128xi32, #tpu.memory_space<vmem>>
      %dma_wait3A_181 = arith.constant 0 : i32
      %dma_wait3A_182 = arith.constant 0 : i32
      %dma_wait3A_183 = tpu.memref_slice %arg9[%dma_wait3A_181, %dma_wait3A_182] : memref<10240x16xf32, #tpu.memory_space<vmem_shared>> -> memref<10240x16xf32, #tpu.memory_space<vmem_shared>>
      tpu.wait_indirect_dma semaphore(%arg11 : memref<!tpu.dma_semaphore, #tpu.memory_space<semaphore_mem>>) src(%dma_wait3A_183 : memref<10240x16xf32, #tpu.memory_space<vmem_shared>>) dst(%dma_wait3A_177 : memref<128x16xf32, #tpu.memory_space<vmem>>)
      %ge3A_184 = arith.constant 3 : i32
      %ge3A_185 = arith.cmpi sge, %scan3A_171, %ge3A_184 : i32
      %convert_element_type3A_186 = arith.extui %ge3A_185 : i1 to i32
      %cond3A_187 = arith.constant 0 : i32
      %cond3A_188 = arith.cmpi ne, %convert_element_type3A_186, %cond3A_187 : i32
      scf.if %cond3A_188 {
        %add3A_206 = arith.constant 3 : i32
        %add3A_207 = arith.addi %scan3A_171, %add3A_206 : i32
        %rem3A_208 = arith.constant 6 : i32
        %rem3A_209 = arith.remsi %add3A_207, %rem3A_208 : i32
        %sub3A = arith.constant 3 : i32
        %sub3A_210 = arith.subi %scan3A_171, %sub3A : i32
        %dma_wait3A_211 = arith.constant 0 : i32
        %dma_wait3A_212 = arith.constant 0 : i32
        %dma_wait3A_213 = tpu.memref_slice %arg7[%rem3A_209, %dma_wait3A_211, %dma_wait3A_212] : memref<6x128x16xf32, #tpu.memory_space<vmem>> -> memref<1x128x16xf32, #tpu.memory_space<vmem>>
        %dma_wait3A_214 = tpu.memref_squeeze %dma_wait3A_213 : memref<1x128x16xf32, #tpu.memory_space<vmem>> -> memref<128x16xf32, #tpu.memory_space<vmem>>
        %dma_wait3A_215 = arith.constant 0 : i32
        %dma_wait3A_216 = tpu.memref_slice %arg6[%sub3A_210, %dma_wait3A_215] : memref<79x128xi32, #tpu.memory_space<vmem>> -> memref<1x128xi32, #tpu.memory_space<vmem>>
        %dma_wait3A_217 = tpu.memref_squeeze %dma_wait3A_216 : memref<1x128xi32, #tpu.memory_space<vmem>> -> memref<128xi32, #tpu.memory_space<vmem>>
        %dma_wait3A_218 = arith.constant 0 : i32
        %dma_wait3A_219 = arith.constant 0 : i32
        %dma_wait3A_220 = tpu.memref_slice %arg10[%dma_wait3A_218, %dma_wait3A_219] : memref<10240x16xf32, #tpu.memory_space<vmem_shared>> -> memref<10240x16xf32, #tpu.memory_space<vmem_shared>>
        tpu.wait_indirect_dma semaphore(%arg12 : memref<!tpu.dma_semaphore, #tpu.memory_space<semaphore_mem>>) src(%dma_wait3A_214 : memref<128x16xf32, #tpu.memory_space<vmem>>) dst(%dma_wait3A_220 : memref<10240x16xf32, #tpu.memory_space<vmem_shared>>)
      } else {
      }
      %add3A_189 = arith.constant 3 : i32
      %add3A_190 = arith.addi %scan3A_171, %add3A_189 : i32
      %lt3A_191 = arith.constant 79 : i32
      %lt3A_192 = arith.cmpi slt, %add3A_190, %lt3A_191 : i32
      %convert_element_type3A_193 = arith.extui %lt3A_192 : i1 to i32
      %cond3A_194 = arith.constant 0 : i32
      %cond3A_195 = arith.cmpi ne, %convert_element_type3A_193, %cond3A_194 : i32
      scf.if %cond3A_195 {
        %add3A_206 = arith.constant 3 : i32
        %add3A_207 = arith.addi %scan3A_171, %add3A_206 : i32
        %add3A_208 = arith.constant 3 : i32
        %add3A_209 = arith.addi %scan3A_171, %add3A_208 : i32
        %rem3A_210 = arith.constant 6 : i32
        %rem3A_211 = arith.remsi %add3A_209, %rem3A_210 : i32
        %dma_start3A_212 = arith.constant 0 : i32
        %dma_start3A_213 = arith.constant 0 : i32
        %dma_start3A_214 = tpu.memref_slice %arg7[%rem3A_211, %dma_start3A_212, %dma_start3A_213] : memref<6x128x16xf32, #tpu.memory_space<vmem>> -> memref<1x128x16xf32, #tpu.memory_space<vmem>>
        %dma_start3A_215 = tpu.memref_squeeze %dma_start3A_214 : memref<1x128x16xf32, #tpu.memory_space<vmem>> -> memref<128x16xf32, #tpu.memory_space<vmem>>
        %dma_start3A_216 = arith.constant 0 : i32
        %dma_start3A_217 = tpu.memref_slice %arg5[%add3A_207, %dma_start3A_216] : memref<79x128xi32, #tpu.memory_space<vmem>> -> memref<1x128xi32, #tpu.memory_space<vmem>>
        %dma_start3A_218 = tpu.memref_squeeze %dma_start3A_217 : memref<1x128xi32, #tpu.memory_space<vmem>> -> memref<128xi32, #tpu.memory_space<vmem>>
        %dma_start3A_219 = arith.constant 0 : i32
        %dma_start3A_220 = arith.constant 0 : i32
        %dma_start3A_221 = tpu.memref_slice %arg9[%dma_start3A_219, %dma_start3A_220] : memref<10240x16xf32, #tpu.memory_space<vmem_shared>> -> memref<10240x16xf32, #tpu.memory_space<vmem_shared>>
        tpu.enqueue_indirect_dma source(%dma_start3A_221 : memref<10240x16xf32, #tpu.memory_space<vmem_shared>>) target(%dma_start3A_215 : memref<128x16xf32, #tpu.memory_space<vmem>>) offsets(%dma_start3A_218 : memref<128xi32, #tpu.memory_space<vmem>>) semaphore(%arg11 : memref<!tpu.dma_semaphore, #tpu.memory_space<semaphore_mem>>)
      } else {
      }
      %dma_start3A_196 = arith.constant 0 : i32
      %dma_start3A_197 = arith.constant 0 : i32
      %dma_start3A_198 = tpu.memref_slice %arg7[%rem3A_173, %dma_start3A_196, %dma_start3A_197] : memref<6x128x16xf32, #tpu.memory_space<vmem>> -> memref<1x128x16xf32, #tpu.memory_space<vmem>>
      %dma_start3A_199 = tpu.memref_squeeze %dma_start3A_198 : memref<1x128x16xf32, #tpu.memory_space<vmem>> -> memref<128x16xf32, #tpu.memory_space<vmem>>
      %dma_start3A_200 = arith.constant 0 : i32
      %dma_start3A_201 = tpu.memref_slice %arg6[%scan3A_171, %dma_start3A_200] : memref<79x128xi32, #tpu.memory_space<vmem>> -> memref<1x128xi32, #tpu.memory_space<vmem>>
      %dma_start3A_202 = tpu.memref_squeeze %dma_start3A_201 : memref<1x128xi32, #tpu.memory_space<vmem>> -> memref<128xi32, #tpu.memory_space<vmem>>
      %dma_start3A_203 = arith.constant 0 : i32
      %dma_start3A_204 = arith.constant 0 : i32
      %dma_start3A_205 = tpu.memref_slice %arg10[%dma_start3A_203, %dma_start3A_204] : memref<10240x16xf32, #tpu.memory_space<vmem_shared>> -> memref<10240x16xf32, #tpu.memory_space<vmem_shared>>
      tpu.enqueue_indirect_dma source(%dma_start3A_199 : memref<128x16xf32, #tpu.memory_space<vmem>>) target(%dma_start3A_205 : memref<10240x16xf32, #tpu.memory_space<vmem_shared>>) offsets(%dma_start3A_202 : memref<128xi32, #tpu.memory_space<vmem>>) semaphore(%arg12 : memref<!tpu.dma_semaphore, #tpu.memory_space<semaphore_mem>>) {add = true}
    }
    %scan3A_56 = arith.constant 78 : i32
    %scan3A_57 = arith.addi %scan3A_52, %scan3A_56 : i32
    %rem3A = arith.constant 6 : i32
    %rem3A_58 = arith.remsi %scan3A_57, %rem3A : i32
    %dma_wait3A_59 = arith.constant 0 : i32
    %dma_wait3A_60 = arith.constant 0 : i32
    %dma_wait3A_61 = tpu.memref_slice %arg7[%rem3A_58, %dma_wait3A_59, %dma_wait3A_60] : memref<6x128x16xf32, #tpu.memory_space<vmem>> -> memref<1x128x16xf32, #tpu.memory_space<vmem>>
    %dma_wait3A_62 = tpu.memref_squeeze %dma_wait3A_61 : memref<1x128x16xf32, #tpu.memory_space<vmem>> -> memref<128x16xf32, #tpu.memory_space<vmem>>
    %dma_wait3A_63 = arith.constant 0 : i32
    %dma_wait3A_64 = tpu.memref_slice %arg5[%scan3A_57, %dma_wait3A_63] : memref<79x128xi32, #tpu.memory_space<vmem>> -> memref<1x128xi32, #tpu.memory_space<vmem>>
    %dma_wait3A_65 = tpu.memref_squeeze %dma_wait3A_64 : memref<1x128xi32, #tpu.memory_space<vmem>> -> memref<128xi32, #tpu.memory_space<vmem>>
    %dma_wait3A_66 = arith.constant 0 : i32
    %dma_wait3A_67 = arith.constant 0 : i32
    %dma_wait3A_68 = tpu.memref_slice %arg9[%dma_wait3A_66, %dma_wait3A_67] : memref<10240x16xf32, #tpu.memory_space<vmem_shared>> -> memref<10240x16xf32, #tpu.memory_space<vmem_shared>>
    tpu.wait_indirect_dma semaphore(%arg11 : memref<!tpu.dma_semaphore, #tpu.memory_space<semaphore_mem>>) src(%dma_wait3A_68 : memref<10240x16xf32, #tpu.memory_space<vmem_shared>>) dst(%dma_wait3A_62 : memref<128x16xf32, #tpu.memory_space<vmem>>)
    %ge3A = arith.constant 3 : i32
    %ge3A_69 = arith.cmpi sge, %scan3A_57, %ge3A : i32
    %convert_element_type3A = arith.extui %ge3A_69 : i1 to i32
    %cond3A = arith.constant 0 : i32
    %cond3A_70 = arith.cmpi ne, %convert_element_type3A, %cond3A : i32
    scf.if %cond3A_70 {
      %add3A_135 = arith.constant 3 : i32
      %add3A_136 = arith.addi %scan3A_57, %add3A_135 : i32
      %rem3A_137 = arith.constant 6 : i32
      %rem3A_138 = arith.remsi %add3A_136, %rem3A_137 : i32
      %sub3A = arith.constant 3 : i32
      %sub3A_139 = arith.subi %scan3A_57, %sub3A : i32
      %dma_wait3A_140 = arith.constant 0 : i32
      %dma_wait3A_141 = arith.constant 0 : i32
      %dma_wait3A_142 = tpu.memref_slice %arg7[%rem3A_138, %dma_wait3A_140, %dma_wait3A_141] : memref<6x128x16xf32, #tpu.memory_space<vmem>> -> memref<1x128x16xf32, #tpu.memory_space<vmem>>
      %dma_wait3A_143 = tpu.memref_squeeze %dma_wait3A_142 : memref<1x128x16xf32, #tpu.memory_space<vmem>> -> memref<128x16xf32, #tpu.memory_space<vmem>>
      %dma_wait3A_144 = arith.constant 0 : i32
      %dma_wait3A_145 = tpu.memref_slice %arg6[%sub3A_139, %dma_wait3A_144] : memref<79x128xi32, #tpu.memory_space<vmem>> -> memref<1x128xi32, #tpu.memory_space<vmem>>
      %dma_wait3A_146 = tpu.memref_squeeze %dma_wait3A_145 : memref<1x128xi32, #tpu.memory_space<vmem>> -> memref<128xi32, #tpu.memory_space<vmem>>
      %dma_wait3A_147 = arith.constant 0 : i32
      %dma_wait3A_148 = arith.constant 0 : i32
      %dma_wait3A_149 = tpu.memref_slice %arg10[%dma_wait3A_147, %dma_wait3A_148] : memref<10240x16xf32, #tpu.memory_space<vmem_shared>> -> memref<10240x16xf32, #tpu.memory_space<vmem_shared>>
      tpu.wait_indirect_dma semaphore(%arg12 : memref<!tpu.dma_semaphore, #tpu.memory_space<semaphore_mem>>) src(%dma_wait3A_143 : memref<128x16xf32, #tpu.memory_space<vmem>>) dst(%dma_wait3A_149 : memref<10240x16xf32, #tpu.memory_space<vmem_shared>>)
    } else {
    }
    %add3A_71 = arith.constant 3 : i32
    %add3A_72 = arith.addi %scan3A_57, %add3A_71 : i32
    %lt3A = arith.constant 79 : i32
    %lt3A_73 = arith.cmpi slt, %add3A_72, %lt3A : i32
    %convert_element_type3A_74 = arith.extui %lt3A_73 : i1 to i32
    %cond3A_75 = arith.constant 0 : i32
    %cond3A_76 = arith.cmpi ne, %convert_element_type3A_74, %cond3A_75 : i32
    scf.if %cond3A_76 {
      %add3A_135 = arith.constant 3 : i32
      %add3A_136 = arith.addi %scan3A_57, %add3A_135 : i32
      %add3A_137 = arith.constant 3 : i32
      %add3A_138 = arith.addi %scan3A_57, %add3A_137 : i32
      %rem3A_139 = arith.constant 6 : i32
      %rem3A_140 = arith.remsi %add3A_138, %rem3A_139 : i32
      %dma_start3A_141 = arith.constant 0 : i32
      %dma_start3A_142 = arith.constant 0 : i32
      %dma_start3A_143 = tpu.memref_slice %arg7[%rem3A_140, %dma_start3A_141, %dma_start3A_142] : memref<6x128x16xf32, #tpu.memory_space<vmem>> -> memref<1x128x16xf32, #tpu.memory_space<vmem>>
      %dma_start3A_144 = tpu.memref_squeeze %dma_start3A_143 : memref<1x128x16xf32, #tpu.memory_space<vmem>> -> memref<128x16xf32, #tpu.memory_space<vmem>>
      %dma_start3A_145 = arith.constant 0 : i32
      %dma_start3A_146 = tpu.memref_slice %arg5[%add3A_136, %dma_start3A_145] : memref<79x128xi32, #tpu.memory_space<vmem>> -> memref<1x128xi32, #tpu.memory_space<vmem>>
      %dma_start3A_147 = tpu.memref_squeeze %dma_start3A_146 : memref<1x128xi32, #tpu.memory_space<vmem>> -> memref<128xi32, #tpu.memory_space<vmem>>
      %dma_start3A_148 = arith.constant 0 : i32
      %dma_start3A_149 = arith.constant 0 : i32
      %dma_start3A_150 = tpu.memref_slice %arg9[%dma_start3A_148, %dma_start3A_149] : memref<10240x16xf32, #tpu.memory_space<vmem_shared>> -> memref<10240x16xf32, #tpu.memory_space<vmem_shared>>
      tpu.enqueue_indirect_dma source(%dma_start3A_150 : memref<10240x16xf32, #tpu.memory_space<vmem_shared>>) target(%dma_start3A_144 : memref<128x16xf32, #tpu.memory_space<vmem>>) offsets(%dma_start3A_147 : memref<128xi32, #tpu.memory_space<vmem>>) semaphore(%arg11 : memref<!tpu.dma_semaphore, #tpu.memory_space<semaphore_mem>>)
    } else {
    }
    %dma_start3A_77 = arith.constant 0 : i32
    %dma_start3A_78 = arith.constant 0 : i32
    %dma_start3A_79 = tpu.memref_slice %arg7[%rem3A_58, %dma_start3A_77, %dma_start3A_78] : memref<6x128x16xf32, #tpu.memory_space<vmem>> -> memref<1x128x16xf32, #tpu.memory_space<vmem>>
    %dma_start3A_80 = tpu.memref_squeeze %dma_start3A_79 : memref<1x128x16xf32, #tpu.memory_space<vmem>> -> memref<128x16xf32, #tpu.memory_space<vmem>>
    %dma_start3A_81 = arith.constant 0 : i32
    %dma_start3A_82 = tpu.memref_slice %arg6[%scan3A_57, %dma_start3A_81] : memref<79x128xi32, #tpu.memory_space<vmem>> -> memref<1x128xi32, #tpu.memory_space<vmem>>
    %dma_start3A_83 = tpu.memref_squeeze %dma_start3A_82 : memref<1x128xi32, #tpu.memory_space<vmem>> -> memref<128xi32, #tpu.memory_space<vmem>>
    %dma_start3A_84 = arith.constant 0 : i32
    %dma_start3A_85 = arith.constant 0 : i32
    %dma_start3A_86 = tpu.memref_slice %arg10[%dma_start3A_84, %dma_start3A_85] : memref<10240x16xf32, #tpu.memory_space<vmem_shared>> -> memref<10240x16xf32, #tpu.memory_space<vmem_shared>>
    tpu.enqueue_indirect_dma source(%dma_start3A_80 : memref<128x16xf32, #tpu.memory_space<vmem>>) target(%dma_start3A_86 : memref<10240x16xf32, #tpu.memory_space<vmem_shared>>) offsets(%dma_start3A_83 : memref<128xi32, #tpu.memory_space<vmem>>) semaphore(%arg12 : memref<!tpu.dma_semaphore, #tpu.memory_space<semaphore_mem>>) {add = true}
    %scan3A_87 = arith.constant 79 : i32
    %rem3A_88 = arith.constant 76 : i32
    %rem3A_89 = arith.constant 6 : i32
    %rem3A_90 = arith.remsi %rem3A_88, %rem3A_89 : i32
    %dma_wait3A_91 = arith.constant 76 : i32
    %dma_wait3A_92 = arith.constant 0 : i32
    %dma_wait3A_93 = arith.constant 0 : i32
    %dma_wait3A_94 = tpu.memref_slice %arg7[%rem3A_90, %dma_wait3A_92, %dma_wait3A_93] : memref<6x128x16xf32, #tpu.memory_space<vmem>> -> memref<1x128x16xf32, #tpu.memory_space<vmem>>
    %dma_wait3A_95 = tpu.memref_squeeze %dma_wait3A_94 : memref<1x128x16xf32, #tpu.memory_space<vmem>> -> memref<128x16xf32, #tpu.memory_space<vmem>>
    %dma_wait3A_96 = arith.constant 0 : i32
    %dma_wait3A_97 = tpu.memref_slice %arg6[%dma_wait3A_91, %dma_wait3A_96] : memref<79x128xi32, #tpu.memory_space<vmem>> -> memref<1x128xi32, #tpu.memory_space<vmem>>
    %dma_wait3A_98 = tpu.memref_squeeze %dma_wait3A_97 : memref<1x128xi32, #tpu.memory_space<vmem>> -> memref<128xi32, #tpu.memory_space<vmem>>
    %dma_wait3A_99 = arith.constant 0 : i32
    %dma_wait3A_100 = arith.constant 0 : i32
    %dma_wait3A_101 = tpu.memref_slice %arg10[%dma_wait3A_99, %dma_wait3A_100] : memref<10240x16xf32, #tpu.memory_space<vmem_shared>> -> memref<10240x16xf32, #tpu.memory_space<vmem_shared>>
    tpu.wait_indirect_dma semaphore(%arg12 : memref<!tpu.dma_semaphore, #tpu.memory_space<semaphore_mem>>) src(%dma_wait3A_95 : memref<128x16xf32, #tpu.memory_space<vmem>>) dst(%dma_wait3A_101 : memref<10240x16xf32, #tpu.memory_space<vmem_shared>>)
    %rem3A_102 = arith.constant 77 : i32
    %rem3A_103 = arith.constant 6 : i32
    %rem3A_104 = arith.remsi %rem3A_102, %rem3A_103 : i32
    %dma_wait3A_105 = arith.constant 77 : i32
    %dma_wait3A_106 = arith.constant 0 : i32
    %dma_wait3A_107 = arith.constant 0 : i32
    %dma_wait3A_108 = tpu.memref_slice %arg7[%rem3A_104, %dma_wait3A_106, %dma_wait3A_107] : memref<6x128x16xf32, #tpu.memory_space<vmem>> -> memref<1x128x16xf32, #tpu.memory_space<vmem>>
    %dma_wait3A_109 = tpu.memref_squeeze %dma_wait3A_108 : memref<1x128x16xf32, #tpu.memory_space<vmem>> -> memref<128x16xf32, #tpu.memory_space<vmem>>
    %dma_wait3A_110 = arith.constant 0 : i32
    %dma_wait3A_111 = tpu.memref_slice %arg6[%dma_wait3A_105, %dma_wait3A_110] : memref<79x128xi32, #tpu.memory_space<vmem>> -> memref<1x128xi32, #tpu.memory_space<vmem>>
    %dma_wait3A_112 = tpu.memref_squeeze %dma_wait3A_111 : memref<1x128xi32, #tpu.memory_space<vmem>> -> memref<128xi32, #tpu.memory_space<vmem>>
    %dma_wait3A_113 = arith.constant 0 : i32
    %dma_wait3A_114 = arith.constant 0 : i32
    %dma_wait3A_115 = tpu.memref_slice %arg10[%dma_wait3A_113, %dma_wait3A_114] : memref<10240x16xf32, #tpu.memory_space<vmem_shared>> -> memref<10240x16xf32, #tpu.memory_space<vmem_shared>>
    tpu.wait_indirect_dma semaphore(%arg12 : memref<!tpu.dma_semaphore, #tpu.memory_space<semaphore_mem>>) src(%dma_wait3A_109 : memref<128x16xf32, #tpu.memory_space<vmem>>) dst(%dma_wait3A_115 : memref<10240x16xf32, #tpu.memory_space<vmem_shared>>)
    %rem3A_116 = arith.constant 78 : i32
    %rem3A_117 = arith.constant 6 : i32
    %rem3A_118 = arith.remsi %rem3A_116, %rem3A_117 : i32
    %dma_wait3A_119 = arith.constant 78 : i32
    %dma_wait3A_120 = arith.constant 0 : i32
    %dma_wait3A_121 = arith.constant 0 : i32
    %dma_wait3A_122 = tpu.memref_slice %arg7[%rem3A_118, %dma_wait3A_120, %dma_wait3A_121] : memref<6x128x16xf32, #tpu.memory_space<vmem>> -> memref<1x128x16xf32, #tpu.memory_space<vmem>>
    %dma_wait3A_123 = tpu.memref_squeeze %dma_wait3A_122 : memref<1x128x16xf32, #tpu.memory_space<vmem>> -> memref<128x16xf32, #tpu.memory_space<vmem>>
    %dma_wait3A_124 = arith.constant 0 : i32
    %dma_wait3A_125 = tpu.memref_slice %arg6[%dma_wait3A_119, %dma_wait3A_124] : memref<79x128xi32, #tpu.memory_space<vmem>> -> memref<1x128xi32, #tpu.memory_space<vmem>>
    %dma_wait3A_126 = tpu.memref_squeeze %dma_wait3A_125 : memref<1x128xi32, #tpu.memory_space<vmem>> -> memref<128xi32, #tpu.memory_space<vmem>>
    %dma_wait3A_127 = arith.constant 0 : i32
    %dma_wait3A_128 = arith.constant 0 : i32
    %dma_wait3A_129 = tpu.memref_slice %arg10[%dma_wait3A_127, %dma_wait3A_128] : memref<10240x16xf32, #tpu.memory_space<vmem_shared>> -> memref<10240x16xf32, #tpu.memory_space<vmem_shared>>
    tpu.wait_indirect_dma semaphore(%arg12 : memref<!tpu.dma_semaphore, #tpu.memory_space<semaphore_mem>>) src(%dma_wait3A_123 : memref<128x16xf32, #tpu.memory_space<vmem>>) dst(%dma_wait3A_129 : memref<10240x16xf32, #tpu.memory_space<vmem_shared>>)
    %barrier3A_130 = arith.constant 0 : index
    tpu.barrier barrier_id(%barrier3A_130)
    %mul3A_131 = arith.constant 640 : i32
    %mul3A_132 = arith.muli %arg1, %mul3A_131 : i32
    %mul3A_133 = arith.constant 640 : i32
    %mul3A_134 = arith.muli %arg1, %mul3A_133 : i32
    "tpu.region"() ({
      %run_scoped3A_135 = tpu.sem_alloc : memref<!tpu.dma_semaphore, #tpu.memory_space<semaphore_mem>>
      %dma_start3A_136 = arith.constant 0 : i32
      %dma_start3A_137 = tpu.memref_slice %arg4[%arg0, %mul3A_134, %dma_start3A_136] : memref<2x10240x16xf32, #tpu.memory_space<hbm>> -> memref<1x640x16xf32, #tpu.memory_space<hbm>>
      %dma_start3A_138 = tpu.memref_squeeze %dma_start3A_137 : memref<1x640x16xf32, #tpu.memory_space<hbm>> -> memref<640x16xf32, #tpu.memory_space<hbm>>
      %dma_start3A_139 = arith.constant 0 : i32
      %dma_start3A_140 = tpu.memref_slice %arg10[%mul3A_132, %dma_start3A_139] : memref<10240x16xf32, #tpu.memory_space<vmem_shared>> -> memref<640x16xf32, #tpu.memory_space<vmem_shared>>
      tpu.enqueue_dma source(%dma_start3A_140 : memref<640x16xf32, #tpu.memory_space<vmem_shared>>) target(%dma_start3A_138 : memref<640x16xf32, #tpu.memory_space<hbm>>) target_semaphore(%run_scoped3A_135 : memref<!tpu.dma_semaphore, #tpu.memory_space<semaphore_mem>>)
      %dma_wait3A_141 = arith.constant 0 : i32
      %dma_wait3A_142 = tpu.memref_slice %arg4[%arg0, %mul3A_134, %dma_wait3A_141] : memref<2x10240x16xf32, #tpu.memory_space<hbm>> -> memref<1x640x16xf32, #tpu.memory_space<hbm>>
      %dma_wait3A_143 = tpu.memref_squeeze %dma_wait3A_142 : memref<1x640x16xf32, #tpu.memory_space<hbm>> -> memref<640x16xf32, #tpu.memory_space<hbm>>
      %dma_wait3A_144 = arith.constant 0 : i32
      %dma_wait3A_145 = tpu.memref_slice %arg10[%mul3A_132, %dma_wait3A_144] : memref<10240x16xf32, #tpu.memory_space<vmem_shared>> -> memref<640x16xf32, #tpu.memory_space<vmem_shared>>
      tpu.wait_dma2 semaphore(%run_scoped3A_135 : memref<!tpu.dma_semaphore, #tpu.memory_space<semaphore_mem>>) src(%dma_wait3A_145 : memref<640x16xf32, #tpu.memory_space<vmem_shared>>) dst(%dma_wait3A_143 : memref<640x16xf32, #tpu.memory_space<hbm>>)
      tpu.yield
    }) : () -> ()
    return
  }
}

#map = affine_map<(d0, d1) -> (0, 0, 0)>
#map1 = affine_map<(d0, d1) -> (0, 0)>
module attributes {stable_mosaic.version = 14 : i64} {
  func.func @_combine_sc_body(%arg0: i32, %arg1: i32, %arg2: memref<2x10240x8xf32, #tpu.memory_space<hbm>>, %arg3: memref<10000x7xf32, #tpu.memory_space<hbm>>, %arg4: memref<2x400x8xf32, #tpu.memory_space<vmem>>, %arg5: memref<400x7xf32, #tpu.memory_space<vmem>>) attributes {dimension_semantics = [#tpu.dimension_semantics<core_parallel>, #tpu.dimension_semantics<subcore_parallel>], iteration_bounds = array<i64: 2, 16>, scalar_prefetch = 0 : i64, scratch_operands = 2 : i64, tpu.core_type = #tpu.core_type<sc_vector_subcore>, window_params = [{transform_indices = #map}, {transform_indices = #map1}]} {
    %mul3A = arith.constant 2 : i32
    %mul3A_0 = arith.muli %arg1, %mul3A : i32
    %add3A = arith.addi %mul3A_0, %arg0 : i32
    %lt3A = arith.constant 25 : i32
    %lt3A_1 = arith.cmpi slt, %add3A, %lt3A : i32
    %convert_element_type3A = arith.extui %lt3A_1 : i1 to i32
    %cond3A = arith.constant 0 : i32
    %cond3A_2 = arith.cmpi ne, %convert_element_type3A, %cond3A : i32
    scf.if %cond3A_2 {
      %mul3A_3 = arith.constant 400 : i32
      %mul3A_4 = arith.muli %add3A, %mul3A_3 : i32
      %run_scoped3A = arith.constant 0 : i32
      %run_scoped3A_5 = arith.constant 0 : i32
      "tpu.region"() ({
        %run_scoped3A_11 = tpu.sem_alloc : memref<!tpu.dma_semaphore, #tpu.memory_space<semaphore_mem>>
        %dma_start3A = arith.constant 0 : i32
        %dma_start3A_12 = arith.constant 0 : i32
        %dma_start3A_13 = tpu.memref_slice %arg4[%run_scoped3A_5, %dma_start3A, %dma_start3A_12] : memref<2x400x8xf32, #tpu.memory_space<vmem>> -> memref<1x400x8xf32, #tpu.memory_space<vmem>>
        %dma_start3A_14 = tpu.memref_squeeze %dma_start3A_13 : memref<1x400x8xf32, #tpu.memory_space<vmem>> -> memref<400x8xf32, #tpu.memory_space<vmem>>
        %dma_start3A_15 = arith.constant 0 : i32
        %dma_start3A_16 = tpu.memref_slice %arg2[%run_scoped3A, %mul3A_4, %dma_start3A_15] : memref<2x10240x8xf32, #tpu.memory_space<hbm>> -> memref<1x400x8xf32, #tpu.memory_space<hbm>>
        %dma_start3A_17 = tpu.memref_squeeze %dma_start3A_16 : memref<1x400x8xf32, #tpu.memory_space<hbm>> -> memref<400x8xf32, #tpu.memory_space<hbm>>
        %dma_start3A_18 = arith.constant 0 : i32
        %dma_start3A_19 = arith.constant 0 : i32
        %dma_start3A_20 = tpu.memref_slice %arg4[%run_scoped3A_5, %dma_start3A_18, %dma_start3A_19] : memref<2x400x8xf32, #tpu.memory_space<vmem>> -> memref<1x400x8xf32, #tpu.memory_space<vmem>>
        %dma_start3A_21 = tpu.memref_squeeze %dma_start3A_20 : memref<1x400x8xf32, #tpu.memory_space<vmem>> -> memref<400x8xf32, #tpu.memory_space<vmem>>
        %dma_start3A_22 = arith.constant 0 : i32
        %dma_start3A_23 = tpu.memref_slice %arg2[%run_scoped3A, %mul3A_4, %dma_start3A_22] : memref<2x10240x8xf32, #tpu.memory_space<hbm>> -> memref<1x400x8xf32, #tpu.memory_space<hbm>>
        %dma_start3A_24 = tpu.memref_squeeze %dma_start3A_23 : memref<1x400x8xf32, #tpu.memory_space<hbm>> -> memref<400x8xf32, #tpu.memory_space<hbm>>
        tpu.enqueue_dma source(%dma_start3A_24 : memref<400x8xf32, #tpu.memory_space<hbm>>) target(%dma_start3A_21 : memref<400x8xf32, #tpu.memory_space<vmem>>) target_semaphore(%run_scoped3A_11 : memref<!tpu.dma_semaphore, #tpu.memory_space<semaphore_mem>>)
        %dma_wait3A = arith.constant 0 : i32
        %dma_wait3A_25 = arith.constant 0 : i32
        %dma_wait3A_26 = tpu.memref_slice %arg4[%run_scoped3A_5, %dma_wait3A, %dma_wait3A_25] : memref<2x400x8xf32, #tpu.memory_space<vmem>> -> memref<1x400x8xf32, #tpu.memory_space<vmem>>
        %dma_wait3A_27 = tpu.memref_squeeze %dma_wait3A_26 : memref<1x400x8xf32, #tpu.memory_space<vmem>> -> memref<400x8xf32, #tpu.memory_space<vmem>>
        %dma_wait3A_28 = arith.constant 0 : i32
        %dma_wait3A_29 = tpu.memref_slice %arg2[%run_scoped3A, %mul3A_4, %dma_wait3A_28] : memref<2x10240x8xf32, #tpu.memory_space<hbm>> -> memref<1x400x8xf32, #tpu.memory_space<hbm>>
        %dma_wait3A_30 = tpu.memref_squeeze %dma_wait3A_29 : memref<1x400x8xf32, #tpu.memory_space<hbm>> -> memref<400x8xf32, #tpu.memory_space<hbm>>
        %dma_wait3A_31 = arith.constant 0 : i32
        %dma_wait3A_32 = arith.constant 0 : i32
        %dma_wait3A_33 = tpu.memref_slice %arg4[%run_scoped3A_5, %dma_wait3A_31, %dma_wait3A_32] : memref<2x400x8xf32, #tpu.memory_space<vmem>> -> memref<1x400x8xf32, #tpu.memory_space<vmem>>
        %dma_wait3A_34 = tpu.memref_squeeze %dma_wait3A_33 : memref<1x400x8xf32, #tpu.memory_space<vmem>> -> memref<400x8xf32, #tpu.memory_space<vmem>>
        %dma_wait3A_35 = arith.constant 0 : i32
        %dma_wait3A_36 = tpu.memref_slice %arg2[%run_scoped3A, %mul3A_4, %dma_wait3A_35] : memref<2x10240x8xf32, #tpu.memory_space<hbm>> -> memref<1x400x8xf32, #tpu.memory_space<hbm>>
        %dma_wait3A_37 = tpu.memref_squeeze %dma_wait3A_36 : memref<1x400x8xf32, #tpu.memory_space<hbm>> -> memref<400x8xf32, #tpu.memory_space<hbm>>
        tpu.wait_dma2 semaphore(%run_scoped3A_11 : memref<!tpu.dma_semaphore, #tpu.memory_space<semaphore_mem>>) src(%dma_wait3A_37 : memref<400x8xf32, #tpu.memory_space<hbm>>) dst(%dma_wait3A_34 : memref<400x8xf32, #tpu.memory_space<vmem>>)
        tpu.yield
      }) : () -> ()
      %run_scoped3A_6 = arith.constant 1 : i32
      %run_scoped3A_7 = arith.constant 1 : i32
      "tpu.region"() ({
        %run_scoped3A_11 = tpu.sem_alloc : memref<!tpu.dma_semaphore, #tpu.memory_space<semaphore_mem>>
        %dma_start3A = arith.constant 0 : i32
        %dma_start3A_12 = arith.constant 0 : i32
        %dma_start3A_13 = tpu.memref_slice %arg4[%run_scoped3A_7, %dma_start3A, %dma_start3A_12] : memref<2x400x8xf32, #tpu.memory_space<vmem>> -> memref<1x400x8xf32, #tpu.memory_space<vmem>>
        %dma_start3A_14 = tpu.memref_squeeze %dma_start3A_13 : memref<1x400x8xf32, #tpu.memory_space<vmem>> -> memref<400x8xf32, #tpu.memory_space<vmem>>
        %dma_start3A_15 = arith.constant 0 : i32
        %dma_start3A_16 = tpu.memref_slice %arg2[%run_scoped3A_6, %mul3A_4, %dma_start3A_15] : memref<2x10240x8xf32, #tpu.memory_space<hbm>> -> memref<1x400x8xf32, #tpu.memory_space<hbm>>
        %dma_start3A_17 = tpu.memref_squeeze %dma_start3A_16 : memref<1x400x8xf32, #tpu.memory_space<hbm>> -> memref<400x8xf32, #tpu.memory_space<hbm>>
        %dma_start3A_18 = arith.constant 0 : i32
        %dma_start3A_19 = arith.constant 0 : i32
        %dma_start3A_20 = tpu.memref_slice %arg4[%run_scoped3A_7, %dma_start3A_18, %dma_start3A_19] : memref<2x400x8xf32, #tpu.memory_space<vmem>> -> memref<1x400x8xf32, #tpu.memory_space<vmem>>
        %dma_start3A_21 = tpu.memref_squeeze %dma_start3A_20 : memref<1x400x8xf32, #tpu.memory_space<vmem>> -> memref<400x8xf32, #tpu.memory_space<vmem>>
        %dma_start3A_22 = arith.constant 0 : i32
        %dma_start3A_23 = tpu.memref_slice %arg2[%run_scoped3A_6, %mul3A_4, %dma_start3A_22] : memref<2x10240x8xf32, #tpu.memory_space<hbm>> -> memref<1x400x8xf32, #tpu.memory_space<hbm>>
        %dma_start3A_24 = tpu.memref_squeeze %dma_start3A_23 : memref<1x400x8xf32, #tpu.memory_space<hbm>> -> memref<400x8xf32, #tpu.memory_space<hbm>>
        tpu.enqueue_dma source(%dma_start3A_24 : memref<400x8xf32, #tpu.memory_space<hbm>>) target(%dma_start3A_21 : memref<400x8xf32, #tpu.memory_space<vmem>>) target_semaphore(%run_scoped3A_11 : memref<!tpu.dma_semaphore, #tpu.memory_space<semaphore_mem>>)
        %dma_wait3A = arith.constant 0 : i32
        %dma_wait3A_25 = arith.constant 0 : i32
        %dma_wait3A_26 = tpu.memref_slice %arg4[%run_scoped3A_7, %dma_wait3A, %dma_wait3A_25] : memref<2x400x8xf32, #tpu.memory_space<vmem>> -> memref<1x400x8xf32, #tpu.memory_space<vmem>>
        %dma_wait3A_27 = tpu.memref_squeeze %dma_wait3A_26 : memref<1x400x8xf32, #tpu.memory_space<vmem>> -> memref<400x8xf32, #tpu.memory_space<vmem>>
        %dma_wait3A_28 = arith.constant 0 : i32
        %dma_wait3A_29 = tpu.memref_slice %arg2[%run_scoped3A_6, %mul3A_4, %dma_wait3A_28] : memref<2x10240x8xf32, #tpu.memory_space<hbm>> -> memref<1x400x8xf32, #tpu.memory_space<hbm>>
        %dma_wait3A_30 = tpu.memref_squeeze %dma_wait3A_29 : memref<1x400x8xf32, #tpu.memory_space<hbm>> -> memref<400x8xf32, #tpu.memory_space<hbm>>
        %dma_wait3A_31 = arith.constant 0 : i32
        %dma_wait3A_32 = arith.constant 0 : i32
        %dma_wait3A_33 = tpu.memref_slice %arg4[%run_scoped3A_7, %dma_wait3A_31, %dma_wait3A_32] : memref<2x400x8xf32, #tpu.memory_space<vmem>> -> memref<1x400x8xf32, #tpu.memory_space<vmem>>
        %dma_wait3A_34 = tpu.memref_squeeze %dma_wait3A_33 : memref<1x400x8xf32, #tpu.memory_space<vmem>> -> memref<400x8xf32, #tpu.memory_space<vmem>>
        %dma_wait3A_35 = arith.constant 0 : i32
        %dma_wait3A_36 = tpu.memref_slice %arg2[%run_scoped3A_6, %mul3A_4, %dma_wait3A_35] : memref<2x10240x8xf32, #tpu.memory_space<hbm>> -> memref<1x400x8xf32, #tpu.memory_space<hbm>>
        %dma_wait3A_37 = tpu.memref_squeeze %dma_wait3A_36 : memref<1x400x8xf32, #tpu.memory_space<hbm>> -> memref<400x8xf32, #tpu.memory_space<hbm>>
        tpu.wait_dma2 semaphore(%run_scoped3A_11 : memref<!tpu.dma_semaphore, #tpu.memory_space<semaphore_mem>>) src(%dma_wait3A_37 : memref<400x8xf32, #tpu.memory_space<hbm>>) dst(%dma_wait3A_34 : memref<400x8xf32, #tpu.memory_space<vmem>>)
        tpu.yield
      }) : () -> ()
      %broadcast_in_dim3A = arith.constant 0 : i32
      %broadcast_in_dim3A_8 = vector.broadcast %broadcast_in_dim3A : i32 to vector<16xi32>
      %iota3A = tpu.iota {dimensions = array<i32: 0>} : vector<16xi32>
      %parallel_loop3A = arith.constant 0 : i32
      %parallel_loop3A_9 = arith.constant 175 : i32
      %parallel_loop3A_10 = arith.constant 1 : i32
      scf.for %parallel_loop3A_11 = %parallel_loop3A to %parallel_loop3A_9 step %parallel_loop3A_10  : i32 {
        %parallel_loop3A_12 = arith.constant 16 : i32
        %parallel_loop3A_13 = arith.muli %parallel_loop3A_11, %parallel_loop3A_12 : i32
        %parallel_loop3A_14 = vector.broadcast %parallel_loop3A_13 : i32 to vector<16xi32>
        %parallel_loop3A_15 = arith.addi %parallel_loop3A_14, %iota3A : vector<16xi32>
        %parallel_loop3A_16 = arith.constant 7 : i32
        %parallel_loop3A_17 = vector.broadcast %parallel_loop3A_16 : i32 to vector<16xi32>
        %parallel_loop3A_18 = arith.divsi %parallel_loop3A_15, %parallel_loop3A_17 : vector<16xi32>
        %parallel_loop3A_19 = arith.constant 0 : i32
        %parallel_loop3A_20 = vector.broadcast %parallel_loop3A_19 : i32 to vector<16xi32>
        %parallel_loop3A_21 = arith.cmpi sgt, %parallel_loop3A_15, %parallel_loop3A_20 : vector<16xi32>
        %parallel_loop3A_22 = arith.extui %parallel_loop3A_21 : vector<16xi1> to vector<16xi32>
        %parallel_loop3A_23 = arith.constant 0 : i32
        %parallel_loop3A_24 = vector.broadcast %parallel_loop3A_23 : i32 to vector<16xi32>
        %parallel_loop3A_25 = arith.cmpi slt, %parallel_loop3A_15, %parallel_loop3A_24 : vector<16xi32>
        %parallel_loop3A_26 = arith.extui %parallel_loop3A_25 : vector<16xi1> to vector<16xi32>
        %parallel_loop3A_27 = arith.subi %parallel_loop3A_22, %parallel_loop3A_26 : vector<16xi32>
        %parallel_loop3A_28 = arith.constant 0 : i32
        %parallel_loop3A_29 = arith.cmpi sgt, %parallel_loop3A_16, %parallel_loop3A_28 : i32
        %parallel_loop3A_30 = arith.extui %parallel_loop3A_29 : i1 to i32
        %parallel_loop3A_31 = arith.constant 0 : i32
        %parallel_loop3A_32 = arith.cmpi slt, %parallel_loop3A_16, %parallel_loop3A_31 : i32
        %parallel_loop3A_33 = arith.extui %parallel_loop3A_32 : i1 to i32
        %parallel_loop3A_34 = arith.subi %parallel_loop3A_30, %parallel_loop3A_33 : i32
        %parallel_loop3A_35 = vector.broadcast %parallel_loop3A_34 : i32 to vector<16xi32>
        %parallel_loop3A_36 = arith.cmpi ne, %parallel_loop3A_27, %parallel_loop3A_35 : vector<16xi32>
        %parallel_loop3A_37 = vector.broadcast %parallel_loop3A_16 : i32 to vector<16xi32>
        %parallel_loop3A_38 = arith.remsi %parallel_loop3A_15, %parallel_loop3A_37 : vector<16xi32>
        %parallel_loop3A_39 = arith.constant 0 : i32
        %parallel_loop3A_40 = vector.broadcast %parallel_loop3A_39 : i32 to vector<16xi32>
        %parallel_loop3A_41 = arith.cmpi ne, %parallel_loop3A_38, %parallel_loop3A_40 : vector<16xi32>
        %parallel_loop3A_42 = arith.andi %parallel_loop3A_36, %parallel_loop3A_41 : vector<16xi1>
        %parallel_loop3A_43 = arith.constant 1 : i32
        %parallel_loop3A_44 = vector.broadcast %parallel_loop3A_43 : i32 to vector<16xi32>
        %parallel_loop3A_45 = arith.subi %parallel_loop3A_18, %parallel_loop3A_44 : vector<16xi32>
        %parallel_loop3A_46 = arith.select %parallel_loop3A_42, %parallel_loop3A_45, %parallel_loop3A_18 : vector<16xi1>, vector<16xi32>
        %parallel_loop3A_47 = arith.constant 7 : i32
        %parallel_loop3A_48 = vector.broadcast %parallel_loop3A_47 : i32 to vector<16xi32>
        %parallel_loop3A_49 = arith.muli %parallel_loop3A_46, %parallel_loop3A_48 : vector<16xi32>
        %parallel_loop3A_50 = arith.subi %parallel_loop3A_15, %parallel_loop3A_49 : vector<16xi32>
        %parallel_loop3A_51 = tpu.vector_load_idx %arg4[%broadcast_in_dim3A_8, %parallel_loop3A_46, %parallel_loop3A_50] : memref<2x400x8xf32, #tpu.memory_space<vmem>>[vector<16xi32>, vector<16xi32>, vector<16xi32>], vector<16xf32>,
        %parallel_loop3A_52 = arith.constant 1 : i32
        %parallel_loop3A_53 = vector.broadcast %parallel_loop3A_52 : i32 to vector<16xi32>
        %parallel_loop3A_54 = arith.addi %broadcast_in_dim3A_8, %parallel_loop3A_53 : vector<16xi32>
        %parallel_loop3A_55 = tpu.vector_load_idx %arg4[%parallel_loop3A_54, %parallel_loop3A_46, %parallel_loop3A_50] : memref<2x400x8xf32, #tpu.memory_space<vmem>>[vector<16xi32>, vector<16xi32>, vector<16xi32>], vector<16xf32>,
        %parallel_loop3A_56 = arith.addf %parallel_loop3A_51, %parallel_loop3A_55 : vector<16xf32>
        tpu.vector_store_idx %arg5[%parallel_loop3A_46, %parallel_loop3A_50], %parallel_loop3A_56 : memref<400x7xf32, #tpu.memory_space<vmem>>[vector<16xi32>, vector<16xi32>], vector<16xf32>,
      } {sc.loop_unroll_factor = 2 : i64, sc.parallel_access}
      "tpu.region"() ({
        %run_scoped3A_11 = tpu.sem_alloc : memref<!tpu.dma_semaphore, #tpu.memory_space<semaphore_mem>>
        %dma_start3A = arith.constant 0 : i32
        %dma_start3A_12 = tpu.memref_slice %arg3[%mul3A_4, %dma_start3A] : memref<10000x7xf32, #tpu.memory_space<hbm>> -> memref<400x7xf32, #tpu.memory_space<hbm>>
        %dma_start3A_13 = arith.constant 0 : i32
        %dma_start3A_14 = tpu.memref_slice %arg3[%mul3A_4, %dma_start3A_13] : memref<10000x7xf32, #tpu.memory_space<hbm>> -> memref<400x7xf32, #tpu.memory_space<hbm>>
        tpu.enqueue_dma source(%arg5 : memref<400x7xf32, #tpu.memory_space<vmem>>) target(%dma_start3A_14 : memref<400x7xf32, #tpu.memory_space<hbm>>) target_semaphore(%run_scoped3A_11 : memref<!tpu.dma_semaphore, #tpu.memory_space<semaphore_mem>>)
        %dma_wait3A = arith.constant 0 : i32
        %dma_wait3A_15 = tpu.memref_slice %arg3[%mul3A_4, %dma_wait3A] : memref<10000x7xf32, #tpu.memory_space<hbm>> -> memref<400x7xf32, #tpu.memory_space<hbm>>
        %dma_wait3A_16 = arith.constant 0 : i32
        %dma_wait3A_17 = tpu.memref_slice %arg3[%mul3A_4, %dma_wait3A_16] : memref<10000x7xf32, #tpu.memory_space<hbm>> -> memref<400x7xf32, #tpu.memory_space<hbm>>
        tpu.wait_dma2 semaphore(%run_scoped3A_11 : memref<!tpu.dma_semaphore, #tpu.memory_space<semaphore_mem>>) src(%arg5 : memref<400x7xf32, #tpu.memory_space<vmem>>) dst(%dma_wait3A_17 : memref<400x7xf32, #tpu.memory_space<hbm>>)
        tpu.yield
      }) : () -> ()
    } else {
    }
    return
  }
}

#map = affine_map<(d0, d1) -> (0, 0, 0)>
#map1 = affine_map<(d0, d1) -> (0, 0, 0, 0)>
#map2 = affine_map<(d0, d1) -> (0)>
module attributes {stable_mosaic.version = 14 : i64} {
  func.func @_spmm2_body(%arg0: i32, %arg1: i32, %arg2: memref<2x10240x16xf32, #tpu.memory_space<hbm>>, %arg3: memref<2x32x79x128xi32, #tpu.memory_space<hbm>>, %arg4: memref<128xf32, #tpu.memory_space<hbm>>, %arg5: memref<2x10240x8xf32, #tpu.memory_space<hbm>>, %arg6: memref<79x128xi32, #tpu.memory_space<vmem>>, %arg7: memref<79x128xi32, #tpu.memory_space<vmem>>, %arg8: memref<6x128x8xf32, #tpu.memory_space<vmem>>, %arg9: memref<640x8xf32, #tpu.memory_space<vmem>>, %arg10: memref<2x640x16xf32, #tpu.memory_space<vmem>>, %arg11: memref<640x8xf32, #tpu.memory_space<vmem>>, %arg12: memref<128xf32, #tpu.memory_space<vmem>>, %arg13: memref<10240x8xf32, #tpu.memory_space<vmem_shared>>, %arg14: memref<10240x8xf32, #tpu.memory_space<vmem_shared>>, %arg15: memref<!tpu.dma_semaphore, #tpu.memory_space<semaphore_mem>>, %arg16: memref<!tpu.dma_semaphore, #tpu.memory_space<semaphore_mem>>) attributes {dimension_semantics = [#tpu.dimension_semantics<core_parallel>, #tpu.dimension_semantics<subcore_parallel>], iteration_bounds = array<i64: 2, 16>, scalar_prefetch = 0 : i64, scratch_operands = 11 : i64, tpu.core_type = #tpu.core_type<sc_vector_subcore>, window_params = [{transform_indices = #map}, {transform_indices = #map1}, {transform_indices = #map2}, {transform_indices = #map}]} {
    %mul3A = arith.constant 2 : i32
    %mul3A_0 = arith.muli %arg1, %mul3A : i32
    %add3A = arith.addi %mul3A_0, %arg0 : i32
    %mul3A_1 = arith.constant 640 : i32
    %mul3A_2 = arith.muli %arg1, %mul3A_1 : i32
    tpu.enqueue_dma source(%arg4 : memref<128xf32, #tpu.memory_space<hbm>>) target(%arg12 : memref<128xf32, #tpu.memory_space<vmem>>) target_semaphore(%arg15 : memref<!tpu.dma_semaphore, #tpu.memory_space<semaphore_mem>>)
    %dma_start3A = arith.constant 0 : i32
    %dma_start3A_3 = arith.constant 0 : i32
    %dma_start3A_4 = arith.constant 0 : i32
    %dma_start3A_5 = arith.constant 0 : i32
    %dma_start3A_6 = tpu.memref_slice %arg10[%dma_start3A_3, %dma_start3A_4, %dma_start3A_5] : memref<2x640x16xf32, #tpu.memory_space<vmem>> -> memref<1x640x16xf32, #tpu.memory_space<vmem>>
    %dma_start3A_7 = tpu.memref_squeeze %dma_start3A_6 : memref<1x640x16xf32, #tpu.memory_space<vmem>> -> memref<640x16xf32, #tpu.memory_space<vmem>>
    %dma_start3A_8 = arith.constant 0 : i32
    %dma_start3A_9 = tpu.memref_slice %arg2[%dma_start3A, %mul3A_2, %dma_start3A_8] : memref<2x10240x16xf32, #tpu.memory_space<hbm>> -> memref<1x640x16xf32, #tpu.memory_space<hbm>>
    %dma_start3A_10 = tpu.memref_squeeze %dma_start3A_9 : memref<1x640x16xf32, #tpu.memory_space<hbm>> -> memref<640x16xf32, #tpu.memory_space<hbm>>
    %dma_start3A_11 = arith.constant 0 : i32
    %dma_start3A_12 = arith.constant 0 : i32
    %dma_start3A_13 = tpu.memref_slice %arg10[%dma_start3A_3, %dma_start3A_11, %dma_start3A_12] : memref<2x640x16xf32, #tpu.memory_space<vmem>> -> memref<1x640x16xf32, #tpu.memory_space<vmem>>
    %dma_start3A_14 = tpu.memref_squeeze %dma_start3A_13 : memref<1x640x16xf32, #tpu.memory_space<vmem>> -> memref<640x16xf32, #tpu.memory_space<vmem>>
    %dma_start3A_15 = arith.constant 0 : i32
    %dma_start3A_16 = tpu.memref_slice %arg2[%dma_start3A, %mul3A_2, %dma_start3A_15] : memref<2x10240x16xf32, #tpu.memory_space<hbm>> -> memref<1x640x16xf32, #tpu.memory_space<hbm>>
    %dma_start3A_17 = tpu.memref_squeeze %dma_start3A_16 : memref<1x640x16xf32, #tpu.memory_space<hbm>> -> memref<640x16xf32, #tpu.memory_space<hbm>>
    tpu.enqueue_dma source(%dma_start3A_17 : memref<640x16xf32, #tpu.memory_space<hbm>>) target(%dma_start3A_14 : memref<640x16xf32, #tpu.memory_space<vmem>>) target_semaphore(%arg15 : memref<!tpu.dma_semaphore, #tpu.memory_space<semaphore_mem>>)
    %dma_start3A_18 = arith.constant 1 : i32
    %dma_start3A_19 = arith.constant 1 : i32
    %dma_start3A_20 = arith.constant 0 : i32
    %dma_start3A_21 = arith.constant 0 : i32
    %dma_start3A_22 = tpu.memref_slice %arg10[%dma_start3A_19, %dma_start3A_20, %dma_start3A_21] : memref<2x640x16xf32, #tpu.memory_space<vmem>> -> memref<1x640x16xf32, #tpu.memory_space<vmem>>
    %dma_start3A_23 = tpu.memref_squeeze %dma_start3A_22 : memref<1x640x16xf32, #tpu.memory_space<vmem>> -> memref<640x16xf32, #tpu.memory_space<vmem>>
    %dma_start3A_24 = arith.constant 0 : i32
    %dma_start3A_25 = tpu.memref_slice %arg2[%dma_start3A_18, %mul3A_2, %dma_start3A_24] : memref<2x10240x16xf32, #tpu.memory_space<hbm>> -> memref<1x640x16xf32, #tpu.memory_space<hbm>>
    %dma_start3A_26 = tpu.memref_squeeze %dma_start3A_25 : memref<1x640x16xf32, #tpu.memory_space<hbm>> -> memref<640x16xf32, #tpu.memory_space<hbm>>
    %dma_start3A_27 = arith.constant 0 : i32
    %dma_start3A_28 = arith.constant 0 : i32
    %dma_start3A_29 = tpu.memref_slice %arg10[%dma_start3A_19, %dma_start3A_27, %dma_start3A_28] : memref<2x640x16xf32, #tpu.memory_space<vmem>> -> memref<1x640x16xf32, #tpu.memory_space<vmem>>
    %dma_start3A_30 = tpu.memref_squeeze %dma_start3A_29 : memref<1x640x16xf32, #tpu.memory_space<vmem>> -> memref<640x16xf32, #tpu.memory_space<vmem>>
    %dma_start3A_31 = arith.constant 0 : i32
    %dma_start3A_32 = tpu.memref_slice %arg2[%dma_start3A_18, %mul3A_2, %dma_start3A_31] : memref<2x10240x16xf32, #tpu.memory_space<hbm>> -> memref<1x640x16xf32, #tpu.memory_space<hbm>>
    %dma_start3A_33 = tpu.memref_squeeze %dma_start3A_32 : memref<1x640x16xf32, #tpu.memory_space<hbm>> -> memref<640x16xf32, #tpu.memory_space<hbm>>
    tpu.enqueue_dma source(%dma_start3A_33 : memref<640x16xf32, #tpu.memory_space<hbm>>) target(%dma_start3A_30 : memref<640x16xf32, #tpu.memory_space<vmem>>) target_semaphore(%arg15 : memref<!tpu.dma_semaphore, #tpu.memory_space<semaphore_mem>>)
    %broadcast_in_dim3A = arith.constant 0.000000e+00 : f32
    %broadcast_in_dim3A_34 = vector.broadcast %broadcast_in_dim3A : f32 to vector<16xf32>
    %broadcast_in_dim3A_35 = arith.constant 0 : i32
    %broadcast_in_dim3A_36 = vector.broadcast %broadcast_in_dim3A_35 : i32 to vector<16xi32>
    %iota3A = tpu.iota {dimensions = array<i32: 0>} : vector<16xi32>
    %parallel_loop3A = arith.constant 0 : i32
    %parallel_loop3A_37 = arith.constant 40 : i32
    %parallel_loop3A_38 = arith.constant 1 : i32
    scf.for %parallel_loop3A_216 = %parallel_loop3A to %parallel_loop3A_37 step %parallel_loop3A_38  : i32 {
      %parallel_loop3A_217 = arith.constant 16 : i32
      %parallel_loop3A_218 = arith.muli %parallel_loop3A_216, %parallel_loop3A_217 : i32
      %parallel_loop3A_219 = vector.broadcast %parallel_loop3A_218 : i32 to vector<16xi32>
      %parallel_loop3A_220 = arith.addi %parallel_loop3A_219, %iota3A : vector<16xi32>
      %parallel_loop3A_221 = arith.constant 0 : i32
      %parallel_loop3A_222 = vector.broadcast %parallel_loop3A_221 : i32 to vector<16xi32>
      %parallel_loop3A_223 = arith.addi %broadcast_in_dim3A_36, %parallel_loop3A_222 : vector<16xi32>
      tpu.vector_store_idx %arg9[%parallel_loop3A_220, %parallel_loop3A_223], %broadcast_in_dim3A_34 : memref<640x8xf32, #tpu.memory_space<vmem>>[vector<16xi32>, vector<16xi32>], vector<16xf32>,
      %parallel_loop3A_224 = arith.constant 1 : i32
      %parallel_loop3A_225 = vector.broadcast %parallel_loop3A_224 : i32 to vector<16xi32>
      %parallel_loop3A_226 = arith.addi %broadcast_in_dim3A_36, %parallel_loop3A_225 : vector<16xi32>
      tpu.vector_store_idx %arg9[%parallel_loop3A_220, %parallel_loop3A_226], %broadcast_in_dim3A_34 : memref<640x8xf32, #tpu.memory_space<vmem>>[vector<16xi32>, vector<16xi32>], vector<16xf32>,
      %parallel_loop3A_227 = arith.constant 2 : i32
      %parallel_loop3A_228 = vector.broadcast %parallel_loop3A_227 : i32 to vector<16xi32>
      %parallel_loop3A_229 = arith.addi %broadcast_in_dim3A_36, %parallel_loop3A_228 : vector<16xi32>
      tpu.vector_store_idx %arg9[%parallel_loop3A_220, %parallel_loop3A_229], %broadcast_in_dim3A_34 : memref<640x8xf32, #tpu.memory_space<vmem>>[vector<16xi32>, vector<16xi32>], vector<16xf32>,
      %parallel_loop3A_230 = arith.constant 3 : i32
      %parallel_loop3A_231 = vector.broadcast %parallel_loop3A_230 : i32 to vector<16xi32>
      %parallel_loop3A_232 = arith.addi %broadcast_in_dim3A_36, %parallel_loop3A_231 : vector<16xi32>
      tpu.vector_store_idx %arg9[%parallel_loop3A_220, %parallel_loop3A_232], %broadcast_in_dim3A_34 : memref<640x8xf32, #tpu.memory_space<vmem>>[vector<16xi32>, vector<16xi32>], vector<16xf32>,
      %parallel_loop3A_233 = arith.constant 4 : i32
      %parallel_loop3A_234 = vector.broadcast %parallel_loop3A_233 : i32 to vector<16xi32>
      %parallel_loop3A_235 = arith.addi %broadcast_in_dim3A_36, %parallel_loop3A_234 : vector<16xi32>
      tpu.vector_store_idx %arg9[%parallel_loop3A_220, %parallel_loop3A_235], %broadcast_in_dim3A_34 : memref<640x8xf32, #tpu.memory_space<vmem>>[vector<16xi32>, vector<16xi32>], vector<16xf32>,
      %parallel_loop3A_236 = arith.constant 5 : i32
      %parallel_loop3A_237 = vector.broadcast %parallel_loop3A_236 : i32 to vector<16xi32>
      %parallel_loop3A_238 = arith.addi %broadcast_in_dim3A_36, %parallel_loop3A_237 : vector<16xi32>
      tpu.vector_store_idx %arg9[%parallel_loop3A_220, %parallel_loop3A_238], %broadcast_in_dim3A_34 : memref<640x8xf32, #tpu.memory_space<vmem>>[vector<16xi32>, vector<16xi32>], vector<16xf32>,
      %parallel_loop3A_239 = arith.constant 6 : i32
      %parallel_loop3A_240 = vector.broadcast %parallel_loop3A_239 : i32 to vector<16xi32>
      %parallel_loop3A_241 = arith.addi %broadcast_in_dim3A_36, %parallel_loop3A_240 : vector<16xi32>
      tpu.vector_store_idx %arg9[%parallel_loop3A_220, %parallel_loop3A_241], %broadcast_in_dim3A_34 : memref<640x8xf32, #tpu.memory_space<vmem>>[vector<16xi32>, vector<16xi32>], vector<16xf32>,
      %parallel_loop3A_242 = arith.constant 7 : i32
      %parallel_loop3A_243 = vector.broadcast %parallel_loop3A_242 : i32 to vector<16xi32>
      %parallel_loop3A_244 = arith.addi %broadcast_in_dim3A_36, %parallel_loop3A_243 : vector<16xi32>
      tpu.vector_store_idx %arg9[%parallel_loop3A_220, %parallel_loop3A_244], %broadcast_in_dim3A_34 : memref<640x8xf32, #tpu.memory_space<vmem>>[vector<16xi32>, vector<16xi32>], vector<16xf32>,
    } {sc.loop_unroll_factor = 2 : i64, sc.parallel_access}
    %mul3A_39 = arith.constant 640 : i32
    %mul3A_40 = arith.muli %arg1, %mul3A_39 : i32
    "tpu.region"() ({
      %run_scoped3A_216 = tpu.sem_alloc : memref<!tpu.dma_semaphore, #tpu.memory_space<semaphore_mem>>
      %dma_start3A_217 = arith.constant 0 : i32
      %dma_start3A_218 = tpu.memref_slice %arg14[%mul3A_40, %dma_start3A_217] : memref<10240x8xf32, #tpu.memory_space<vmem_shared>> -> memref<640x8xf32, #tpu.memory_space<vmem_shared>>
      %dma_start3A_219 = arith.constant 0 : i32
      %dma_start3A_220 = tpu.memref_slice %arg14[%mul3A_40, %dma_start3A_219] : memref<10240x8xf32, #tpu.memory_space<vmem_shared>> -> memref<640x8xf32, #tpu.memory_space<vmem_shared>>
      tpu.enqueue_dma source(%arg9 : memref<640x8xf32, #tpu.memory_space<vmem>>) target(%dma_start3A_220 : memref<640x8xf32, #tpu.memory_space<vmem_shared>>) target_semaphore(%run_scoped3A_216 : memref<!tpu.dma_semaphore, #tpu.memory_space<semaphore_mem>>)
      %dma_wait3A_221 = arith.constant 0 : i32
      %dma_wait3A_222 = tpu.memref_slice %arg14[%mul3A_40, %dma_wait3A_221] : memref<10240x8xf32, #tpu.memory_space<vmem_shared>> -> memref<640x8xf32, #tpu.memory_space<vmem_shared>>
      %dma_wait3A_223 = arith.constant 0 : i32
      %dma_wait3A_224 = tpu.memref_slice %arg14[%mul3A_40, %dma_wait3A_223] : memref<10240x8xf32, #tpu.memory_space<vmem_shared>> -> memref<640x8xf32, #tpu.memory_space<vmem_shared>>
      tpu.wait_dma2 semaphore(%run_scoped3A_216 : memref<!tpu.dma_semaphore, #tpu.memory_space<semaphore_mem>>) src(%arg9 : memref<640x8xf32, #tpu.memory_space<vmem>>) dst(%dma_wait3A_224 : memref<640x8xf32, #tpu.memory_space<vmem_shared>>)
      tpu.yield
    }) : () -> ()
    tpu.wait_dma2 semaphore(%arg15 : memref<!tpu.dma_semaphore, #tpu.memory_space<semaphore_mem>>) src(%arg4 : memref<128xf32, #tpu.memory_space<hbm>>) dst(%arg12 : memref<128xf32, #tpu.memory_space<vmem>>)
    %dma_wait3A = arith.constant 0 : i32
    %dma_wait3A_41 = arith.constant 0 : i32
    %dma_wait3A_42 = arith.constant 0 : i32
    %dma_wait3A_43 = arith.constant 0 : i32
    %dma_wait3A_44 = tpu.memref_slice %arg10[%dma_wait3A_41, %dma_wait3A_42, %dma_wait3A_43] : memref<2x640x16xf32, #tpu.memory_space<vmem>> -> memref<1x640x16xf32, #tpu.memory_space<vmem>>
    %dma_wait3A_45 = tpu.memref_squeeze %dma_wait3A_44 : memref<1x640x16xf32, #tpu.memory_space<vmem>> -> memref<640x16xf32, #tpu.memory_space<vmem>>
    %dma_wait3A_46 = arith.constant 0 : i32
    %dma_wait3A_47 = tpu.memref_slice %arg2[%dma_wait3A, %mul3A_2, %dma_wait3A_46] : memref<2x10240x16xf32, #tpu.memory_space<hbm>> -> memref<1x640x16xf32, #tpu.memory_space<hbm>>
    %dma_wait3A_48 = tpu.memref_squeeze %dma_wait3A_47 : memref<1x640x16xf32, #tpu.memory_space<hbm>> -> memref<640x16xf32, #tpu.memory_space<hbm>>
    %dma_wait3A_49 = arith.constant 0 : i32
    %dma_wait3A_50 = arith.constant 0 : i32
    %dma_wait3A_51 = tpu.memref_slice %arg10[%dma_wait3A_41, %dma_wait3A_49, %dma_wait3A_50] : memref<2x640x16xf32, #tpu.memory_space<vmem>> -> memref<1x640x16xf32, #tpu.memory_space<vmem>>
    %dma_wait3A_52 = tpu.memref_squeeze %dma_wait3A_51 : memref<1x640x16xf32, #tpu.memory_space<vmem>> -> memref<640x16xf32, #tpu.memory_space<vmem>>
    %dma_wait3A_53 = arith.constant 0 : i32
    %dma_wait3A_54 = tpu.memref_slice %arg2[%dma_wait3A, %mul3A_2, %dma_wait3A_53] : memref<2x10240x16xf32, #tpu.memory_space<hbm>> -> memref<1x640x16xf32, #tpu.memory_space<hbm>>
    %dma_wait3A_55 = tpu.memref_squeeze %dma_wait3A_54 : memref<1x640x16xf32, #tpu.memory_space<hbm>> -> memref<640x16xf32, #tpu.memory_space<hbm>>
    tpu.wait_dma2 semaphore(%arg15 : memref<!tpu.dma_semaphore, #tpu.memory_space<semaphore_mem>>) src(%dma_wait3A_55 : memref<640x16xf32, #tpu.memory_space<hbm>>) dst(%dma_wait3A_52 : memref<640x16xf32, #tpu.memory_space<vmem>>)
    %dma_wait3A_56 = arith.constant 1 : i32
    %dma_wait3A_57 = arith.constant 1 : i32
    %dma_wait3A_58 = arith.constant 0 : i32
    %dma_wait3A_59 = arith.constant 0 : i32
    %dma_wait3A_60 = tpu.memref_slice %arg10[%dma_wait3A_57, %dma_wait3A_58, %dma_wait3A_59] : memref<2x640x16xf32, #tpu.memory_space<vmem>> -> memref<1x640x16xf32, #tpu.memory_space<vmem>>
    %dma_wait3A_61 = tpu.memref_squeeze %dma_wait3A_60 : memref<1x640x16xf32, #tpu.memory_space<vmem>> -> memref<640x16xf32, #tpu.memory_space<vmem>>
    %dma_wait3A_62 = arith.constant 0 : i32
    %dma_wait3A_63 = tpu.memref_slice %arg2[%dma_wait3A_56, %mul3A_2, %dma_wait3A_62] : memref<2x10240x16xf32, #tpu.memory_space<hbm>> -> memref<1x640x16xf32, #tpu.memory_space<hbm>>
    %dma_wait3A_64 = tpu.memref_squeeze %dma_wait3A_63 : memref<1x640x16xf32, #tpu.memory_space<hbm>> -> memref<640x16xf32, #tpu.memory_space<hbm>>
    %dma_wait3A_65 = arith.constant 0 : i32
    %dma_wait3A_66 = arith.constant 0 : i32
    %dma_wait3A_67 = tpu.memref_slice %arg10[%dma_wait3A_57, %dma_wait3A_65, %dma_wait3A_66] : memref<2x640x16xf32, #tpu.memory_space<vmem>> -> memref<1x640x16xf32, #tpu.memory_space<vmem>>
    %dma_wait3A_68 = tpu.memref_squeeze %dma_wait3A_67 : memref<1x640x16xf32, #tpu.memory_space<vmem>> -> memref<640x16xf32, #tpu.memory_space<vmem>>
    %dma_wait3A_69 = arith.constant 0 : i32
    %dma_wait3A_70 = tpu.memref_slice %arg2[%dma_wait3A_56, %mul3A_2, %dma_wait3A_69] : memref<2x10240x16xf32, #tpu.memory_space<hbm>> -> memref<1x640x16xf32, #tpu.memory_space<hbm>>
    %dma_wait3A_71 = tpu.memref_squeeze %dma_wait3A_70 : memref<1x640x16xf32, #tpu.memory_space<hbm>> -> memref<640x16xf32, #tpu.memory_space<hbm>>
    tpu.wait_dma2 semaphore(%arg15 : memref<!tpu.dma_semaphore, #tpu.memory_space<semaphore_mem>>) src(%dma_wait3A_71 : memref<640x16xf32, #tpu.memory_space<hbm>>) dst(%dma_wait3A_68 : memref<640x16xf32, #tpu.memory_space<vmem>>)
    %broadcast_in_dim3A_72 = arith.constant 0 : i32
    %broadcast_in_dim3A_73 = vector.broadcast %broadcast_in_dim3A_72 : i32 to vector<16xi32>
    %iota3A_74 = tpu.iota {dimensions = array<i32: 0>} : vector<16xi32>
    %get3A = arith.constant 0 : index
    %get3A_75 = tpu.vector_load %arg12[%get3A] {strides = array<i32>} : memref<128xf32, #tpu.memory_space<vmem>>, vector<16xf32>,
    %get3A_76 = arith.constant 16 : index
    %get3A_77 = tpu.vector_load %arg12[%get3A_76] {strides = array<i32>} : memref<128xf32, #tpu.memory_space<vmem>>, vector<16xf32>,
    %get3A_78 = arith.constant 32 : index
    %get3A_79 = tpu.vector_load %arg12[%get3A_78] {strides = array<i32>} : memref<128xf32, #tpu.memory_space<vmem>>, vector<16xf32>,
    %get3A_80 = arith.constant 48 : index
    %get3A_81 = tpu.vector_load %arg12[%get3A_80] {strides = array<i32>} : memref<128xf32, #tpu.memory_space<vmem>>, vector<16xf32>,
    %get3A_82 = arith.constant 64 : index
    %get3A_83 = tpu.vector_load %arg12[%get3A_82] {strides = array<i32>} : memref<128xf32, #tpu.memory_space<vmem>>, vector<16xf32>,
    %get3A_84 = arith.constant 80 : index
    %get3A_85 = tpu.vector_load %arg12[%get3A_84] {strides = array<i32>} : memref<128xf32, #tpu.memory_space<vmem>>, vector<16xf32>,
    %get3A_86 = arith.constant 96 : index
    %get3A_87 = tpu.vector_load %arg12[%get3A_86] {strides = array<i32>} : memref<128xf32, #tpu.memory_space<vmem>>, vector<16xf32>,
    %get3A_88 = arith.constant 112 : index
    %get3A_89 = tpu.vector_load %arg12[%get3A_88] {strides = array<i32>} : memref<128xf32, #tpu.memory_space<vmem>>, vector<16xf32>,
    %scan3A = arith.constant 0 : i32
    %scan3A_90 = arith.constant 0 : i32
    %scan3A_91 = arith.constant 40 : i32
    %scan3A_92 = arith.addi %scan3A_90, %scan3A_91 : i32
    %scan3A_93 = arith.constant 1 : i32
    scf.for %scan3A_216 = %scan3A_90 to %scan3A_92 step %scan3A_93  : i32 {
      %mul3A_217 = arith.constant 16 : i32
      %mul3A_218 = arith.muli %scan3A_216, %mul3A_217 : i32
      %add3A_219 = vector.broadcast %mul3A_218 : i32 to vector<16xi32>
      %add3A_220 = arith.addi %add3A_219, %iota3A_74 : vector<16xi32>
      %add3A_221 = arith.constant 0 : i32
      %add3A_222 = vector.broadcast %add3A_221 : i32 to vector<16xi32>
      %add3A_223 = arith.addi %broadcast_in_dim3A_73, %add3A_222 : vector<16xi32>
      %gather3A = tpu.vector_load_idx %arg10[%broadcast_in_dim3A_73, %add3A_220, %add3A_223] : memref<2x640x16xf32, #tpu.memory_space<vmem>>[vector<16xi32>, vector<16xi32>, vector<16xi32>], vector<16xf32>,
      %add3A_224 = arith.constant 1 : i32
      %add3A_225 = vector.broadcast %add3A_224 : i32 to vector<16xi32>
      %add3A_226 = arith.addi %broadcast_in_dim3A_73, %add3A_225 : vector<16xi32>
      %add3A_227 = arith.constant 0 : i32
      %add3A_228 = vector.broadcast %add3A_227 : i32 to vector<16xi32>
      %add3A_229 = arith.addi %broadcast_in_dim3A_73, %add3A_228 : vector<16xi32>
      %gather3A_230 = tpu.vector_load_idx %arg10[%add3A_226, %add3A_220, %add3A_229] : memref<2x640x16xf32, #tpu.memory_space<vmem>>[vector<16xi32>, vector<16xi32>, vector<16xi32>], vector<16xf32>,
      %add3A_231 = arith.addf %gather3A, %gather3A_230 : vector<16xf32>
      %max3A = arith.constant 0.000000e+00 : f32
      %max3A_232 = vector.broadcast %max3A : f32 to vector<16xf32>
      %max3A_233 = arith.maximumf %add3A_231, %max3A_232 : vector<16xf32>
      %add3A_234 = arith.constant 1 : i32
      %add3A_235 = vector.broadcast %add3A_234 : i32 to vector<16xi32>
      %add3A_236 = arith.addi %broadcast_in_dim3A_73, %add3A_235 : vector<16xi32>
      %gather3A_237 = tpu.vector_load_idx %arg10[%broadcast_in_dim3A_73, %add3A_220, %add3A_236] : memref<2x640x16xf32, #tpu.memory_space<vmem>>[vector<16xi32>, vector<16xi32>, vector<16xi32>], vector<16xf32>,
      %add3A_238 = arith.constant 1 : i32
      %add3A_239 = vector.broadcast %add3A_238 : i32 to vector<16xi32>
      %add3A_240 = arith.addi %broadcast_in_dim3A_73, %add3A_239 : vector<16xi32>
      %add3A_241 = arith.constant 1 : i32
      %add3A_242 = vector.broadcast %add3A_241 : i32 to vector<16xi32>
      %add3A_243 = arith.addi %broadcast_in_dim3A_73, %add3A_242 : vector<16xi32>
      %gather3A_244 = tpu.vector_load_idx %arg10[%add3A_240, %add3A_220, %add3A_243] : memref<2x640x16xf32, #tpu.memory_space<vmem>>[vector<16xi32>, vector<16xi32>, vector<16xi32>], vector<16xf32>,
      %add3A_245 = arith.addf %gather3A_237, %gather3A_244 : vector<16xf32>
      %max3A_246 = arith.constant 0.000000e+00 : f32
      %max3A_247 = vector.broadcast %max3A_246 : f32 to vector<16xf32>
      %max3A_248 = arith.maximumf %add3A_245, %max3A_247 : vector<16xf32>
      %add3A_249 = arith.constant 2 : i32
      %add3A_250 = vector.broadcast %add3A_249 : i32 to vector<16xi32>
      %add3A_251 = arith.addi %broadcast_in_dim3A_73, %add3A_250 : vector<16xi32>
      %gather3A_252 = tpu.vector_load_idx %arg10[%broadcast_in_dim3A_73, %add3A_220, %add3A_251] : memref<2x640x16xf32, #tpu.memory_space<vmem>>[vector<16xi32>, vector<16xi32>, vector<16xi32>], vector<16xf32>,
      %add3A_253 = arith.constant 1 : i32
      %add3A_254 = vector.broadcast %add3A_253 : i32 to vector<16xi32>
      %add3A_255 = arith.addi %broadcast_in_dim3A_73, %add3A_254 : vector<16xi32>
      %add3A_256 = arith.constant 2 : i32
      %add3A_257 = vector.broadcast %add3A_256 : i32 to vector<16xi32>
      %add3A_258 = arith.addi %broadcast_in_dim3A_73, %add3A_257 : vector<16xi32>
      %gather3A_259 = tpu.vector_load_idx %arg10[%add3A_255, %add3A_220, %add3A_258] : memref<2x640x16xf32, #tpu.memory_space<vmem>>[vector<16xi32>, vector<16xi32>, vector<16xi32>], vector<16xf32>,
      %add3A_260 = arith.addf %gather3A_252, %gather3A_259 : vector<16xf32>
      %max3A_261 = arith.constant 0.000000e+00 : f32
      %max3A_262 = vector.broadcast %max3A_261 : f32 to vector<16xf32>
      %max3A_263 = arith.maximumf %add3A_260, %max3A_262 : vector<16xf32>
      %add3A_264 = arith.constant 3 : i32
      %add3A_265 = vector.broadcast %add3A_264 : i32 to vector<16xi32>
      %add3A_266 = arith.addi %broadcast_in_dim3A_73, %add3A_265 : vector<16xi32>
      %gather3A_267 = tpu.vector_load_idx %arg10[%broadcast_in_dim3A_73, %add3A_220, %add3A_266] : memref<2x640x16xf32, #tpu.memory_space<vmem>>[vector<16xi32>, vector<16xi32>, vector<16xi32>], vector<16xf32>,
      %add3A_268 = arith.constant 1 : i32
      %add3A_269 = vector.broadcast %add3A_268 : i32 to vector<16xi32>
      %add3A_270 = arith.addi %broadcast_in_dim3A_73, %add3A_269 : vector<16xi32>
      %add3A_271 = arith.constant 3 : i32
      %add3A_272 = vector.broadcast %add3A_271 : i32 to vector<16xi32>
      %add3A_273 = arith.addi %broadcast_in_dim3A_73, %add3A_272 : vector<16xi32>
      %gather3A_274 = tpu.vector_load_idx %arg10[%add3A_270, %add3A_220, %add3A_273] : memref<2x640x16xf32, #tpu.memory_space<vmem>>[vector<16xi32>, vector<16xi32>, vector<16xi32>], vector<16xf32>,
      %add3A_275 = arith.addf %gather3A_267, %gather3A_274 : vector<16xf32>
      %max3A_276 = arith.constant 0.000000e+00 : f32
      %max3A_277 = vector.broadcast %max3A_276 : f32 to vector<16xf32>
      %max3A_278 = arith.maximumf %add3A_275, %max3A_277 : vector<16xf32>
      %add3A_279 = arith.constant 4 : i32
      %add3A_280 = vector.broadcast %add3A_279 : i32 to vector<16xi32>
      %add3A_281 = arith.addi %broadcast_in_dim3A_73, %add3A_280 : vector<16xi32>
      %gather3A_282 = tpu.vector_load_idx %arg10[%broadcast_in_dim3A_73, %add3A_220, %add3A_281] : memref<2x640x16xf32, #tpu.memory_space<vmem>>[vector<16xi32>, vector<16xi32>, vector<16xi32>], vector<16xf32>,
      %add3A_283 = arith.constant 1 : i32
      %add3A_284 = vector.broadcast %add3A_283 : i32 to vector<16xi32>
      %add3A_285 = arith.addi %broadcast_in_dim3A_73, %add3A_284 : vector<16xi32>
      %add3A_286 = arith.constant 4 : i32
      %add3A_287 = vector.broadcast %add3A_286 : i32 to vector<16xi32>
      %add3A_288 = arith.addi %broadcast_in_dim3A_73, %add3A_287 : vector<16xi32>
      %gather3A_289 = tpu.vector_load_idx %arg10[%add3A_285, %add3A_220, %add3A_288] : memref<2x640x16xf32, #tpu.memory_space<vmem>>[vector<16xi32>, vector<16xi32>, vector<16xi32>], vector<16xf32>,
      %add3A_290 = arith.addf %gather3A_282, %gather3A_289 : vector<16xf32>
      %max3A_291 = arith.constant 0.000000e+00 : f32
      %max3A_292 = vector.broadcast %max3A_291 : f32 to vector<16xf32>
      %max3A_293 = arith.maximumf %add3A_290, %max3A_292 : vector<16xf32>
      %add3A_294 = arith.constant 5 : i32
      %add3A_295 = vector.broadcast %add3A_294 : i32 to vector<16xi32>
      %add3A_296 = arith.addi %broadcast_in_dim3A_73, %add3A_295 : vector<16xi32>
      %gather3A_297 = tpu.vector_load_idx %arg10[%broadcast_in_dim3A_73, %add3A_220, %add3A_296] : memref<2x640x16xf32, #tpu.memory_space<vmem>>[vector<16xi32>, vector<16xi32>, vector<16xi32>], vector<16xf32>,
      %add3A_298 = arith.constant 1 : i32
      %add3A_299 = vector.broadcast %add3A_298 : i32 to vector<16xi32>
      %add3A_300 = arith.addi %broadcast_in_dim3A_73, %add3A_299 : vector<16xi32>
      %add3A_301 = arith.constant 5 : i32
      %add3A_302 = vector.broadcast %add3A_301 : i32 to vector<16xi32>
      %add3A_303 = arith.addi %broadcast_in_dim3A_73, %add3A_302 : vector<16xi32>
      %gather3A_304 = tpu.vector_load_idx %arg10[%add3A_300, %add3A_220, %add3A_303] : memref<2x640x16xf32, #tpu.memory_space<vmem>>[vector<16xi32>, vector<16xi32>, vector<16xi32>], vector<16xf32>,
      %add3A_305 = arith.addf %gather3A_297, %gather3A_304 : vector<16xf32>
      %max3A_306 = arith.constant 0.000000e+00 : f32
      %max3A_307 = vector.broadcast %max3A_306 : f32 to vector<16xf32>
      %max3A_308 = arith.maximumf %add3A_305, %max3A_307 : vector<16xf32>
      %add3A_309 = arith.constant 6 : i32
      %add3A_310 = vector.broadcast %add3A_309 : i32 to vector<16xi32>
      %add3A_311 = arith.addi %broadcast_in_dim3A_73, %add3A_310 : vector<16xi32>
      %gather3A_312 = tpu.vector_load_idx %arg10[%broadcast_in_dim3A_73, %add3A_220, %add3A_311] : memref<2x640x16xf32, #tpu.memory_space<vmem>>[vector<16xi32>, vector<16xi32>, vector<16xi32>], vector<16xf32>,
      %add3A_313 = arith.constant 1 : i32
      %add3A_314 = vector.broadcast %add3A_313 : i32 to vector<16xi32>
      %add3A_315 = arith.addi %broadcast_in_dim3A_73, %add3A_314 : vector<16xi32>
      %add3A_316 = arith.constant 6 : i32
      %add3A_317 = vector.broadcast %add3A_316 : i32 to vector<16xi32>
      %add3A_318 = arith.addi %broadcast_in_dim3A_73, %add3A_317 : vector<16xi32>
      %gather3A_319 = tpu.vector_load_idx %arg10[%add3A_315, %add3A_220, %add3A_318] : memref<2x640x16xf32, #tpu.memory_space<vmem>>[vector<16xi32>, vector<16xi32>, vector<16xi32>], vector<16xf32>,
      %add3A_320 = arith.addf %gather3A_312, %gather3A_319 : vector<16xf32>
      %max3A_321 = arith.constant 0.000000e+00 : f32
      %max3A_322 = vector.broadcast %max3A_321 : f32 to vector<16xf32>
      %max3A_323 = arith.maximumf %add3A_320, %max3A_322 : vector<16xf32>
      %add3A_324 = arith.constant 7 : i32
      %add3A_325 = vector.broadcast %add3A_324 : i32 to vector<16xi32>
      %add3A_326 = arith.addi %broadcast_in_dim3A_73, %add3A_325 : vector<16xi32>
      %gather3A_327 = tpu.vector_load_idx %arg10[%broadcast_in_dim3A_73, %add3A_220, %add3A_326] : memref<2x640x16xf32, #tpu.memory_space<vmem>>[vector<16xi32>, vector<16xi32>, vector<16xi32>], vector<16xf32>,
      %add3A_328 = arith.constant 1 : i32
      %add3A_329 = vector.broadcast %add3A_328 : i32 to vector<16xi32>
      %add3A_330 = arith.addi %broadcast_in_dim3A_73, %add3A_329 : vector<16xi32>
      %add3A_331 = arith.constant 7 : i32
      %add3A_332 = vector.broadcast %add3A_331 : i32 to vector<16xi32>
      %add3A_333 = arith.addi %broadcast_in_dim3A_73, %add3A_332 : vector<16xi32>
      %gather3A_334 = tpu.vector_load_idx %arg10[%add3A_330, %add3A_220, %add3A_333] : memref<2x640x16xf32, #tpu.memory_space<vmem>>[vector<16xi32>, vector<16xi32>, vector<16xi32>], vector<16xf32>,
      %add3A_335 = arith.addf %gather3A_327, %gather3A_334 : vector<16xf32>
      %max3A_336 = arith.constant 0.000000e+00 : f32
      %max3A_337 = vector.broadcast %max3A_336 : f32 to vector<16xf32>
      %max3A_338 = arith.maximumf %add3A_335, %max3A_337 : vector<16xf32>
      %add3A_339 = arith.constant 8 : i32
      %add3A_340 = vector.broadcast %add3A_339 : i32 to vector<16xi32>
      %add3A_341 = arith.addi %broadcast_in_dim3A_73, %add3A_340 : vector<16xi32>
      %gather3A_342 = tpu.vector_load_idx %arg10[%broadcast_in_dim3A_73, %add3A_220, %add3A_341] : memref<2x640x16xf32, #tpu.memory_space<vmem>>[vector<16xi32>, vector<16xi32>, vector<16xi32>], vector<16xf32>,
      %add3A_343 = arith.constant 1 : i32
      %add3A_344 = vector.broadcast %add3A_343 : i32 to vector<16xi32>
      %add3A_345 = arith.addi %broadcast_in_dim3A_73, %add3A_344 : vector<16xi32>
      %add3A_346 = arith.constant 8 : i32
      %add3A_347 = vector.broadcast %add3A_346 : i32 to vector<16xi32>
      %add3A_348 = arith.addi %broadcast_in_dim3A_73, %add3A_347 : vector<16xi32>
      %gather3A_349 = tpu.vector_load_idx %arg10[%add3A_345, %add3A_220, %add3A_348] : memref<2x640x16xf32, #tpu.memory_space<vmem>>[vector<16xi32>, vector<16xi32>, vector<16xi32>], vector<16xf32>,
      %add3A_350 = arith.addf %gather3A_342, %gather3A_349 : vector<16xf32>
      %max3A_351 = arith.constant 0.000000e+00 : f32
      %max3A_352 = vector.broadcast %max3A_351 : f32 to vector<16xf32>
      %max3A_353 = arith.maximumf %add3A_350, %max3A_352 : vector<16xf32>
      %add3A_354 = arith.constant 9 : i32
      %add3A_355 = vector.broadcast %add3A_354 : i32 to vector<16xi32>
      %add3A_356 = arith.addi %broadcast_in_dim3A_73, %add3A_355 : vector<16xi32>
      %gather3A_357 = tpu.vector_load_idx %arg10[%broadcast_in_dim3A_73, %add3A_220, %add3A_356] : memref<2x640x16xf32, #tpu.memory_space<vmem>>[vector<16xi32>, vector<16xi32>, vector<16xi32>], vector<16xf32>,
      %add3A_358 = arith.constant 1 : i32
      %add3A_359 = vector.broadcast %add3A_358 : i32 to vector<16xi32>
      %add3A_360 = arith.addi %broadcast_in_dim3A_73, %add3A_359 : vector<16xi32>
      %add3A_361 = arith.constant 9 : i32
      %add3A_362 = vector.broadcast %add3A_361 : i32 to vector<16xi32>
      %add3A_363 = arith.addi %broadcast_in_dim3A_73, %add3A_362 : vector<16xi32>
      %gather3A_364 = tpu.vector_load_idx %arg10[%add3A_360, %add3A_220, %add3A_363] : memref<2x640x16xf32, #tpu.memory_space<vmem>>[vector<16xi32>, vector<16xi32>, vector<16xi32>], vector<16xf32>,
      %add3A_365 = arith.addf %gather3A_357, %gather3A_364 : vector<16xf32>
      %max3A_366 = arith.constant 0.000000e+00 : f32
      %max3A_367 = vector.broadcast %max3A_366 : f32 to vector<16xf32>
      %max3A_368 = arith.maximumf %add3A_365, %max3A_367 : vector<16xf32>
      %add3A_369 = arith.constant 10 : i32
      %add3A_370 = vector.broadcast %add3A_369 : i32 to vector<16xi32>
      %add3A_371 = arith.addi %broadcast_in_dim3A_73, %add3A_370 : vector<16xi32>
      %gather3A_372 = tpu.vector_load_idx %arg10[%broadcast_in_dim3A_73, %add3A_220, %add3A_371] : memref<2x640x16xf32, #tpu.memory_space<vmem>>[vector<16xi32>, vector<16xi32>, vector<16xi32>], vector<16xf32>,
      %add3A_373 = arith.constant 1 : i32
      %add3A_374 = vector.broadcast %add3A_373 : i32 to vector<16xi32>
      %add3A_375 = arith.addi %broadcast_in_dim3A_73, %add3A_374 : vector<16xi32>
      %add3A_376 = arith.constant 10 : i32
      %add3A_377 = vector.broadcast %add3A_376 : i32 to vector<16xi32>
      %add3A_378 = arith.addi %broadcast_in_dim3A_73, %add3A_377 : vector<16xi32>
      %gather3A_379 = tpu.vector_load_idx %arg10[%add3A_375, %add3A_220, %add3A_378] : memref<2x640x16xf32, #tpu.memory_space<vmem>>[vector<16xi32>, vector<16xi32>, vector<16xi32>], vector<16xf32>,
      %add3A_380 = arith.addf %gather3A_372, %gather3A_379 : vector<16xf32>
      %max3A_381 = arith.constant 0.000000e+00 : f32
      %max3A_382 = vector.broadcast %max3A_381 : f32 to vector<16xf32>
      %max3A_383 = arith.maximumf %add3A_380, %max3A_382 : vector<16xf32>
      %add3A_384 = arith.constant 11 : i32
      %add3A_385 = vector.broadcast %add3A_384 : i32 to vector<16xi32>
      %add3A_386 = arith.addi %broadcast_in_dim3A_73, %add3A_385 : vector<16xi32>
      %gather3A_387 = tpu.vector_load_idx %arg10[%broadcast_in_dim3A_73, %add3A_220, %add3A_386] : memref<2x640x16xf32, #tpu.memory_space<vmem>>[vector<16xi32>, vector<16xi32>, vector<16xi32>], vector<16xf32>,
      %add3A_388 = arith.constant 1 : i32
      %add3A_389 = vector.broadcast %add3A_388 : i32 to vector<16xi32>
      %add3A_390 = arith.addi %broadcast_in_dim3A_73, %add3A_389 : vector<16xi32>
      %add3A_391 = arith.constant 11 : i32
      %add3A_392 = vector.broadcast %add3A_391 : i32 to vector<16xi32>
      %add3A_393 = arith.addi %broadcast_in_dim3A_73, %add3A_392 : vector<16xi32>
      %gather3A_394 = tpu.vector_load_idx %arg10[%add3A_390, %add3A_220, %add3A_393] : memref<2x640x16xf32, #tpu.memory_space<vmem>>[vector<16xi32>, vector<16xi32>, vector<16xi32>], vector<16xf32>,
      %add3A_395 = arith.addf %gather3A_387, %gather3A_394 : vector<16xf32>
      %max3A_396 = arith.constant 0.000000e+00 : f32
      %max3A_397 = vector.broadcast %max3A_396 : f32 to vector<16xf32>
      %max3A_398 = arith.maximumf %add3A_395, %max3A_397 : vector<16xf32>
      %add3A_399 = arith.constant 12 : i32
      %add3A_400 = vector.broadcast %add3A_399 : i32 to vector<16xi32>
      %add3A_401 = arith.addi %broadcast_in_dim3A_73, %add3A_400 : vector<16xi32>
      %gather3A_402 = tpu.vector_load_idx %arg10[%broadcast_in_dim3A_73, %add3A_220, %add3A_401] : memref<2x640x16xf32, #tpu.memory_space<vmem>>[vector<16xi32>, vector<16xi32>, vector<16xi32>], vector<16xf32>,
      %add3A_403 = arith.constant 1 : i32
      %add3A_404 = vector.broadcast %add3A_403 : i32 to vector<16xi32>
      %add3A_405 = arith.addi %broadcast_in_dim3A_73, %add3A_404 : vector<16xi32>
      %add3A_406 = arith.constant 12 : i32
      %add3A_407 = vector.broadcast %add3A_406 : i32 to vector<16xi32>
      %add3A_408 = arith.addi %broadcast_in_dim3A_73, %add3A_407 : vector<16xi32>
      %gather3A_409 = tpu.vector_load_idx %arg10[%add3A_405, %add3A_220, %add3A_408] : memref<2x640x16xf32, #tpu.memory_space<vmem>>[vector<16xi32>, vector<16xi32>, vector<16xi32>], vector<16xf32>,
      %add3A_410 = arith.addf %gather3A_402, %gather3A_409 : vector<16xf32>
      %max3A_411 = arith.constant 0.000000e+00 : f32
      %max3A_412 = vector.broadcast %max3A_411 : f32 to vector<16xf32>
      %max3A_413 = arith.maximumf %add3A_410, %max3A_412 : vector<16xf32>
      %add3A_414 = arith.constant 13 : i32
      %add3A_415 = vector.broadcast %add3A_414 : i32 to vector<16xi32>
      %add3A_416 = arith.addi %broadcast_in_dim3A_73, %add3A_415 : vector<16xi32>
      %gather3A_417 = tpu.vector_load_idx %arg10[%broadcast_in_dim3A_73, %add3A_220, %add3A_416] : memref<2x640x16xf32, #tpu.memory_space<vmem>>[vector<16xi32>, vector<16xi32>, vector<16xi32>], vector<16xf32>,
      %add3A_418 = arith.constant 1 : i32
      %add3A_419 = vector.broadcast %add3A_418 : i32 to vector<16xi32>
      %add3A_420 = arith.addi %broadcast_in_dim3A_73, %add3A_419 : vector<16xi32>
      %add3A_421 = arith.constant 13 : i32
      %add3A_422 = vector.broadcast %add3A_421 : i32 to vector<16xi32>
      %add3A_423 = arith.addi %broadcast_in_dim3A_73, %add3A_422 : vector<16xi32>
      %gather3A_424 = tpu.vector_load_idx %arg10[%add3A_420, %add3A_220, %add3A_423] : memref<2x640x16xf32, #tpu.memory_space<vmem>>[vector<16xi32>, vector<16xi32>, vector<16xi32>], vector<16xf32>,
      %add3A_425 = arith.addf %gather3A_417, %gather3A_424 : vector<16xf32>
      %max3A_426 = arith.constant 0.000000e+00 : f32
      %max3A_427 = vector.broadcast %max3A_426 : f32 to vector<16xf32>
      %max3A_428 = arith.maximumf %add3A_425, %max3A_427 : vector<16xf32>
      %add3A_429 = arith.constant 14 : i32
      %add3A_430 = vector.broadcast %add3A_429 : i32 to vector<16xi32>
      %add3A_431 = arith.addi %broadcast_in_dim3A_73, %add3A_430 : vector<16xi32>
      %gather3A_432 = tpu.vector_load_idx %arg10[%broadcast_in_dim3A_73, %add3A_220, %add3A_431] : memref<2x640x16xf32, #tpu.memory_space<vmem>>[vector<16xi32>, vector<16xi32>, vector<16xi32>], vector<16xf32>,
      %add3A_433 = arith.constant 1 : i32
      %add3A_434 = vector.broadcast %add3A_433 : i32 to vector<16xi32>
      %add3A_435 = arith.addi %broadcast_in_dim3A_73, %add3A_434 : vector<16xi32>
      %add3A_436 = arith.constant 14 : i32
      %add3A_437 = vector.broadcast %add3A_436 : i32 to vector<16xi32>
      %add3A_438 = arith.addi %broadcast_in_dim3A_73, %add3A_437 : vector<16xi32>
      %gather3A_439 = tpu.vector_load_idx %arg10[%add3A_435, %add3A_220, %add3A_438] : memref<2x640x16xf32, #tpu.memory_space<vmem>>[vector<16xi32>, vector<16xi32>, vector<16xi32>], vector<16xf32>,
      %add3A_440 = arith.addf %gather3A_432, %gather3A_439 : vector<16xf32>
      %max3A_441 = arith.constant 0.000000e+00 : f32
      %max3A_442 = vector.broadcast %max3A_441 : f32 to vector<16xf32>
      %max3A_443 = arith.maximumf %add3A_440, %max3A_442 : vector<16xf32>
      %add3A_444 = arith.constant 15 : i32
      %add3A_445 = vector.broadcast %add3A_444 : i32 to vector<16xi32>
      %add3A_446 = arith.addi %broadcast_in_dim3A_73, %add3A_445 : vector<16xi32>
      %gather3A_447 = tpu.vector_load_idx %arg10[%broadcast_in_dim3A_73, %add3A_220, %add3A_446] : memref<2x640x16xf32, #tpu.memory_space<vmem>>[vector<16xi32>, vector<16xi32>, vector<16xi32>], vector<16xf32>,
      %add3A_448 = arith.constant 1 : i32
      %add3A_449 = vector.broadcast %add3A_448 : i32 to vector<16xi32>
      %add3A_450 = arith.addi %broadcast_in_dim3A_73, %add3A_449 : vector<16xi32>
      %add3A_451 = arith.constant 15 : i32
      %add3A_452 = vector.broadcast %add3A_451 : i32 to vector<16xi32>
      %add3A_453 = arith.addi %broadcast_in_dim3A_73, %add3A_452 : vector<16xi32>
      %gather3A_454 = tpu.vector_load_idx %arg10[%add3A_450, %add3A_220, %add3A_453] : memref<2x640x16xf32, #tpu.memory_space<vmem>>[vector<16xi32>, vector<16xi32>, vector<16xi32>], vector<16xf32>,
      %add3A_455 = arith.addf %gather3A_447, %gather3A_454 : vector<16xf32>
      %max3A_456 = arith.constant 0.000000e+00 : f32
      %max3A_457 = vector.broadcast %max3A_456 : f32 to vector<16xf32>
      %max3A_458 = arith.maximumf %add3A_455, %max3A_457 : vector<16xf32>
      %slice3A = vector.extract_strided_slice %get3A_75 {offsets = [0], sizes = [1], strides = [1]} : vector<16xf32> to vector<1xf32>
      %squeeze3A = vector.extract %slice3A[0] : f32 from vector<1xf32>
      %mul3A_459 = vector.broadcast %squeeze3A : f32 to vector<16xf32>
      %mul3A_460 = arith.mulf %max3A_233, %mul3A_459 : vector<16xf32>
      %slice3A_461 = vector.extract_strided_slice %get3A_75 {offsets = [8], sizes = [1], strides = [1]} : vector<16xf32> to vector<1xf32>
      %squeeze3A_462 = vector.extract %slice3A_461[0] : f32 from vector<1xf32>
      %mul3A_463 = vector.broadcast %squeeze3A_462 : f32 to vector<16xf32>
      %mul3A_464 = arith.mulf %max3A_248, %mul3A_463 : vector<16xf32>
      %add3A_465 = arith.addf %mul3A_460, %mul3A_464 : vector<16xf32>
      %slice3A_466 = vector.extract_strided_slice %get3A_77 {offsets = [0], sizes = [1], strides = [1]} : vector<16xf32> to vector<1xf32>
      %squeeze3A_467 = vector.extract %slice3A_466[0] : f32 from vector<1xf32>
      %mul3A_468 = vector.broadcast %squeeze3A_467 : f32 to vector<16xf32>
      %mul3A_469 = arith.mulf %max3A_263, %mul3A_468 : vector<16xf32>
      %add3A_470 = arith.addf %add3A_465, %mul3A_469 : vector<16xf32>
      %slice3A_471 = vector.extract_strided_slice %get3A_77 {offsets = [8], sizes = [1], strides = [1]} : vector<16xf32> to vector<1xf32>
      %squeeze3A_472 = vector.extract %slice3A_471[0] : f32 from vector<1xf32>
      %mul3A_473 = vector.broadcast %squeeze3A_472 : f32 to vector<16xf32>
      %mul3A_474 = arith.mulf %max3A_278, %mul3A_473 : vector<16xf32>
      %add3A_475 = arith.addf %add3A_470, %mul3A_474 : vector<16xf32>
      %slice3A_476 = vector.extract_strided_slice %get3A_79 {offsets = [0], sizes = [1], strides = [1]} : vector<16xf32> to vector<1xf32>
      %squeeze3A_477 = vector.extract %slice3A_476[0] : f32 from vector<1xf32>
      %mul3A_478 = vector.broadcast %squeeze3A_477 : f32 to vector<16xf32>
      %mul3A_479 = arith.mulf %max3A_293, %mul3A_478 : vector<16xf32>
      %add3A_480 = arith.addf %add3A_475, %mul3A_479 : vector<16xf32>
      %slice3A_481 = vector.extract_strided_slice %get3A_79 {offsets = [8], sizes = [1], strides = [1]} : vector<16xf32> to vector<1xf32>
      %squeeze3A_482 = vector.extract %slice3A_481[0] : f32 from vector<1xf32>
      %mul3A_483 = vector.broadcast %squeeze3A_482 : f32 to vector<16xf32>
      %mul3A_484 = arith.mulf %max3A_308, %mul3A_483 : vector<16xf32>
      %add3A_485 = arith.addf %add3A_480, %mul3A_484 : vector<16xf32>
      %slice3A_486 = vector.extract_strided_slice %get3A_81 {offsets = [0], sizes = [1], strides = [1]} : vector<16xf32> to vector<1xf32>
      %squeeze3A_487 = vector.extract %slice3A_486[0] : f32 from vector<1xf32>
      %mul3A_488 = vector.broadcast %squeeze3A_487 : f32 to vector<16xf32>
      %mul3A_489 = arith.mulf %max3A_323, %mul3A_488 : vector<16xf32>
      %add3A_490 = arith.addf %add3A_485, %mul3A_489 : vector<16xf32>
      %slice3A_491 = vector.extract_strided_slice %get3A_81 {offsets = [8], sizes = [1], strides = [1]} : vector<16xf32> to vector<1xf32>
      %squeeze3A_492 = vector.extract %slice3A_491[0] : f32 from vector<1xf32>
      %mul3A_493 = vector.broadcast %squeeze3A_492 : f32 to vector<16xf32>
      %mul3A_494 = arith.mulf %max3A_338, %mul3A_493 : vector<16xf32>
      %add3A_495 = arith.addf %add3A_490, %mul3A_494 : vector<16xf32>
      %slice3A_496 = vector.extract_strided_slice %get3A_83 {offsets = [0], sizes = [1], strides = [1]} : vector<16xf32> to vector<1xf32>
      %squeeze3A_497 = vector.extract %slice3A_496[0] : f32 from vector<1xf32>
      %mul3A_498 = vector.broadcast %squeeze3A_497 : f32 to vector<16xf32>
      %mul3A_499 = arith.mulf %max3A_353, %mul3A_498 : vector<16xf32>
      %add3A_500 = arith.addf %add3A_495, %mul3A_499 : vector<16xf32>
      %slice3A_501 = vector.extract_strided_slice %get3A_83 {offsets = [8], sizes = [1], strides = [1]} : vector<16xf32> to vector<1xf32>
      %squeeze3A_502 = vector.extract %slice3A_501[0] : f32 from vector<1xf32>
      %mul3A_503 = vector.broadcast %squeeze3A_502 : f32 to vector<16xf32>
      %mul3A_504 = arith.mulf %max3A_368, %mul3A_503 : vector<16xf32>
      %add3A_505 = arith.addf %add3A_500, %mul3A_504 : vector<16xf32>
      %slice3A_506 = vector.extract_strided_slice %get3A_85 {offsets = [0], sizes = [1], strides = [1]} : vector<16xf32> to vector<1xf32>
      %squeeze3A_507 = vector.extract %slice3A_506[0] : f32 from vector<1xf32>
      %mul3A_508 = vector.broadcast %squeeze3A_507 : f32 to vector<16xf32>
      %mul3A_509 = arith.mulf %max3A_383, %mul3A_508 : vector<16xf32>
      %add3A_510 = arith.addf %add3A_505, %mul3A_509 : vector<16xf32>
      %slice3A_511 = vector.extract_strided_slice %get3A_85 {offsets = [8], sizes = [1], strides = [1]} : vector<16xf32> to vector<1xf32>
      %squeeze3A_512 = vector.extract %slice3A_511[0] : f32 from vector<1xf32>
      %mul3A_513 = vector.broadcast %squeeze3A_512 : f32 to vector<16xf32>
      %mul3A_514 = arith.mulf %max3A_398, %mul3A_513 : vector<16xf32>
      %add3A_515 = arith.addf %add3A_510, %mul3A_514 : vector<16xf32>
      %slice3A_516 = vector.extract_strided_slice %get3A_87 {offsets = [0], sizes = [1], strides = [1]} : vector<16xf32> to vector<1xf32>
      %squeeze3A_517 = vector.extract %slice3A_516[0] : f32 from vector<1xf32>
      %mul3A_518 = vector.broadcast %squeeze3A_517 : f32 to vector<16xf32>
      %mul3A_519 = arith.mulf %max3A_413, %mul3A_518 : vector<16xf32>
      %add3A_520 = arith.addf %add3A_515, %mul3A_519 : vector<16xf32>
      %slice3A_521 = vector.extract_strided_slice %get3A_87 {offsets = [8], sizes = [1], strides = [1]} : vector<16xf32> to vector<1xf32>
      %squeeze3A_522 = vector.extract %slice3A_521[0] : f32 from vector<1xf32>
      %mul3A_523 = vector.broadcast %squeeze3A_522 : f32 to vector<16xf32>
      %mul3A_524 = arith.mulf %max3A_428, %mul3A_523 : vector<16xf32>
      %add3A_525 = arith.addf %add3A_520, %mul3A_524 : vector<16xf32>
      %slice3A_526 = vector.extract_strided_slice %get3A_89 {offsets = [0], sizes = [1], strides = [1]} : vector<16xf32> to vector<1xf32>
      %squeeze3A_527 = vector.extract %slice3A_526[0] : f32 from vector<1xf32>
      %mul3A_528 = vector.broadcast %squeeze3A_527 : f32 to vector<16xf32>
      %mul3A_529 = arith.mulf %max3A_443, %mul3A_528 : vector<16xf32>
      %add3A_530 = arith.addf %add3A_525, %mul3A_529 : vector<16xf32>
      %slice3A_531 = vector.extract_strided_slice %get3A_89 {offsets = [8], sizes = [1], strides = [1]} : vector<16xf32> to vector<1xf32>
      %squeeze3A_532 = vector.extract %slice3A_531[0] : f32 from vector<1xf32>
      %mul3A_533 = vector.broadcast %squeeze3A_532 : f32 to vector<16xf32>
      %mul3A_534 = arith.mulf %max3A_458, %mul3A_533 : vector<16xf32>
      %add3A_535 = arith.addf %add3A_530, %mul3A_534 : vector<16xf32>
      %add3A_536 = arith.constant 0 : i32
      %add3A_537 = vector.broadcast %add3A_536 : i32 to vector<16xi32>
      %add3A_538 = arith.addi %broadcast_in_dim3A_73, %add3A_537 : vector<16xi32>
      tpu.vector_store_idx %arg11[%add3A_220, %add3A_538], %add3A_535 : memref<640x8xf32, #tpu.memory_space<vmem>>[vector<16xi32>, vector<16xi32>], vector<16xf32>,
      %slice3A_539 = vector.extract_strided_slice %get3A_75 {offsets = [1], sizes = [1], strides = [1]} : vector<16xf32> to vector<1xf32>
      %squeeze3A_540 = vector.extract %slice3A_539[0] : f32 from vector<1xf32>
      %mul3A_541 = vector.broadcast %squeeze3A_540 : f32 to vector<16xf32>
      %mul3A_542 = arith.mulf %max3A_233, %mul3A_541 : vector<16xf32>
      %slice3A_543 = vector.extract_strided_slice %get3A_75 {offsets = [9], sizes = [1], strides = [1]} : vector<16xf32> to vector<1xf32>
      %squeeze3A_544 = vector.extract %slice3A_543[0] : f32 from vector<1xf32>
      %mul3A_545 = vector.broadcast %squeeze3A_544 : f32 to vector<16xf32>
      %mul3A_546 = arith.mulf %max3A_248, %mul3A_545 : vector<16xf32>
      %add3A_547 = arith.addf %mul3A_542, %mul3A_546 : vector<16xf32>
      %slice3A_548 = vector.extract_strided_slice %get3A_77 {offsets = [1], sizes = [1], strides = [1]} : vector<16xf32> to vector<1xf32>
      %squeeze3A_549 = vector.extract %slice3A_548[0] : f32 from vector<1xf32>
      %mul3A_550 = vector.broadcast %squeeze3A_549 : f32 to vector<16xf32>
      %mul3A_551 = arith.mulf %max3A_263, %mul3A_550 : vector<16xf32>
      %add3A_552 = arith.addf %add3A_547, %mul3A_551 : vector<16xf32>
      %slice3A_553 = vector.extract_strided_slice %get3A_77 {offsets = [9], sizes = [1], strides = [1]} : vector<16xf32> to vector<1xf32>
      %squeeze3A_554 = vector.extract %slice3A_553[0] : f32 from vector<1xf32>
      %mul3A_555 = vector.broadcast %squeeze3A_554 : f32 to vector<16xf32>
      %mul3A_556 = arith.mulf %max3A_278, %mul3A_555 : vector<16xf32>
      %add3A_557 = arith.addf %add3A_552, %mul3A_556 : vector<16xf32>
      %slice3A_558 = vector.extract_strided_slice %get3A_79 {offsets = [1], sizes = [1], strides = [1]} : vector<16xf32> to vector<1xf32>
      %squeeze3A_559 = vector.extract %slice3A_558[0] : f32 from vector<1xf32>
      %mul3A_560 = vector.broadcast %squeeze3A_559 : f32 to vector<16xf32>
      %mul3A_561 = arith.mulf %max3A_293, %mul3A_560 : vector<16xf32>
      %add3A_562 = arith.addf %add3A_557, %mul3A_561 : vector<16xf32>
      %slice3A_563 = vector.extract_strided_slice %get3A_79 {offsets = [9], sizes = [1], strides = [1]} : vector<16xf32> to vector<1xf32>
      %squeeze3A_564 = vector.extract %slice3A_563[0] : f32 from vector<1xf32>
      %mul3A_565 = vector.broadcast %squeeze3A_564 : f32 to vector<16xf32>
      %mul3A_566 = arith.mulf %max3A_308, %mul3A_565 : vector<16xf32>
      %add3A_567 = arith.addf %add3A_562, %mul3A_566 : vector<16xf32>
      %slice3A_568 = vector.extract_strided_slice %get3A_81 {offsets = [1], sizes = [1], strides = [1]} : vector<16xf32> to vector<1xf32>
      %squeeze3A_569 = vector.extract %slice3A_568[0] : f32 from vector<1xf32>
      %mul3A_570 = vector.broadcast %squeeze3A_569 : f32 to vector<16xf32>
      %mul3A_571 = arith.mulf %max3A_323, %mul3A_570 : vector<16xf32>
      %add3A_572 = arith.addf %add3A_567, %mul3A_571 : vector<16xf32>
      %slice3A_573 = vector.extract_strided_slice %get3A_81 {offsets = [9], sizes = [1], strides = [1]} : vector<16xf32> to vector<1xf32>
      %squeeze3A_574 = vector.extract %slice3A_573[0] : f32 from vector<1xf32>
      %mul3A_575 = vector.broadcast %squeeze3A_574 : f32 to vector<16xf32>
      %mul3A_576 = arith.mulf %max3A_338, %mul3A_575 : vector<16xf32>
      %add3A_577 = arith.addf %add3A_572, %mul3A_576 : vector<16xf32>
      %slice3A_578 = vector.extract_strided_slice %get3A_83 {offsets = [1], sizes = [1], strides = [1]} : vector<16xf32> to vector<1xf32>
      %squeeze3A_579 = vector.extract %slice3A_578[0] : f32 from vector<1xf32>
      %mul3A_580 = vector.broadcast %squeeze3A_579 : f32 to vector<16xf32>
      %mul3A_581 = arith.mulf %max3A_353, %mul3A_580 : vector<16xf32>
      %add3A_582 = arith.addf %add3A_577, %mul3A_581 : vector<16xf32>
      %slice3A_583 = vector.extract_strided_slice %get3A_83 {offsets = [9], sizes = [1], strides = [1]} : vector<16xf32> to vector<1xf32>
      %squeeze3A_584 = vector.extract %slice3A_583[0] : f32 from vector<1xf32>
      %mul3A_585 = vector.broadcast %squeeze3A_584 : f32 to vector<16xf32>
      %mul3A_586 = arith.mulf %max3A_368, %mul3A_585 : vector<16xf32>
      %add3A_587 = arith.addf %add3A_582, %mul3A_586 : vector<16xf32>
      %slice3A_588 = vector.extract_strided_slice %get3A_85 {offsets = [1], sizes = [1], strides = [1]} : vector<16xf32> to vector<1xf32>
      %squeeze3A_589 = vector.extract %slice3A_588[0] : f32 from vector<1xf32>
      %mul3A_590 = vector.broadcast %squeeze3A_589 : f32 to vector<16xf32>
      %mul3A_591 = arith.mulf %max3A_383, %mul3A_590 : vector<16xf32>
      %add3A_592 = arith.addf %add3A_587, %mul3A_591 : vector<16xf32>
      %slice3A_593 = vector.extract_strided_slice %get3A_85 {offsets = [9], sizes = [1], strides = [1]} : vector<16xf32> to vector<1xf32>
      %squeeze3A_594 = vector.extract %slice3A_593[0] : f32 from vector<1xf32>
      %mul3A_595 = vector.broadcast %squeeze3A_594 : f32 to vector<16xf32>
      %mul3A_596 = arith.mulf %max3A_398, %mul3A_595 : vector<16xf32>
      %add3A_597 = arith.addf %add3A_592, %mul3A_596 : vector<16xf32>
      %slice3A_598 = vector.extract_strided_slice %get3A_87 {offsets = [1], sizes = [1], strides = [1]} : vector<16xf32> to vector<1xf32>
      %squeeze3A_599 = vector.extract %slice3A_598[0] : f32 from vector<1xf32>
      %mul3A_600 = vector.broadcast %squeeze3A_599 : f32 to vector<16xf32>
      %mul3A_601 = arith.mulf %max3A_413, %mul3A_600 : vector<16xf32>
      %add3A_602 = arith.addf %add3A_597, %mul3A_601 : vector<16xf32>
      %slice3A_603 = vector.extract_strided_slice %get3A_87 {offsets = [9], sizes = [1], strides = [1]} : vector<16xf32> to vector<1xf32>
      %squeeze3A_604 = vector.extract %slice3A_603[0] : f32 from vector<1xf32>
      %mul3A_605 = vector.broadcast %squeeze3A_604 : f32 to vector<16xf32>
      %mul3A_606 = arith.mulf %max3A_428, %mul3A_605 : vector<16xf32>
      %add3A_607 = arith.addf %add3A_602, %mul3A_606 : vector<16xf32>
      %slice3A_608 = vector.extract_strided_slice %get3A_89 {offsets = [1], sizes = [1], strides = [1]} : vector<16xf32> to vector<1xf32>
      %squeeze3A_609 = vector.extract %slice3A_608[0] : f32 from vector<1xf32>
      %mul3A_610 = vector.broadcast %squeeze3A_609 : f32 to vector<16xf32>
      %mul3A_611 = arith.mulf %max3A_443, %mul3A_610 : vector<16xf32>
      %add3A_612 = arith.addf %add3A_607, %mul3A_611 : vector<16xf32>
      %slice3A_613 = vector.extract_strided_slice %get3A_89 {offsets = [9], sizes = [1], strides = [1]} : vector<16xf32> to vector<1xf32>
      %squeeze3A_614 = vector.extract %slice3A_613[0] : f32 from vector<1xf32>
      %mul3A_615 = vector.broadcast %squeeze3A_614 : f32 to vector<16xf32>
      %mul3A_616 = arith.mulf %max3A_458, %mul3A_615 : vector<16xf32>
      %add3A_617 = arith.addf %add3A_612, %mul3A_616 : vector<16xf32>
      %add3A_618 = arith.constant 1 : i32
      %add3A_619 = vector.broadcast %add3A_618 : i32 to vector<16xi32>
      %add3A_620 = arith.addi %broadcast_in_dim3A_73, %add3A_619 : vector<16xi32>
      tpu.vector_store_idx %arg11[%add3A_220, %add3A_620], %add3A_617 : memref<640x8xf32, #tpu.memory_space<vmem>>[vector<16xi32>, vector<16xi32>], vector<16xf32>,
      %slice3A_621 = vector.extract_strided_slice %get3A_75 {offsets = [2], sizes = [1], strides = [1]} : vector<16xf32> to vector<1xf32>
      %squeeze3A_622 = vector.extract %slice3A_621[0] : f32 from vector<1xf32>
      %mul3A_623 = vector.broadcast %squeeze3A_622 : f32 to vector<16xf32>
      %mul3A_624 = arith.mulf %max3A_233, %mul3A_623 : vector<16xf32>
      %slice3A_625 = vector.extract_strided_slice %get3A_75 {offsets = [10], sizes = [1], strides = [1]} : vector<16xf32> to vector<1xf32>
      %squeeze3A_626 = vector.extract %slice3A_625[0] : f32 from vector<1xf32>
      %mul3A_627 = vector.broadcast %squeeze3A_626 : f32 to vector<16xf32>
      %mul3A_628 = arith.mulf %max3A_248, %mul3A_627 : vector<16xf32>
      %add3A_629 = arith.addf %mul3A_624, %mul3A_628 : vector<16xf32>
      %slice3A_630 = vector.extract_strided_slice %get3A_77 {offsets = [2], sizes = [1], strides = [1]} : vector<16xf32> to vector<1xf32>
      %squeeze3A_631 = vector.extract %slice3A_630[0] : f32 from vector<1xf32>
      %mul3A_632 = vector.broadcast %squeeze3A_631 : f32 to vector<16xf32>
      %mul3A_633 = arith.mulf %max3A_263, %mul3A_632 : vector<16xf32>
      %add3A_634 = arith.addf %add3A_629, %mul3A_633 : vector<16xf32>
      %slice3A_635 = vector.extract_strided_slice %get3A_77 {offsets = [10], sizes = [1], strides = [1]} : vector<16xf32> to vector<1xf32>
      %squeeze3A_636 = vector.extract %slice3A_635[0] : f32 from vector<1xf32>
      %mul3A_637 = vector.broadcast %squeeze3A_636 : f32 to vector<16xf32>
      %mul3A_638 = arith.mulf %max3A_278, %mul3A_637 : vector<16xf32>
      %add3A_639 = arith.addf %add3A_634, %mul3A_638 : vector<16xf32>
      %slice3A_640 = vector.extract_strided_slice %get3A_79 {offsets = [2], sizes = [1], strides = [1]} : vector<16xf32> to vector<1xf32>
      %squeeze3A_641 = vector.extract %slice3A_640[0] : f32 from vector<1xf32>
      %mul3A_642 = vector.broadcast %squeeze3A_641 : f32 to vector<16xf32>
      %mul3A_643 = arith.mulf %max3A_293, %mul3A_642 : vector<16xf32>
      %add3A_644 = arith.addf %add3A_639, %mul3A_643 : vector<16xf32>
      %slice3A_645 = vector.extract_strided_slice %get3A_79 {offsets = [10], sizes = [1], strides = [1]} : vector<16xf32> to vector<1xf32>
      %squeeze3A_646 = vector.extract %slice3A_645[0] : f32 from vector<1xf32>
      %mul3A_647 = vector.broadcast %squeeze3A_646 : f32 to vector<16xf32>
      %mul3A_648 = arith.mulf %max3A_308, %mul3A_647 : vector<16xf32>
      %add3A_649 = arith.addf %add3A_644, %mul3A_648 : vector<16xf32>
      %slice3A_650 = vector.extract_strided_slice %get3A_81 {offsets = [2], sizes = [1], strides = [1]} : vector<16xf32> to vector<1xf32>
      %squeeze3A_651 = vector.extract %slice3A_650[0] : f32 from vector<1xf32>
      %mul3A_652 = vector.broadcast %squeeze3A_651 : f32 to vector<16xf32>
      %mul3A_653 = arith.mulf %max3A_323, %mul3A_652 : vector<16xf32>
      %add3A_654 = arith.addf %add3A_649, %mul3A_653 : vector<16xf32>
      %slice3A_655 = vector.extract_strided_slice %get3A_81 {offsets = [10], sizes = [1], strides = [1]} : vector<16xf32> to vector<1xf32>
      %squeeze3A_656 = vector.extract %slice3A_655[0] : f32 from vector<1xf32>
      %mul3A_657 = vector.broadcast %squeeze3A_656 : f32 to vector<16xf32>
      %mul3A_658 = arith.mulf %max3A_338, %mul3A_657 : vector<16xf32>
      %add3A_659 = arith.addf %add3A_654, %mul3A_658 : vector<16xf32>
      %slice3A_660 = vector.extract_strided_slice %get3A_83 {offsets = [2], sizes = [1], strides = [1]} : vector<16xf32> to vector<1xf32>
      %squeeze3A_661 = vector.extract %slice3A_660[0] : f32 from vector<1xf32>
      %mul3A_662 = vector.broadcast %squeeze3A_661 : f32 to vector<16xf32>
      %mul3A_663 = arith.mulf %max3A_353, %mul3A_662 : vector<16xf32>
      %add3A_664 = arith.addf %add3A_659, %mul3A_663 : vector<16xf32>
      %slice3A_665 = vector.extract_strided_slice %get3A_83 {offsets = [10], sizes = [1], strides = [1]} : vector<16xf32> to vector<1xf32>
      %squeeze3A_666 = vector.extract %slice3A_665[0] : f32 from vector<1xf32>
      %mul3A_667 = vector.broadcast %squeeze3A_666 : f32 to vector<16xf32>
      %mul3A_668 = arith.mulf %max3A_368, %mul3A_667 : vector<16xf32>
      %add3A_669 = arith.addf %add3A_664, %mul3A_668 : vector<16xf32>
      %slice3A_670 = vector.extract_strided_slice %get3A_85 {offsets = [2], sizes = [1], strides = [1]} : vector<16xf32> to vector<1xf32>
      %squeeze3A_671 = vector.extract %slice3A_670[0] : f32 from vector<1xf32>
      %mul3A_672 = vector.broadcast %squeeze3A_671 : f32 to vector<16xf32>
      %mul3A_673 = arith.mulf %max3A_383, %mul3A_672 : vector<16xf32>
      %add3A_674 = arith.addf %add3A_669, %mul3A_673 : vector<16xf32>
      %slice3A_675 = vector.extract_strided_slice %get3A_85 {offsets = [10], sizes = [1], strides = [1]} : vector<16xf32> to vector<1xf32>
      %squeeze3A_676 = vector.extract %slice3A_675[0] : f32 from vector<1xf32>
      %mul3A_677 = vector.broadcast %squeeze3A_676 : f32 to vector<16xf32>
      %mul3A_678 = arith.mulf %max3A_398, %mul3A_677 : vector<16xf32>
      %add3A_679 = arith.addf %add3A_674, %mul3A_678 : vector<16xf32>
      %slice3A_680 = vector.extract_strided_slice %get3A_87 {offsets = [2], sizes = [1], strides = [1]} : vector<16xf32> to vector<1xf32>
      %squeeze3A_681 = vector.extract %slice3A_680[0] : f32 from vector<1xf32>
      %mul3A_682 = vector.broadcast %squeeze3A_681 : f32 to vector<16xf32>
      %mul3A_683 = arith.mulf %max3A_413, %mul3A_682 : vector<16xf32>
      %add3A_684 = arith.addf %add3A_679, %mul3A_683 : vector<16xf32>
      %slice3A_685 = vector.extract_strided_slice %get3A_87 {offsets = [10], sizes = [1], strides = [1]} : vector<16xf32> to vector<1xf32>
      %squeeze3A_686 = vector.extract %slice3A_685[0] : f32 from vector<1xf32>
      %mul3A_687 = vector.broadcast %squeeze3A_686 : f32 to vector<16xf32>
      %mul3A_688 = arith.mulf %max3A_428, %mul3A_687 : vector<16xf32>
      %add3A_689 = arith.addf %add3A_684, %mul3A_688 : vector<16xf32>
      %slice3A_690 = vector.extract_strided_slice %get3A_89 {offsets = [2], sizes = [1], strides = [1]} : vector<16xf32> to vector<1xf32>
      %squeeze3A_691 = vector.extract %slice3A_690[0] : f32 from vector<1xf32>
      %mul3A_692 = vector.broadcast %squeeze3A_691 : f32 to vector<16xf32>
      %mul3A_693 = arith.mulf %max3A_443, %mul3A_692 : vector<16xf32>
      %add3A_694 = arith.addf %add3A_689, %mul3A_693 : vector<16xf32>
      %slice3A_695 = vector.extract_strided_slice %get3A_89 {offsets = [10], sizes = [1], strides = [1]} : vector<16xf32> to vector<1xf32>
      %squeeze3A_696 = vector.extract %slice3A_695[0] : f32 from vector<1xf32>
      %mul3A_697 = vector.broadcast %squeeze3A_696 : f32 to vector<16xf32>
      %mul3A_698 = arith.mulf %max3A_458, %mul3A_697 : vector<16xf32>
      %add3A_699 = arith.addf %add3A_694, %mul3A_698 : vector<16xf32>
      %add3A_700 = arith.constant 2 : i32
      %add3A_701 = vector.broadcast %add3A_700 : i32 to vector<16xi32>
      %add3A_702 = arith.addi %broadcast_in_dim3A_73, %add3A_701 : vector<16xi32>
      tpu.vector_store_idx %arg11[%add3A_220, %add3A_702], %add3A_699 : memref<640x8xf32, #tpu.memory_space<vmem>>[vector<16xi32>, vector<16xi32>], vector<16xf32>,
      %slice3A_703 = vector.extract_strided_slice %get3A_75 {offsets = [3], sizes = [1], strides = [1]} : vector<16xf32> to vector<1xf32>
      %squeeze3A_704 = vector.extract %slice3A_703[0] : f32 from vector<1xf32>
      %mul3A_705 = vector.broadcast %squeeze3A_704 : f32 to vector<16xf32>
      %mul3A_706 = arith.mulf %max3A_233, %mul3A_705 : vector<16xf32>
      %slice3A_707 = vector.extract_strided_slice %get3A_75 {offsets = [11], sizes = [1], strides = [1]} : vector<16xf32> to vector<1xf32>
      %squeeze3A_708 = vector.extract %slice3A_707[0] : f32 from vector<1xf32>
      %mul3A_709 = vector.broadcast %squeeze3A_708 : f32 to vector<16xf32>
      %mul3A_710 = arith.mulf %max3A_248, %mul3A_709 : vector<16xf32>
      %add3A_711 = arith.addf %mul3A_706, %mul3A_710 : vector<16xf32>
      %slice3A_712 = vector.extract_strided_slice %get3A_77 {offsets = [3], sizes = [1], strides = [1]} : vector<16xf32> to vector<1xf32>
      %squeeze3A_713 = vector.extract %slice3A_712[0] : f32 from vector<1xf32>
      %mul3A_714 = vector.broadcast %squeeze3A_713 : f32 to vector<16xf32>
      %mul3A_715 = arith.mulf %max3A_263, %mul3A_714 : vector<16xf32>
      %add3A_716 = arith.addf %add3A_711, %mul3A_715 : vector<16xf32>
      %slice3A_717 = vector.extract_strided_slice %get3A_77 {offsets = [11], sizes = [1], strides = [1]} : vector<16xf32> to vector<1xf32>
      %squeeze3A_718 = vector.extract %slice3A_717[0] : f32 from vector<1xf32>
      %mul3A_719 = vector.broadcast %squeeze3A_718 : f32 to vector<16xf32>
      %mul3A_720 = arith.mulf %max3A_278, %mul3A_719 : vector<16xf32>
      %add3A_721 = arith.addf %add3A_716, %mul3A_720 : vector<16xf32>
      %slice3A_722 = vector.extract_strided_slice %get3A_79 {offsets = [3], sizes = [1], strides = [1]} : vector<16xf32> to vector<1xf32>
      %squeeze3A_723 = vector.extract %slice3A_722[0] : f32 from vector<1xf32>
      %mul3A_724 = vector.broadcast %squeeze3A_723 : f32 to vector<16xf32>
      %mul3A_725 = arith.mulf %max3A_293, %mul3A_724 : vector<16xf32>
      %add3A_726 = arith.addf %add3A_721, %mul3A_725 : vector<16xf32>
      %slice3A_727 = vector.extract_strided_slice %get3A_79 {offsets = [11], sizes = [1], strides = [1]} : vector<16xf32> to vector<1xf32>
      %squeeze3A_728 = vector.extract %slice3A_727[0] : f32 from vector<1xf32>
      %mul3A_729 = vector.broadcast %squeeze3A_728 : f32 to vector<16xf32>
      %mul3A_730 = arith.mulf %max3A_308, %mul3A_729 : vector<16xf32>
      %add3A_731 = arith.addf %add3A_726, %mul3A_730 : vector<16xf32>
      %slice3A_732 = vector.extract_strided_slice %get3A_81 {offsets = [3], sizes = [1], strides = [1]} : vector<16xf32> to vector<1xf32>
      %squeeze3A_733 = vector.extract %slice3A_732[0] : f32 from vector<1xf32>
      %mul3A_734 = vector.broadcast %squeeze3A_733 : f32 to vector<16xf32>
      %mul3A_735 = arith.mulf %max3A_323, %mul3A_734 : vector<16xf32>
      %add3A_736 = arith.addf %add3A_731, %mul3A_735 : vector<16xf32>
      %slice3A_737 = vector.extract_strided_slice %get3A_81 {offsets = [11], sizes = [1], strides = [1]} : vector<16xf32> to vector<1xf32>
      %squeeze3A_738 = vector.extract %slice3A_737[0] : f32 from vector<1xf32>
      %mul3A_739 = vector.broadcast %squeeze3A_738 : f32 to vector<16xf32>
      %mul3A_740 = arith.mulf %max3A_338, %mul3A_739 : vector<16xf32>
      %add3A_741 = arith.addf %add3A_736, %mul3A_740 : vector<16xf32>
      %slice3A_742 = vector.extract_strided_slice %get3A_83 {offsets = [3], sizes = [1], strides = [1]} : vector<16xf32> to vector<1xf32>
      %squeeze3A_743 = vector.extract %slice3A_742[0] : f32 from vector<1xf32>
      %mul3A_744 = vector.broadcast %squeeze3A_743 : f32 to vector<16xf32>
      %mul3A_745 = arith.mulf %max3A_353, %mul3A_744 : vector<16xf32>
      %add3A_746 = arith.addf %add3A_741, %mul3A_745 : vector<16xf32>
      %slice3A_747 = vector.extract_strided_slice %get3A_83 {offsets = [11], sizes = [1], strides = [1]} : vector<16xf32> to vector<1xf32>
      %squeeze3A_748 = vector.extract %slice3A_747[0] : f32 from vector<1xf32>
      %mul3A_749 = vector.broadcast %squeeze3A_748 : f32 to vector<16xf32>
      %mul3A_750 = arith.mulf %max3A_368, %mul3A_749 : vector<16xf32>
      %add3A_751 = arith.addf %add3A_746, %mul3A_750 : vector<16xf32>
      %slice3A_752 = vector.extract_strided_slice %get3A_85 {offsets = [3], sizes = [1], strides = [1]} : vector<16xf32> to vector<1xf32>
      %squeeze3A_753 = vector.extract %slice3A_752[0] : f32 from vector<1xf32>
      %mul3A_754 = vector.broadcast %squeeze3A_753 : f32 to vector<16xf32>
      %mul3A_755 = arith.mulf %max3A_383, %mul3A_754 : vector<16xf32>
      %add3A_756 = arith.addf %add3A_751, %mul3A_755 : vector<16xf32>
      %slice3A_757 = vector.extract_strided_slice %get3A_85 {offsets = [11], sizes = [1], strides = [1]} : vector<16xf32> to vector<1xf32>
      %squeeze3A_758 = vector.extract %slice3A_757[0] : f32 from vector<1xf32>
      %mul3A_759 = vector.broadcast %squeeze3A_758 : f32 to vector<16xf32>
      %mul3A_760 = arith.mulf %max3A_398, %mul3A_759 : vector<16xf32>
      %add3A_761 = arith.addf %add3A_756, %mul3A_760 : vector<16xf32>
      %slice3A_762 = vector.extract_strided_slice %get3A_87 {offsets = [3], sizes = [1], strides = [1]} : vector<16xf32> to vector<1xf32>
      %squeeze3A_763 = vector.extract %slice3A_762[0] : f32 from vector<1xf32>
      %mul3A_764 = vector.broadcast %squeeze3A_763 : f32 to vector<16xf32>
      %mul3A_765 = arith.mulf %max3A_413, %mul3A_764 : vector<16xf32>
      %add3A_766 = arith.addf %add3A_761, %mul3A_765 : vector<16xf32>
      %slice3A_767 = vector.extract_strided_slice %get3A_87 {offsets = [11], sizes = [1], strides = [1]} : vector<16xf32> to vector<1xf32>
      %squeeze3A_768 = vector.extract %slice3A_767[0] : f32 from vector<1xf32>
      %mul3A_769 = vector.broadcast %squeeze3A_768 : f32 to vector<16xf32>
      %mul3A_770 = arith.mulf %max3A_428, %mul3A_769 : vector<16xf32>
      %add3A_771 = arith.addf %add3A_766, %mul3A_770 : vector<16xf32>
      %slice3A_772 = vector.extract_strided_slice %get3A_89 {offsets = [3], sizes = [1], strides = [1]} : vector<16xf32> to vector<1xf32>
      %squeeze3A_773 = vector.extract %slice3A_772[0] : f32 from vector<1xf32>
      %mul3A_774 = vector.broadcast %squeeze3A_773 : f32 to vector<16xf32>
      %mul3A_775 = arith.mulf %max3A_443, %mul3A_774 : vector<16xf32>
      %add3A_776 = arith.addf %add3A_771, %mul3A_775 : vector<16xf32>
      %slice3A_777 = vector.extract_strided_slice %get3A_89 {offsets = [11], sizes = [1], strides = [1]} : vector<16xf32> to vector<1xf32>
      %squeeze3A_778 = vector.extract %slice3A_777[0] : f32 from vector<1xf32>
      %mul3A_779 = vector.broadcast %squeeze3A_778 : f32 to vector<16xf32>
      %mul3A_780 = arith.mulf %max3A_458, %mul3A_779 : vector<16xf32>
      %add3A_781 = arith.addf %add3A_776, %mul3A_780 : vector<16xf32>
      %add3A_782 = arith.constant 3 : i32
      %add3A_783 = vector.broadcast %add3A_782 : i32 to vector<16xi32>
      %add3A_784 = arith.addi %broadcast_in_dim3A_73, %add3A_783 : vector<16xi32>
      tpu.vector_store_idx %arg11[%add3A_220, %add3A_784], %add3A_781 : memref<640x8xf32, #tpu.memory_space<vmem>>[vector<16xi32>, vector<16xi32>], vector<16xf32>,
      %slice3A_785 = vector.extract_strided_slice %get3A_75 {offsets = [4], sizes = [1], strides = [1]} : vector<16xf32> to vector<1xf32>
      %squeeze3A_786 = vector.extract %slice3A_785[0] : f32 from vector<1xf32>
      %mul3A_787 = vector.broadcast %squeeze3A_786 : f32 to vector<16xf32>
      %mul3A_788 = arith.mulf %max3A_233, %mul3A_787 : vector<16xf32>
      %slice3A_789 = vector.extract_strided_slice %get3A_75 {offsets = [12], sizes = [1], strides = [1]} : vector<16xf32> to vector<1xf32>
      %squeeze3A_790 = vector.extract %slice3A_789[0] : f32 from vector<1xf32>
      %mul3A_791 = vector.broadcast %squeeze3A_790 : f32 to vector<16xf32>
      %mul3A_792 = arith.mulf %max3A_248, %mul3A_791 : vector<16xf32>
      %add3A_793 = arith.addf %mul3A_788, %mul3A_792 : vector<16xf32>
      %slice3A_794 = vector.extract_strided_slice %get3A_77 {offsets = [4], sizes = [1], strides = [1]} : vector<16xf32> to vector<1xf32>
      %squeeze3A_795 = vector.extract %slice3A_794[0] : f32 from vector<1xf32>
      %mul3A_796 = vector.broadcast %squeeze3A_795 : f32 to vector<16xf32>
      %mul3A_797 = arith.mulf %max3A_263, %mul3A_796 : vector<16xf32>
      %add3A_798 = arith.addf %add3A_793, %mul3A_797 : vector<16xf32>
      %slice3A_799 = vector.extract_strided_slice %get3A_77 {offsets = [12], sizes = [1], strides = [1]} : vector<16xf32> to vector<1xf32>
      %squeeze3A_800 = vector.extract %slice3A_799[0] : f32 from vector<1xf32>
      %mul3A_801 = vector.broadcast %squeeze3A_800 : f32 to vector<16xf32>
      %mul3A_802 = arith.mulf %max3A_278, %mul3A_801 : vector<16xf32>
      %add3A_803 = arith.addf %add3A_798, %mul3A_802 : vector<16xf32>
      %slice3A_804 = vector.extract_strided_slice %get3A_79 {offsets = [4], sizes = [1], strides = [1]} : vector<16xf32> to vector<1xf32>
      %squeeze3A_805 = vector.extract %slice3A_804[0] : f32 from vector<1xf32>
      %mul3A_806 = vector.broadcast %squeeze3A_805 : f32 to vector<16xf32>
      %mul3A_807 = arith.mulf %max3A_293, %mul3A_806 : vector<16xf32>
      %add3A_808 = arith.addf %add3A_803, %mul3A_807 : vector<16xf32>
      %slice3A_809 = vector.extract_strided_slice %get3A_79 {offsets = [12], sizes = [1], strides = [1]} : vector<16xf32> to vector<1xf32>
      %squeeze3A_810 = vector.extract %slice3A_809[0] : f32 from vector<1xf32>
      %mul3A_811 = vector.broadcast %squeeze3A_810 : f32 to vector<16xf32>
      %mul3A_812 = arith.mulf %max3A_308, %mul3A_811 : vector<16xf32>
      %add3A_813 = arith.addf %add3A_808, %mul3A_812 : vector<16xf32>
      %slice3A_814 = vector.extract_strided_slice %get3A_81 {offsets = [4], sizes = [1], strides = [1]} : vector<16xf32> to vector<1xf32>
      %squeeze3A_815 = vector.extract %slice3A_814[0] : f32 from vector<1xf32>
      %mul3A_816 = vector.broadcast %squeeze3A_815 : f32 to vector<16xf32>
      %mul3A_817 = arith.mulf %max3A_323, %mul3A_816 : vector<16xf32>
      %add3A_818 = arith.addf %add3A_813, %mul3A_817 : vector<16xf32>
      %slice3A_819 = vector.extract_strided_slice %get3A_81 {offsets = [12], sizes = [1], strides = [1]} : vector<16xf32> to vector<1xf32>
      %squeeze3A_820 = vector.extract %slice3A_819[0] : f32 from vector<1xf32>
      %mul3A_821 = vector.broadcast %squeeze3A_820 : f32 to vector<16xf32>
      %mul3A_822 = arith.mulf %max3A_338, %mul3A_821 : vector<16xf32>
      %add3A_823 = arith.addf %add3A_818, %mul3A_822 : vector<16xf32>
      %slice3A_824 = vector.extract_strided_slice %get3A_83 {offsets = [4], sizes = [1], strides = [1]} : vector<16xf32> to vector<1xf32>
      %squeeze3A_825 = vector.extract %slice3A_824[0] : f32 from vector<1xf32>
      %mul3A_826 = vector.broadcast %squeeze3A_825 : f32 to vector<16xf32>
      %mul3A_827 = arith.mulf %max3A_353, %mul3A_826 : vector<16xf32>
      %add3A_828 = arith.addf %add3A_823, %mul3A_827 : vector<16xf32>
      %slice3A_829 = vector.extract_strided_slice %get3A_83 {offsets = [12], sizes = [1], strides = [1]} : vector<16xf32> to vector<1xf32>
      %squeeze3A_830 = vector.extract %slice3A_829[0] : f32 from vector<1xf32>
      %mul3A_831 = vector.broadcast %squeeze3A_830 : f32 to vector<16xf32>
      %mul3A_832 = arith.mulf %max3A_368, %mul3A_831 : vector<16xf32>
      %add3A_833 = arith.addf %add3A_828, %mul3A_832 : vector<16xf32>
      %slice3A_834 = vector.extract_strided_slice %get3A_85 {offsets = [4], sizes = [1], strides = [1]} : vector<16xf32> to vector<1xf32>
      %squeeze3A_835 = vector.extract %slice3A_834[0] : f32 from vector<1xf32>
      %mul3A_836 = vector.broadcast %squeeze3A_835 : f32 to vector<16xf32>
      %mul3A_837 = arith.mulf %max3A_383, %mul3A_836 : vector<16xf32>
      %add3A_838 = arith.addf %add3A_833, %mul3A_837 : vector<16xf32>
      %slice3A_839 = vector.extract_strided_slice %get3A_85 {offsets = [12], sizes = [1], strides = [1]} : vector<16xf32> to vector<1xf32>
      %squeeze3A_840 = vector.extract %slice3A_839[0] : f32 from vector<1xf32>
      %mul3A_841 = vector.broadcast %squeeze3A_840 : f32 to vector<16xf32>
      %mul3A_842 = arith.mulf %max3A_398, %mul3A_841 : vector<16xf32>
      %add3A_843 = arith.addf %add3A_838, %mul3A_842 : vector<16xf32>
      %slice3A_844 = vector.extract_strided_slice %get3A_87 {offsets = [4], sizes = [1], strides = [1]} : vector<16xf32> to vector<1xf32>
      %squeeze3A_845 = vector.extract %slice3A_844[0] : f32 from vector<1xf32>
      %mul3A_846 = vector.broadcast %squeeze3A_845 : f32 to vector<16xf32>
      %mul3A_847 = arith.mulf %max3A_413, %mul3A_846 : vector<16xf32>
      %add3A_848 = arith.addf %add3A_843, %mul3A_847 : vector<16xf32>
      %slice3A_849 = vector.extract_strided_slice %get3A_87 {offsets = [12], sizes = [1], strides = [1]} : vector<16xf32> to vector<1xf32>
      %squeeze3A_850 = vector.extract %slice3A_849[0] : f32 from vector<1xf32>
      %mul3A_851 = vector.broadcast %squeeze3A_850 : f32 to vector<16xf32>
      %mul3A_852 = arith.mulf %max3A_428, %mul3A_851 : vector<16xf32>
      %add3A_853 = arith.addf %add3A_848, %mul3A_852 : vector<16xf32>
      %slice3A_854 = vector.extract_strided_slice %get3A_89 {offsets = [4], sizes = [1], strides = [1]} : vector<16xf32> to vector<1xf32>
      %squeeze3A_855 = vector.extract %slice3A_854[0] : f32 from vector<1xf32>
      %mul3A_856 = vector.broadcast %squeeze3A_855 : f32 to vector<16xf32>
      %mul3A_857 = arith.mulf %max3A_443, %mul3A_856 : vector<16xf32>
      %add3A_858 = arith.addf %add3A_853, %mul3A_857 : vector<16xf32>
      %slice3A_859 = vector.extract_strided_slice %get3A_89 {offsets = [12], sizes = [1], strides = [1]} : vector<16xf32> to vector<1xf32>
      %squeeze3A_860 = vector.extract %slice3A_859[0] : f32 from vector<1xf32>
      %mul3A_861 = vector.broadcast %squeeze3A_860 : f32 to vector<16xf32>
      %mul3A_862 = arith.mulf %max3A_458, %mul3A_861 : vector<16xf32>
      %add3A_863 = arith.addf %add3A_858, %mul3A_862 : vector<16xf32>
      %add3A_864 = arith.constant 4 : i32
      %add3A_865 = vector.broadcast %add3A_864 : i32 to vector<16xi32>
      %add3A_866 = arith.addi %broadcast_in_dim3A_73, %add3A_865 : vector<16xi32>
      tpu.vector_store_idx %arg11[%add3A_220, %add3A_866], %add3A_863 : memref<640x8xf32, #tpu.memory_space<vmem>>[vector<16xi32>, vector<16xi32>], vector<16xf32>,
      %slice3A_867 = vector.extract_strided_slice %get3A_75 {offsets = [5], sizes = [1], strides = [1]} : vector<16xf32> to vector<1xf32>
      %squeeze3A_868 = vector.extract %slice3A_867[0] : f32 from vector<1xf32>
      %mul3A_869 = vector.broadcast %squeeze3A_868 : f32 to vector<16xf32>
      %mul3A_870 = arith.mulf %max3A_233, %mul3A_869 : vector<16xf32>
      %slice3A_871 = vector.extract_strided_slice %get3A_75 {offsets = [13], sizes = [1], strides = [1]} : vector<16xf32> to vector<1xf32>
      %squeeze3A_872 = vector.extract %slice3A_871[0] : f32 from vector<1xf32>
      %mul3A_873 = vector.broadcast %squeeze3A_872 : f32 to vector<16xf32>
      %mul3A_874 = arith.mulf %max3A_248, %mul3A_873 : vector<16xf32>
      %add3A_875 = arith.addf %mul3A_870, %mul3A_874 : vector<16xf32>
      %slice3A_876 = vector.extract_strided_slice %get3A_77 {offsets = [5], sizes = [1], strides = [1]} : vector<16xf32> to vector<1xf32>
      %squeeze3A_877 = vector.extract %slice3A_876[0] : f32 from vector<1xf32>
      %mul3A_878 = vector.broadcast %squeeze3A_877 : f32 to vector<16xf32>
      %mul3A_879 = arith.mulf %max3A_263, %mul3A_878 : vector<16xf32>
      %add3A_880 = arith.addf %add3A_875, %mul3A_879 : vector<16xf32>
      %slice3A_881 = vector.extract_strided_slice %get3A_77 {offsets = [13], sizes = [1], strides = [1]} : vector<16xf32> to vector<1xf32>
      %squeeze3A_882 = vector.extract %slice3A_881[0] : f32 from vector<1xf32>
      %mul3A_883 = vector.broadcast %squeeze3A_882 : f32 to vector<16xf32>
      %mul3A_884 = arith.mulf %max3A_278, %mul3A_883 : vector<16xf32>
      %add3A_885 = arith.addf %add3A_880, %mul3A_884 : vector<16xf32>
      %slice3A_886 = vector.extract_strided_slice %get3A_79 {offsets = [5], sizes = [1], strides = [1]} : vector<16xf32> to vector<1xf32>
      %squeeze3A_887 = vector.extract %slice3A_886[0] : f32 from vector<1xf32>
      %mul3A_888 = vector.broadcast %squeeze3A_887 : f32 to vector<16xf32>
      %mul3A_889 = arith.mulf %max3A_293, %mul3A_888 : vector<16xf32>
      %add3A_890 = arith.addf %add3A_885, %mul3A_889 : vector<16xf32>
      %slice3A_891 = vector.extract_strided_slice %get3A_79 {offsets = [13], sizes = [1], strides = [1]} : vector<16xf32> to vector<1xf32>
      %squeeze3A_892 = vector.extract %slice3A_891[0] : f32 from vector<1xf32>
      %mul3A_893 = vector.broadcast %squeeze3A_892 : f32 to vector<16xf32>
      %mul3A_894 = arith.mulf %max3A_308, %mul3A_893 : vector<16xf32>
      %add3A_895 = arith.addf %add3A_890, %mul3A_894 : vector<16xf32>
      %slice3A_896 = vector.extract_strided_slice %get3A_81 {offsets = [5], sizes = [1], strides = [1]} : vector<16xf32> to vector<1xf32>
      %squeeze3A_897 = vector.extract %slice3A_896[0] : f32 from vector<1xf32>
      %mul3A_898 = vector.broadcast %squeeze3A_897 : f32 to vector<16xf32>
      %mul3A_899 = arith.mulf %max3A_323, %mul3A_898 : vector<16xf32>
      %add3A_900 = arith.addf %add3A_895, %mul3A_899 : vector<16xf32>
      %slice3A_901 = vector.extract_strided_slice %get3A_81 {offsets = [13], sizes = [1], strides = [1]} : vector<16xf32> to vector<1xf32>
      %squeeze3A_902 = vector.extract %slice3A_901[0] : f32 from vector<1xf32>
      %mul3A_903 = vector.broadcast %squeeze3A_902 : f32 to vector<16xf32>
      %mul3A_904 = arith.mulf %max3A_338, %mul3A_903 : vector<16xf32>
      %add3A_905 = arith.addf %add3A_900, %mul3A_904 : vector<16xf32>
      %slice3A_906 = vector.extract_strided_slice %get3A_83 {offsets = [5], sizes = [1], strides = [1]} : vector<16xf32> to vector<1xf32>
      %squeeze3A_907 = vector.extract %slice3A_906[0] : f32 from vector<1xf32>
      %mul3A_908 = vector.broadcast %squeeze3A_907 : f32 to vector<16xf32>
      %mul3A_909 = arith.mulf %max3A_353, %mul3A_908 : vector<16xf32>
      %add3A_910 = arith.addf %add3A_905, %mul3A_909 : vector<16xf32>
      %slice3A_911 = vector.extract_strided_slice %get3A_83 {offsets = [13], sizes = [1], strides = [1]} : vector<16xf32> to vector<1xf32>
      %squeeze3A_912 = vector.extract %slice3A_911[0] : f32 from vector<1xf32>
      %mul3A_913 = vector.broadcast %squeeze3A_912 : f32 to vector<16xf32>
      %mul3A_914 = arith.mulf %max3A_368, %mul3A_913 : vector<16xf32>
      %add3A_915 = arith.addf %add3A_910, %mul3A_914 : vector<16xf32>
      %slice3A_916 = vector.extract_strided_slice %get3A_85 {offsets = [5], sizes = [1], strides = [1]} : vector<16xf32> to vector<1xf32>
      %squeeze3A_917 = vector.extract %slice3A_916[0] : f32 from vector<1xf32>
      %mul3A_918 = vector.broadcast %squeeze3A_917 : f32 to vector<16xf32>
      %mul3A_919 = arith.mulf %max3A_383, %mul3A_918 : vector<16xf32>
      %add3A_920 = arith.addf %add3A_915, %mul3A_919 : vector<16xf32>
      %slice3A_921 = vector.extract_strided_slice %get3A_85 {offsets = [13], sizes = [1], strides = [1]} : vector<16xf32> to vector<1xf32>
      %squeeze3A_922 = vector.extract %slice3A_921[0] : f32 from vector<1xf32>
      %mul3A_923 = vector.broadcast %squeeze3A_922 : f32 to vector<16xf32>
      %mul3A_924 = arith.mulf %max3A_398, %mul3A_923 : vector<16xf32>
      %add3A_925 = arith.addf %add3A_920, %mul3A_924 : vector<16xf32>
      %slice3A_926 = vector.extract_strided_slice %get3A_87 {offsets = [5], sizes = [1], strides = [1]} : vector<16xf32> to vector<1xf32>
      %squeeze3A_927 = vector.extract %slice3A_926[0] : f32 from vector<1xf32>
      %mul3A_928 = vector.broadcast %squeeze3A_927 : f32 to vector<16xf32>
      %mul3A_929 = arith.mulf %max3A_413, %mul3A_928 : vector<16xf32>
      %add3A_930 = arith.addf %add3A_925, %mul3A_929 : vector<16xf32>
      %slice3A_931 = vector.extract_strided_slice %get3A_87 {offsets = [13], sizes = [1], strides = [1]} : vector<16xf32> to vector<1xf32>
      %squeeze3A_932 = vector.extract %slice3A_931[0] : f32 from vector<1xf32>
      %mul3A_933 = vector.broadcast %squeeze3A_932 : f32 to vector<16xf32>
      %mul3A_934 = arith.mulf %max3A_428, %mul3A_933 : vector<16xf32>
      %add3A_935 = arith.addf %add3A_930, %mul3A_934 : vector<16xf32>
      %slice3A_936 = vector.extract_strided_slice %get3A_89 {offsets = [5], sizes = [1], strides = [1]} : vector<16xf32> to vector<1xf32>
      %squeeze3A_937 = vector.extract %slice3A_936[0] : f32 from vector<1xf32>
      %mul3A_938 = vector.broadcast %squeeze3A_937 : f32 to vector<16xf32>
      %mul3A_939 = arith.mulf %max3A_443, %mul3A_938 : vector<16xf32>
      %add3A_940 = arith.addf %add3A_935, %mul3A_939 : vector<16xf32>
      %slice3A_941 = vector.extract_strided_slice %get3A_89 {offsets = [13], sizes = [1], strides = [1]} : vector<16xf32> to vector<1xf32>
      %squeeze3A_942 = vector.extract %slice3A_941[0] : f32 from vector<1xf32>
      %mul3A_943 = vector.broadcast %squeeze3A_942 : f32 to vector<16xf32>
      %mul3A_944 = arith.mulf %max3A_458, %mul3A_943 : vector<16xf32>
      %add3A_945 = arith.addf %add3A_940, %mul3A_944 : vector<16xf32>
      %add3A_946 = arith.constant 5 : i32
      %add3A_947 = vector.broadcast %add3A_946 : i32 to vector<16xi32>
      %add3A_948 = arith.addi %broadcast_in_dim3A_73, %add3A_947 : vector<16xi32>
      tpu.vector_store_idx %arg11[%add3A_220, %add3A_948], %add3A_945 : memref<640x8xf32, #tpu.memory_space<vmem>>[vector<16xi32>, vector<16xi32>], vector<16xf32>,
      %slice3A_949 = vector.extract_strided_slice %get3A_75 {offsets = [6], sizes = [1], strides = [1]} : vector<16xf32> to vector<1xf32>
      %squeeze3A_950 = vector.extract %slice3A_949[0] : f32 from vector<1xf32>
      %mul3A_951 = vector.broadcast %squeeze3A_950 : f32 to vector<16xf32>
      %mul3A_952 = arith.mulf %max3A_233, %mul3A_951 : vector<16xf32>
      %slice3A_953 = vector.extract_strided_slice %get3A_75 {offsets = [14], sizes = [1], strides = [1]} : vector<16xf32> to vector<1xf32>
      %squeeze3A_954 = vector.extract %slice3A_953[0] : f32 from vector<1xf32>
      %mul3A_955 = vector.broadcast %squeeze3A_954 : f32 to vector<16xf32>
      %mul3A_956 = arith.mulf %max3A_248, %mul3A_955 : vector<16xf32>
      %add3A_957 = arith.addf %mul3A_952, %mul3A_956 : vector<16xf32>
      %slice3A_958 = vector.extract_strided_slice %get3A_77 {offsets = [6], sizes = [1], strides = [1]} : vector<16xf32> to vector<1xf32>
      %squeeze3A_959 = vector.extract %slice3A_958[0] : f32 from vector<1xf32>
      %mul3A_960 = vector.broadcast %squeeze3A_959 : f32 to vector<16xf32>
      %mul3A_961 = arith.mulf %max3A_263, %mul3A_960 : vector<16xf32>
      %add3A_962 = arith.addf %add3A_957, %mul3A_961 : vector<16xf32>
      %slice3A_963 = vector.extract_strided_slice %get3A_77 {offsets = [14], sizes = [1], strides = [1]} : vector<16xf32> to vector<1xf32>
      %squeeze3A_964 = vector.extract %slice3A_963[0] : f32 from vector<1xf32>
      %mul3A_965 = vector.broadcast %squeeze3A_964 : f32 to vector<16xf32>
      %mul3A_966 = arith.mulf %max3A_278, %mul3A_965 : vector<16xf32>
      %add3A_967 = arith.addf %add3A_962, %mul3A_966 : vector<16xf32>
      %slice3A_968 = vector.extract_strided_slice %get3A_79 {offsets = [6], sizes = [1], strides = [1]} : vector<16xf32> to vector<1xf32>
      %squeeze3A_969 = vector.extract %slice3A_968[0] : f32 from vector<1xf32>
      %mul3A_970 = vector.broadcast %squeeze3A_969 : f32 to vector<16xf32>
      %mul3A_971 = arith.mulf %max3A_293, %mul3A_970 : vector<16xf32>
      %add3A_972 = arith.addf %add3A_967, %mul3A_971 : vector<16xf32>
      %slice3A_973 = vector.extract_strided_slice %get3A_79 {offsets = [14], sizes = [1], strides = [1]} : vector<16xf32> to vector<1xf32>
      %squeeze3A_974 = vector.extract %slice3A_973[0] : f32 from vector<1xf32>
      %mul3A_975 = vector.broadcast %squeeze3A_974 : f32 to vector<16xf32>
      %mul3A_976 = arith.mulf %max3A_308, %mul3A_975 : vector<16xf32>
      %add3A_977 = arith.addf %add3A_972, %mul3A_976 : vector<16xf32>
      %slice3A_978 = vector.extract_strided_slice %get3A_81 {offsets = [6], sizes = [1], strides = [1]} : vector<16xf32> to vector<1xf32>
      %squeeze3A_979 = vector.extract %slice3A_978[0] : f32 from vector<1xf32>
      %mul3A_980 = vector.broadcast %squeeze3A_979 : f32 to vector<16xf32>
      %mul3A_981 = arith.mulf %max3A_323, %mul3A_980 : vector<16xf32>
      %add3A_982 = arith.addf %add3A_977, %mul3A_981 : vector<16xf32>
      %slice3A_983 = vector.extract_strided_slice %get3A_81 {offsets = [14], sizes = [1], strides = [1]} : vector<16xf32> to vector<1xf32>
      %squeeze3A_984 = vector.extract %slice3A_983[0] : f32 from vector<1xf32>
      %mul3A_985 = vector.broadcast %squeeze3A_984 : f32 to vector<16xf32>
      %mul3A_986 = arith.mulf %max3A_338, %mul3A_985 : vector<16xf32>
      %add3A_987 = arith.addf %add3A_982, %mul3A_986 : vector<16xf32>
      %slice3A_988 = vector.extract_strided_slice %get3A_83 {offsets = [6], sizes = [1], strides = [1]} : vector<16xf32> to vector<1xf32>
      %squeeze3A_989 = vector.extract %slice3A_988[0] : f32 from vector<1xf32>
      %mul3A_990 = vector.broadcast %squeeze3A_989 : f32 to vector<16xf32>
      %mul3A_991 = arith.mulf %max3A_353, %mul3A_990 : vector<16xf32>
      %add3A_992 = arith.addf %add3A_987, %mul3A_991 : vector<16xf32>
      %slice3A_993 = vector.extract_strided_slice %get3A_83 {offsets = [14], sizes = [1], strides = [1]} : vector<16xf32> to vector<1xf32>
      %squeeze3A_994 = vector.extract %slice3A_993[0] : f32 from vector<1xf32>
      %mul3A_995 = vector.broadcast %squeeze3A_994 : f32 to vector<16xf32>
      %mul3A_996 = arith.mulf %max3A_368, %mul3A_995 : vector<16xf32>
      %add3A_997 = arith.addf %add3A_992, %mul3A_996 : vector<16xf32>
      %slice3A_998 = vector.extract_strided_slice %get3A_85 {offsets = [6], sizes = [1], strides = [1]} : vector<16xf32> to vector<1xf32>
      %squeeze3A_999 = vector.extract %slice3A_998[0] : f32 from vector<1xf32>
      %mul3A_1000 = vector.broadcast %squeeze3A_999 : f32 to vector<16xf32>
      %mul3A_1001 = arith.mulf %max3A_383, %mul3A_1000 : vector<16xf32>
      %add3A_1002 = arith.addf %add3A_997, %mul3A_1001 : vector<16xf32>
      %slice3A_1003 = vector.extract_strided_slice %get3A_85 {offsets = [14], sizes = [1], strides = [1]} : vector<16xf32> to vector<1xf32>
      %squeeze3A_1004 = vector.extract %slice3A_1003[0] : f32 from vector<1xf32>
      %mul3A_1005 = vector.broadcast %squeeze3A_1004 : f32 to vector<16xf32>
      %mul3A_1006 = arith.mulf %max3A_398, %mul3A_1005 : vector<16xf32>
      %add3A_1007 = arith.addf %add3A_1002, %mul3A_1006 : vector<16xf32>
      %slice3A_1008 = vector.extract_strided_slice %get3A_87 {offsets = [6], sizes = [1], strides = [1]} : vector<16xf32> to vector<1xf32>
      %squeeze3A_1009 = vector.extract %slice3A_1008[0] : f32 from vector<1xf32>
      %mul3A_1010 = vector.broadcast %squeeze3A_1009 : f32 to vector<16xf32>
      %mul3A_1011 = arith.mulf %max3A_413, %mul3A_1010 : vector<16xf32>
      %add3A_1012 = arith.addf %add3A_1007, %mul3A_1011 : vector<16xf32>
      %slice3A_1013 = vector.extract_strided_slice %get3A_87 {offsets = [14], sizes = [1], strides = [1]} : vector<16xf32> to vector<1xf32>
      %squeeze3A_1014 = vector.extract %slice3A_1013[0] : f32 from vector<1xf32>
      %mul3A_1015 = vector.broadcast %squeeze3A_1014 : f32 to vector<16xf32>
      %mul3A_1016 = arith.mulf %max3A_428, %mul3A_1015 : vector<16xf32>
      %add3A_1017 = arith.addf %add3A_1012, %mul3A_1016 : vector<16xf32>
      %slice3A_1018 = vector.extract_strided_slice %get3A_89 {offsets = [6], sizes = [1], strides = [1]} : vector<16xf32> to vector<1xf32>
      %squeeze3A_1019 = vector.extract %slice3A_1018[0] : f32 from vector<1xf32>
      %mul3A_1020 = vector.broadcast %squeeze3A_1019 : f32 to vector<16xf32>
      %mul3A_1021 = arith.mulf %max3A_443, %mul3A_1020 : vector<16xf32>
      %add3A_1022 = arith.addf %add3A_1017, %mul3A_1021 : vector<16xf32>
      %slice3A_1023 = vector.extract_strided_slice %get3A_89 {offsets = [14], sizes = [1], strides = [1]} : vector<16xf32> to vector<1xf32>
      %squeeze3A_1024 = vector.extract %slice3A_1023[0] : f32 from vector<1xf32>
      %mul3A_1025 = vector.broadcast %squeeze3A_1024 : f32 to vector<16xf32>
      %mul3A_1026 = arith.mulf %max3A_458, %mul3A_1025 : vector<16xf32>
      %add3A_1027 = arith.addf %add3A_1022, %mul3A_1026 : vector<16xf32>
      %add3A_1028 = arith.constant 6 : i32
      %add3A_1029 = vector.broadcast %add3A_1028 : i32 to vector<16xi32>
      %add3A_1030 = arith.addi %broadcast_in_dim3A_73, %add3A_1029 : vector<16xi32>
      tpu.vector_store_idx %arg11[%add3A_220, %add3A_1030], %add3A_1027 : memref<640x8xf32, #tpu.memory_space<vmem>>[vector<16xi32>, vector<16xi32>], vector<16xf32>,
      %slice3A_1031 = vector.extract_strided_slice %get3A_75 {offsets = [7], sizes = [1], strides = [1]} : vector<16xf32> to vector<1xf32>
      %squeeze3A_1032 = vector.extract %slice3A_1031[0] : f32 from vector<1xf32>
      %mul3A_1033 = vector.broadcast %squeeze3A_1032 : f32 to vector<16xf32>
      %mul3A_1034 = arith.mulf %max3A_233, %mul3A_1033 : vector<16xf32>
      %slice3A_1035 = vector.extract_strided_slice %get3A_75 {offsets = [15], sizes = [1], strides = [1]} : vector<16xf32> to vector<1xf32>
      %squeeze3A_1036 = vector.extract %slice3A_1035[0] : f32 from vector<1xf32>
      %mul3A_1037 = vector.broadcast %squeeze3A_1036 : f32 to vector<16xf32>
      %mul3A_1038 = arith.mulf %max3A_248, %mul3A_1037 : vector<16xf32>
      %add3A_1039 = arith.addf %mul3A_1034, %mul3A_1038 : vector<16xf32>
      %slice3A_1040 = vector.extract_strided_slice %get3A_77 {offsets = [7], sizes = [1], strides = [1]} : vector<16xf32> to vector<1xf32>
      %squeeze3A_1041 = vector.extract %slice3A_1040[0] : f32 from vector<1xf32>
      %mul3A_1042 = vector.broadcast %squeeze3A_1041 : f32 to vector<16xf32>
      %mul3A_1043 = arith.mulf %max3A_263, %mul3A_1042 : vector<16xf32>
      %add3A_1044 = arith.addf %add3A_1039, %mul3A_1043 : vector<16xf32>
      %slice3A_1045 = vector.extract_strided_slice %get3A_77 {offsets = [15], sizes = [1], strides = [1]} : vector<16xf32> to vector<1xf32>
      %squeeze3A_1046 = vector.extract %slice3A_1045[0] : f32 from vector<1xf32>
      %mul3A_1047 = vector.broadcast %squeeze3A_1046 : f32 to vector<16xf32>
      %mul3A_1048 = arith.mulf %max3A_278, %mul3A_1047 : vector<16xf32>
      %add3A_1049 = arith.addf %add3A_1044, %mul3A_1048 : vector<16xf32>
      %slice3A_1050 = vector.extract_strided_slice %get3A_79 {offsets = [7], sizes = [1], strides = [1]} : vector<16xf32> to vector<1xf32>
      %squeeze3A_1051 = vector.extract %slice3A_1050[0] : f32 from vector<1xf32>
      %mul3A_1052 = vector.broadcast %squeeze3A_1051 : f32 to vector<16xf32>
      %mul3A_1053 = arith.mulf %max3A_293, %mul3A_1052 : vector<16xf32>
      %add3A_1054 = arith.addf %add3A_1049, %mul3A_1053 : vector<16xf32>
      %slice3A_1055 = vector.extract_strided_slice %get3A_79 {offsets = [15], sizes = [1], strides = [1]} : vector<16xf32> to vector<1xf32>
      %squeeze3A_1056 = vector.extract %slice3A_1055[0] : f32 from vector<1xf32>
      %mul3A_1057 = vector.broadcast %squeeze3A_1056 : f32 to vector<16xf32>
      %mul3A_1058 = arith.mulf %max3A_308, %mul3A_1057 : vector<16xf32>
      %add3A_1059 = arith.addf %add3A_1054, %mul3A_1058 : vector<16xf32>
      %slice3A_1060 = vector.extract_strided_slice %get3A_81 {offsets = [7], sizes = [1], strides = [1]} : vector<16xf32> to vector<1xf32>
      %squeeze3A_1061 = vector.extract %slice3A_1060[0] : f32 from vector<1xf32>
      %mul3A_1062 = vector.broadcast %squeeze3A_1061 : f32 to vector<16xf32>
      %mul3A_1063 = arith.mulf %max3A_323, %mul3A_1062 : vector<16xf32>
      %add3A_1064 = arith.addf %add3A_1059, %mul3A_1063 : vector<16xf32>
      %slice3A_1065 = vector.extract_strided_slice %get3A_81 {offsets = [15], sizes = [1], strides = [1]} : vector<16xf32> to vector<1xf32>
      %squeeze3A_1066 = vector.extract %slice3A_1065[0] : f32 from vector<1xf32>
      %mul3A_1067 = vector.broadcast %squeeze3A_1066 : f32 to vector<16xf32>
      %mul3A_1068 = arith.mulf %max3A_338, %mul3A_1067 : vector<16xf32>
      %add3A_1069 = arith.addf %add3A_1064, %mul3A_1068 : vector<16xf32>
      %slice3A_1070 = vector.extract_strided_slice %get3A_83 {offsets = [7], sizes = [1], strides = [1]} : vector<16xf32> to vector<1xf32>
      %squeeze3A_1071 = vector.extract %slice3A_1070[0] : f32 from vector<1xf32>
      %mul3A_1072 = vector.broadcast %squeeze3A_1071 : f32 to vector<16xf32>
      %mul3A_1073 = arith.mulf %max3A_353, %mul3A_1072 : vector<16xf32>
      %add3A_1074 = arith.addf %add3A_1069, %mul3A_1073 : vector<16xf32>
      %slice3A_1075 = vector.extract_strided_slice %get3A_83 {offsets = [15], sizes = [1], strides = [1]} : vector<16xf32> to vector<1xf32>
      %squeeze3A_1076 = vector.extract %slice3A_1075[0] : f32 from vector<1xf32>
      %mul3A_1077 = vector.broadcast %squeeze3A_1076 : f32 to vector<16xf32>
      %mul3A_1078 = arith.mulf %max3A_368, %mul3A_1077 : vector<16xf32>
      %add3A_1079 = arith.addf %add3A_1074, %mul3A_1078 : vector<16xf32>
      %slice3A_1080 = vector.extract_strided_slice %get3A_85 {offsets = [7], sizes = [1], strides = [1]} : vector<16xf32> to vector<1xf32>
      %squeeze3A_1081 = vector.extract %slice3A_1080[0] : f32 from vector<1xf32>
      %mul3A_1082 = vector.broadcast %squeeze3A_1081 : f32 to vector<16xf32>
      %mul3A_1083 = arith.mulf %max3A_383, %mul3A_1082 : vector<16xf32>
      %add3A_1084 = arith.addf %add3A_1079, %mul3A_1083 : vector<16xf32>
      %slice3A_1085 = vector.extract_strided_slice %get3A_85 {offsets = [15], sizes = [1], strides = [1]} : vector<16xf32> to vector<1xf32>
      %squeeze3A_1086 = vector.extract %slice3A_1085[0] : f32 from vector<1xf32>
      %mul3A_1087 = vector.broadcast %squeeze3A_1086 : f32 to vector<16xf32>
      %mul3A_1088 = arith.mulf %max3A_398, %mul3A_1087 : vector<16xf32>
      %add3A_1089 = arith.addf %add3A_1084, %mul3A_1088 : vector<16xf32>
      %slice3A_1090 = vector.extract_strided_slice %get3A_87 {offsets = [7], sizes = [1], strides = [1]} : vector<16xf32> to vector<1xf32>
      %squeeze3A_1091 = vector.extract %slice3A_1090[0] : f32 from vector<1xf32>
      %mul3A_1092 = vector.broadcast %squeeze3A_1091 : f32 to vector<16xf32>
      %mul3A_1093 = arith.mulf %max3A_413, %mul3A_1092 : vector<16xf32>
      %add3A_1094 = arith.addf %add3A_1089, %mul3A_1093 : vector<16xf32>
      %slice3A_1095 = vector.extract_strided_slice %get3A_87 {offsets = [15], sizes = [1], strides = [1]} : vector<16xf32> to vector<1xf32>
      %squeeze3A_1096 = vector.extract %slice3A_1095[0] : f32 from vector<1xf32>
      %mul3A_1097 = vector.broadcast %squeeze3A_1096 : f32 to vector<16xf32>
      %mul3A_1098 = arith.mulf %max3A_428, %mul3A_1097 : vector<16xf32>
      %add3A_1099 = arith.addf %add3A_1094, %mul3A_1098 : vector<16xf32>
      %slice3A_1100 = vector.extract_strided_slice %get3A_89 {offsets = [7], sizes = [1], strides = [1]} : vector<16xf32> to vector<1xf32>
      %squeeze3A_1101 = vector.extract %slice3A_1100[0] : f32 from vector<1xf32>
      %mul3A_1102 = vector.broadcast %squeeze3A_1101 : f32 to vector<16xf32>
      %mul3A_1103 = arith.mulf %max3A_443, %mul3A_1102 : vector<16xf32>
      %add3A_1104 = arith.addf %add3A_1099, %mul3A_1103 : vector<16xf32>
      %slice3A_1105 = vector.extract_strided_slice %get3A_89 {offsets = [15], sizes = [1], strides = [1]} : vector<16xf32> to vector<1xf32>
      %squeeze3A_1106 = vector.extract %slice3A_1105[0] : f32 from vector<1xf32>
      %mul3A_1107 = vector.broadcast %squeeze3A_1106 : f32 to vector<16xf32>
      %mul3A_1108 = arith.mulf %max3A_458, %mul3A_1107 : vector<16xf32>
      %add3A_1109 = arith.addf %add3A_1104, %mul3A_1108 : vector<16xf32>
      %add3A_1110 = arith.constant 7 : i32
      %add3A_1111 = vector.broadcast %add3A_1110 : i32 to vector<16xi32>
      %add3A_1112 = arith.addi %broadcast_in_dim3A_73, %add3A_1111 : vector<16xi32>
      tpu.vector_store_idx %arg11[%add3A_220, %add3A_1112], %add3A_1109 : memref<640x8xf32, #tpu.memory_space<vmem>>[vector<16xi32>, vector<16xi32>], vector<16xf32>,
    }
    %scan3A_94 = arith.constant 40 : i32
    "tpu.region"() ({
      %run_scoped3A_216 = tpu.sem_alloc : memref<!tpu.dma_semaphore, #tpu.memory_space<semaphore_mem>>
      %dma_start3A_217 = arith.constant 0 : i32
      %dma_start3A_218 = tpu.memref_slice %arg13[%mul3A_2, %dma_start3A_217] : memref<10240x8xf32, #tpu.memory_space<vmem_shared>> -> memref<640x8xf32, #tpu.memory_space<vmem_shared>>
      %dma_start3A_219 = arith.constant 0 : i32
      %dma_start3A_220 = tpu.memref_slice %arg13[%mul3A_2, %dma_start3A_219] : memref<10240x8xf32, #tpu.memory_space<vmem_shared>> -> memref<640x8xf32, #tpu.memory_space<vmem_shared>>
      tpu.enqueue_dma source(%arg11 : memref<640x8xf32, #tpu.memory_space<vmem>>) target(%dma_start3A_220 : memref<640x8xf32, #tpu.memory_space<vmem_shared>>) target_semaphore(%run_scoped3A_216 : memref<!tpu.dma_semaphore, #tpu.memory_space<semaphore_mem>>)
      %dma_wait3A_221 = arith.constant 0 : i32
      %dma_wait3A_222 = tpu.memref_slice %arg13[%mul3A_2, %dma_wait3A_221] : memref<10240x8xf32, #tpu.memory_space<vmem_shared>> -> memref<640x8xf32, #tpu.memory_space<vmem_shared>>
      %dma_wait3A_223 = arith.constant 0 : i32
      %dma_wait3A_224 = tpu.memref_slice %arg13[%mul3A_2, %dma_wait3A_223] : memref<10240x8xf32, #tpu.memory_space<vmem_shared>> -> memref<640x8xf32, #tpu.memory_space<vmem_shared>>
      tpu.wait_dma2 semaphore(%run_scoped3A_216 : memref<!tpu.dma_semaphore, #tpu.memory_space<semaphore_mem>>) src(%arg11 : memref<640x8xf32, #tpu.memory_space<vmem>>) dst(%dma_wait3A_224 : memref<640x8xf32, #tpu.memory_space<vmem_shared>>)
      tpu.yield
    }) : () -> ()
    %run_scoped3A = arith.constant 0 : i32
    "tpu.region"() ({
      %run_scoped3A_216 = tpu.sem_alloc : memref<!tpu.dma_semaphore, #tpu.memory_space<semaphore_mem>>
      %dma_start3A_217 = arith.constant 0 : i32
      %dma_start3A_218 = arith.constant 0 : i32
      %dma_start3A_219 = tpu.memref_slice %arg3[%run_scoped3A, %add3A, %dma_start3A_217, %dma_start3A_218] : memref<2x32x79x128xi32, #tpu.memory_space<hbm>> -> memref<1x1x79x128xi32, #tpu.memory_space<hbm>>
      %dma_start3A_220 = tpu.memref_squeeze %dma_start3A_219 : memref<1x1x79x128xi32, #tpu.memory_space<hbm>> -> memref<79x128xi32, #tpu.memory_space<hbm>>
      %dma_start3A_221 = arith.constant 0 : i32
      %dma_start3A_222 = arith.constant 0 : i32
      %dma_start3A_223 = tpu.memref_slice %arg3[%run_scoped3A, %add3A, %dma_start3A_221, %dma_start3A_222] : memref<2x32x79x128xi32, #tpu.memory_space<hbm>> -> memref<1x1x79x128xi32, #tpu.memory_space<hbm>>
      %dma_start3A_224 = tpu.memref_squeeze %dma_start3A_223 : memref<1x1x79x128xi32, #tpu.memory_space<hbm>> -> memref<79x128xi32, #tpu.memory_space<hbm>>
      tpu.enqueue_dma source(%dma_start3A_224 : memref<79x128xi32, #tpu.memory_space<hbm>>) target(%arg6 : memref<79x128xi32, #tpu.memory_space<vmem>>) target_semaphore(%run_scoped3A_216 : memref<!tpu.dma_semaphore, #tpu.memory_space<semaphore_mem>>)
      %dma_wait3A_225 = arith.constant 0 : i32
      %dma_wait3A_226 = arith.constant 0 : i32
      %dma_wait3A_227 = tpu.memref_slice %arg3[%run_scoped3A, %add3A, %dma_wait3A_225, %dma_wait3A_226] : memref<2x32x79x128xi32, #tpu.memory_space<hbm>> -> memref<1x1x79x128xi32, #tpu.memory_space<hbm>>
      %dma_wait3A_228 = tpu.memref_squeeze %dma_wait3A_227 : memref<1x1x79x128xi32, #tpu.memory_space<hbm>> -> memref<79x128xi32, #tpu.memory_space<hbm>>
      %dma_wait3A_229 = arith.constant 0 : i32
      %dma_wait3A_230 = arith.constant 0 : i32
      %dma_wait3A_231 = tpu.memref_slice %arg3[%run_scoped3A, %add3A, %dma_wait3A_229, %dma_wait3A_230] : memref<2x32x79x128xi32, #tpu.memory_space<hbm>> -> memref<1x1x79x128xi32, #tpu.memory_space<hbm>>
      %dma_wait3A_232 = tpu.memref_squeeze %dma_wait3A_231 : memref<1x1x79x128xi32, #tpu.memory_space<hbm>> -> memref<79x128xi32, #tpu.memory_space<hbm>>
      tpu.wait_dma2 semaphore(%run_scoped3A_216 : memref<!tpu.dma_semaphore, #tpu.memory_space<semaphore_mem>>) src(%dma_wait3A_232 : memref<79x128xi32, #tpu.memory_space<hbm>>) dst(%arg6 : memref<79x128xi32, #tpu.memory_space<vmem>>)
      tpu.yield
    }) : () -> ()
    %run_scoped3A_95 = arith.constant 1 : i32
    "tpu.region"() ({
      %run_scoped3A_216 = tpu.sem_alloc : memref<!tpu.dma_semaphore, #tpu.memory_space<semaphore_mem>>
      %dma_start3A_217 = arith.constant 0 : i32
      %dma_start3A_218 = arith.constant 0 : i32
      %dma_start3A_219 = tpu.memref_slice %arg3[%run_scoped3A_95, %add3A, %dma_start3A_217, %dma_start3A_218] : memref<2x32x79x128xi32, #tpu.memory_space<hbm>> -> memref<1x1x79x128xi32, #tpu.memory_space<hbm>>
      %dma_start3A_220 = tpu.memref_squeeze %dma_start3A_219 : memref<1x1x79x128xi32, #tpu.memory_space<hbm>> -> memref<79x128xi32, #tpu.memory_space<hbm>>
      %dma_start3A_221 = arith.constant 0 : i32
      %dma_start3A_222 = arith.constant 0 : i32
      %dma_start3A_223 = tpu.memref_slice %arg3[%run_scoped3A_95, %add3A, %dma_start3A_221, %dma_start3A_222] : memref<2x32x79x128xi32, #tpu.memory_space<hbm>> -> memref<1x1x79x128xi32, #tpu.memory_space<hbm>>
      %dma_start3A_224 = tpu.memref_squeeze %dma_start3A_223 : memref<1x1x79x128xi32, #tpu.memory_space<hbm>> -> memref<79x128xi32, #tpu.memory_space<hbm>>
      tpu.enqueue_dma source(%dma_start3A_224 : memref<79x128xi32, #tpu.memory_space<hbm>>) target(%arg7 : memref<79x128xi32, #tpu.memory_space<vmem>>) target_semaphore(%run_scoped3A_216 : memref<!tpu.dma_semaphore, #tpu.memory_space<semaphore_mem>>)
      %dma_wait3A_225 = arith.constant 0 : i32
      %dma_wait3A_226 = arith.constant 0 : i32
      %dma_wait3A_227 = tpu.memref_slice %arg3[%run_scoped3A_95, %add3A, %dma_wait3A_225, %dma_wait3A_226] : memref<2x32x79x128xi32, #tpu.memory_space<hbm>> -> memref<1x1x79x128xi32, #tpu.memory_space<hbm>>
      %dma_wait3A_228 = tpu.memref_squeeze %dma_wait3A_227 : memref<1x1x79x128xi32, #tpu.memory_space<hbm>> -> memref<79x128xi32, #tpu.memory_space<hbm>>
      %dma_wait3A_229 = arith.constant 0 : i32
      %dma_wait3A_230 = arith.constant 0 : i32
      %dma_wait3A_231 = tpu.memref_slice %arg3[%run_scoped3A_95, %add3A, %dma_wait3A_229, %dma_wait3A_230] : memref<2x32x79x128xi32, #tpu.memory_space<hbm>> -> memref<1x1x79x128xi32, #tpu.memory_space<hbm>>
      %dma_wait3A_232 = tpu.memref_squeeze %dma_wait3A_231 : memref<1x1x79x128xi32, #tpu.memory_space<hbm>> -> memref<79x128xi32, #tpu.memory_space<hbm>>
      tpu.wait_dma2 semaphore(%run_scoped3A_216 : memref<!tpu.dma_semaphore, #tpu.memory_space<semaphore_mem>>) src(%dma_wait3A_232 : memref<79x128xi32, #tpu.memory_space<hbm>>) dst(%arg7 : memref<79x128xi32, #tpu.memory_space<vmem>>)
      tpu.yield
    }) : () -> ()
    %barrier3A = arith.constant 0 : index
    tpu.barrier barrier_id(%barrier3A)
    %dma_start3A_96 = arith.constant 0 : i32
    %dma_start3A_97 = arith.constant 0 : i32
    %dma_start3A_98 = arith.constant 0 : i32
    %dma_start3A_99 = arith.constant 0 : i32
    %dma_start3A_100 = tpu.memref_slice %arg8[%dma_start3A_97, %dma_start3A_98, %dma_start3A_99] : memref<6x128x8xf32, #tpu.memory_space<vmem>> -> memref<1x128x8xf32, #tpu.memory_space<vmem>>
    %dma_start3A_101 = tpu.memref_squeeze %dma_start3A_100 : memref<1x128x8xf32, #tpu.memory_space<vmem>> -> memref<128x8xf32, #tpu.memory_space<vmem>>
    %dma_start3A_102 = arith.constant 0 : i32
    %dma_start3A_103 = tpu.memref_slice %arg6[%dma_start3A_96, %dma_start3A_102] : memref<79x128xi32, #tpu.memory_space<vmem>> -> memref<1x128xi32, #tpu.memory_space<vmem>>
    %dma_start3A_104 = tpu.memref_squeeze %dma_start3A_103 : memref<1x128xi32, #tpu.memory_space<vmem>> -> memref<128xi32, #tpu.memory_space<vmem>>
    %dma_start3A_105 = arith.constant 0 : i32
    %dma_start3A_106 = arith.constant 0 : i32
    %dma_start3A_107 = tpu.memref_slice %arg13[%dma_start3A_105, %dma_start3A_106] : memref<10240x8xf32, #tpu.memory_space<vmem_shared>> -> memref<10240x8xf32, #tpu.memory_space<vmem_shared>>
    tpu.enqueue_indirect_dma source(%dma_start3A_107 : memref<10240x8xf32, #tpu.memory_space<vmem_shared>>) target(%dma_start3A_101 : memref<128x8xf32, #tpu.memory_space<vmem>>) offsets(%dma_start3A_104 : memref<128xi32, #tpu.memory_space<vmem>>) semaphore(%arg15 : memref<!tpu.dma_semaphore, #tpu.memory_space<semaphore_mem>>)
    %dma_start3A_108 = arith.constant 1 : i32
    %dma_start3A_109 = arith.constant 1 : i32
    %dma_start3A_110 = arith.constant 0 : i32
    %dma_start3A_111 = arith.constant 0 : i32
    %dma_start3A_112 = tpu.memref_slice %arg8[%dma_start3A_109, %dma_start3A_110, %dma_start3A_111] : memref<6x128x8xf32, #tpu.memory_space<vmem>> -> memref<1x128x8xf32, #tpu.memory_space<vmem>>
    %dma_start3A_113 = tpu.memref_squeeze %dma_start3A_112 : memref<1x128x8xf32, #tpu.memory_space<vmem>> -> memref<128x8xf32, #tpu.memory_space<vmem>>
    %dma_start3A_114 = arith.constant 0 : i32
    %dma_start3A_115 = tpu.memref_slice %arg6[%dma_start3A_108, %dma_start3A_114] : memref<79x128xi32, #tpu.memory_space<vmem>> -> memref<1x128xi32, #tpu.memory_space<vmem>>
    %dma_start3A_116 = tpu.memref_squeeze %dma_start3A_115 : memref<1x128xi32, #tpu.memory_space<vmem>> -> memref<128xi32, #tpu.memory_space<vmem>>
    %dma_start3A_117 = arith.constant 0 : i32
    %dma_start3A_118 = arith.constant 0 : i32
    %dma_start3A_119 = tpu.memref_slice %arg13[%dma_start3A_117, %dma_start3A_118] : memref<10240x8xf32, #tpu.memory_space<vmem_shared>> -> memref<10240x8xf32, #tpu.memory_space<vmem_shared>>
    tpu.enqueue_indirect_dma source(%dma_start3A_119 : memref<10240x8xf32, #tpu.memory_space<vmem_shared>>) target(%dma_start3A_113 : memref<128x8xf32, #tpu.memory_space<vmem>>) offsets(%dma_start3A_116 : memref<128xi32, #tpu.memory_space<vmem>>) semaphore(%arg15 : memref<!tpu.dma_semaphore, #tpu.memory_space<semaphore_mem>>)
    %dma_start3A_120 = arith.constant 2 : i32
    %dma_start3A_121 = arith.constant 2 : i32
    %dma_start3A_122 = arith.constant 0 : i32
    %dma_start3A_123 = arith.constant 0 : i32
    %dma_start3A_124 = tpu.memref_slice %arg8[%dma_start3A_121, %dma_start3A_122, %dma_start3A_123] : memref<6x128x8xf32, #tpu.memory_space<vmem>> -> memref<1x128x8xf32, #tpu.memory_space<vmem>>
    %dma_start3A_125 = tpu.memref_squeeze %dma_start3A_124 : memref<1x128x8xf32, #tpu.memory_space<vmem>> -> memref<128x8xf32, #tpu.memory_space<vmem>>
    %dma_start3A_126 = arith.constant 0 : i32
    %dma_start3A_127 = tpu.memref_slice %arg6[%dma_start3A_120, %dma_start3A_126] : memref<79x128xi32, #tpu.memory_space<vmem>> -> memref<1x128xi32, #tpu.memory_space<vmem>>
    %dma_start3A_128 = tpu.memref_squeeze %dma_start3A_127 : memref<1x128xi32, #tpu.memory_space<vmem>> -> memref<128xi32, #tpu.memory_space<vmem>>
    %dma_start3A_129 = arith.constant 0 : i32
    %dma_start3A_130 = arith.constant 0 : i32
    %dma_start3A_131 = tpu.memref_slice %arg13[%dma_start3A_129, %dma_start3A_130] : memref<10240x8xf32, #tpu.memory_space<vmem_shared>> -> memref<10240x8xf32, #tpu.memory_space<vmem_shared>>
    tpu.enqueue_indirect_dma source(%dma_start3A_131 : memref<10240x8xf32, #tpu.memory_space<vmem_shared>>) target(%dma_start3A_125 : memref<128x8xf32, #tpu.memory_space<vmem>>) offsets(%dma_start3A_128 : memref<128xi32, #tpu.memory_space<vmem>>) semaphore(%arg15 : memref<!tpu.dma_semaphore, #tpu.memory_space<semaphore_mem>>)
    %scan3A_132 = arith.constant 0 : i32
    %scan3A_133 = arith.constant 0 : i32
    %scan3A_134 = arith.constant 78 : i32
    %scan3A_135 = arith.addi %scan3A_133, %scan3A_134 : i32
    %scan3A_136 = arith.constant 2 : i32
    scf.for %scan3A_216 = %scan3A_133 to %scan3A_135 step %scan3A_136  : i32 {
      %rem3A_217 = arith.constant 6 : i32
      %rem3A_218 = arith.remsi %scan3A_216, %rem3A_217 : i32
      %dma_wait3A_219 = arith.constant 0 : i32
      %dma_wait3A_220 = arith.constant 0 : i32
      %dma_wait3A_221 = tpu.memref_slice %arg8[%rem3A_218, %dma_wait3A_219, %dma_wait3A_220] : memref<6x128x8xf32, #tpu.memory_space<vmem>> -> memref<1x128x8xf32, #tpu.memory_space<vmem>>
      %dma_wait3A_222 = tpu.memref_squeeze %dma_wait3A_221 : memref<1x128x8xf32, #tpu.memory_space<vmem>> -> memref<128x8xf32, #tpu.memory_space<vmem>>
      %dma_wait3A_223 = arith.constant 0 : i32
      %dma_wait3A_224 = tpu.memref_slice %arg6[%scan3A_216, %dma_wait3A_223] : memref<79x128xi32, #tpu.memory_space<vmem>> -> memref<1x128xi32, #tpu.memory_space<vmem>>
      %dma_wait3A_225 = tpu.memref_squeeze %dma_wait3A_224 : memref<1x128xi32, #tpu.memory_space<vmem>> -> memref<128xi32, #tpu.memory_space<vmem>>
      %dma_wait3A_226 = arith.constant 0 : i32
      %dma_wait3A_227 = arith.constant 0 : i32
      %dma_wait3A_228 = tpu.memref_slice %arg13[%dma_wait3A_226, %dma_wait3A_227] : memref<10240x8xf32, #tpu.memory_space<vmem_shared>> -> memref<10240x8xf32, #tpu.memory_space<vmem_shared>>
      tpu.wait_indirect_dma semaphore(%arg15 : memref<!tpu.dma_semaphore, #tpu.memory_space<semaphore_mem>>) src(%dma_wait3A_228 : memref<10240x8xf32, #tpu.memory_space<vmem_shared>>) dst(%dma_wait3A_222 : memref<128x8xf32, #tpu.memory_space<vmem>>)
      %ge3A_229 = arith.constant 3 : i32
      %ge3A_230 = arith.cmpi sge, %scan3A_216, %ge3A_229 : i32
      %convert_element_type3A_231 = arith.extui %ge3A_230 : i1 to i32
      %cond3A_232 = arith.constant 0 : i32
      %cond3A_233 = arith.cmpi ne, %convert_element_type3A_231, %cond3A_232 : i32
      scf.if %cond3A_233 {
        %add3A_287 = arith.constant 3 : i32
        %add3A_288 = arith.addi %scan3A_216, %add3A_287 : i32
        %rem3A_289 = arith.constant 6 : i32
        %rem3A_290 = arith.remsi %add3A_288, %rem3A_289 : i32
        %sub3A = arith.constant 3 : i32
        %sub3A_291 = arith.subi %scan3A_216, %sub3A : i32
        %dma_wait3A_292 = arith.constant 0 : i32
        %dma_wait3A_293 = arith.constant 0 : i32
        %dma_wait3A_294 = tpu.memref_slice %arg8[%rem3A_290, %dma_wait3A_292, %dma_wait3A_293] : memref<6x128x8xf32, #tpu.memory_space<vmem>> -> memref<1x128x8xf32, #tpu.memory_space<vmem>>
        %dma_wait3A_295 = tpu.memref_squeeze %dma_wait3A_294 : memref<1x128x8xf32, #tpu.memory_space<vmem>> -> memref<128x8xf32, #tpu.memory_space<vmem>>
        %dma_wait3A_296 = arith.constant 0 : i32
        %dma_wait3A_297 = tpu.memref_slice %arg7[%sub3A_291, %dma_wait3A_296] : memref<79x128xi32, #tpu.memory_space<vmem>> -> memref<1x128xi32, #tpu.memory_space<vmem>>
        %dma_wait3A_298 = tpu.memref_squeeze %dma_wait3A_297 : memref<1x128xi32, #tpu.memory_space<vmem>> -> memref<128xi32, #tpu.memory_space<vmem>>
        %dma_wait3A_299 = arith.constant 0 : i32
        %dma_wait3A_300 = arith.constant 0 : i32
        %dma_wait3A_301 = tpu.memref_slice %arg14[%dma_wait3A_299, %dma_wait3A_300] : memref<10240x8xf32, #tpu.memory_space<vmem_shared>> -> memref<10240x8xf32, #tpu.memory_space<vmem_shared>>
        tpu.wait_indirect_dma semaphore(%arg16 : memref<!tpu.dma_semaphore, #tpu.memory_space<semaphore_mem>>) src(%dma_wait3A_295 : memref<128x8xf32, #tpu.memory_space<vmem>>) dst(%dma_wait3A_301 : memref<10240x8xf32, #tpu.memory_space<vmem_shared>>)
      } else {
      }
      %add3A_234 = arith.constant 3 : i32
      %add3A_235 = arith.addi %scan3A_216, %add3A_234 : i32
      %lt3A_236 = arith.constant 79 : i32
      %lt3A_237 = arith.cmpi slt, %add3A_235, %lt3A_236 : i32
      %convert_element_type3A_238 = arith.extui %lt3A_237 : i1 to i32
      %cond3A_239 = arith.constant 0 : i32
      %cond3A_240 = arith.cmpi ne, %convert_element_type3A_238, %cond3A_239 : i32
      scf.if %cond3A_240 {
        %add3A_287 = arith.constant 3 : i32
        %add3A_288 = arith.addi %scan3A_216, %add3A_287 : i32
        %add3A_289 = arith.constant 3 : i32
        %add3A_290 = arith.addi %scan3A_216, %add3A_289 : i32
        %rem3A_291 = arith.constant 6 : i32
        %rem3A_292 = arith.remsi %add3A_290, %rem3A_291 : i32
        %dma_start3A_293 = arith.constant 0 : i32
        %dma_start3A_294 = arith.constant 0 : i32
        %dma_start3A_295 = tpu.memref_slice %arg8[%rem3A_292, %dma_start3A_293, %dma_start3A_294] : memref<6x128x8xf32, #tpu.memory_space<vmem>> -> memref<1x128x8xf32, #tpu.memory_space<vmem>>
        %dma_start3A_296 = tpu.memref_squeeze %dma_start3A_295 : memref<1x128x8xf32, #tpu.memory_space<vmem>> -> memref<128x8xf32, #tpu.memory_space<vmem>>
        %dma_start3A_297 = arith.constant 0 : i32
        %dma_start3A_298 = tpu.memref_slice %arg6[%add3A_288, %dma_start3A_297] : memref<79x128xi32, #tpu.memory_space<vmem>> -> memref<1x128xi32, #tpu.memory_space<vmem>>
        %dma_start3A_299 = tpu.memref_squeeze %dma_start3A_298 : memref<1x128xi32, #tpu.memory_space<vmem>> -> memref<128xi32, #tpu.memory_space<vmem>>
        %dma_start3A_300 = arith.constant 0 : i32
        %dma_start3A_301 = arith.constant 0 : i32
        %dma_start3A_302 = tpu.memref_slice %arg13[%dma_start3A_300, %dma_start3A_301] : memref<10240x8xf32, #tpu.memory_space<vmem_shared>> -> memref<10240x8xf32, #tpu.memory_space<vmem_shared>>
        tpu.enqueue_indirect_dma source(%dma_start3A_302 : memref<10240x8xf32, #tpu.memory_space<vmem_shared>>) target(%dma_start3A_296 : memref<128x8xf32, #tpu.memory_space<vmem>>) offsets(%dma_start3A_299 : memref<128xi32, #tpu.memory_space<vmem>>) semaphore(%arg15 : memref<!tpu.dma_semaphore, #tpu.memory_space<semaphore_mem>>)
      } else {
      }
      %dma_start3A_241 = arith.constant 0 : i32
      %dma_start3A_242 = arith.constant 0 : i32
      %dma_start3A_243 = tpu.memref_slice %arg8[%rem3A_218, %dma_start3A_241, %dma_start3A_242] : memref<6x128x8xf32, #tpu.memory_space<vmem>> -> memref<1x128x8xf32, #tpu.memory_space<vmem>>
      %dma_start3A_244 = tpu.memref_squeeze %dma_start3A_243 : memref<1x128x8xf32, #tpu.memory_space<vmem>> -> memref<128x8xf32, #tpu.memory_space<vmem>>
      %dma_start3A_245 = arith.constant 0 : i32
      %dma_start3A_246 = tpu.memref_slice %arg7[%scan3A_216, %dma_start3A_245] : memref<79x128xi32, #tpu.memory_space<vmem>> -> memref<1x128xi32, #tpu.memory_space<vmem>>
      %dma_start3A_247 = tpu.memref_squeeze %dma_start3A_246 : memref<1x128xi32, #tpu.memory_space<vmem>> -> memref<128xi32, #tpu.memory_space<vmem>>
      %dma_start3A_248 = arith.constant 0 : i32
      %dma_start3A_249 = arith.constant 0 : i32
      %dma_start3A_250 = tpu.memref_slice %arg14[%dma_start3A_248, %dma_start3A_249] : memref<10240x8xf32, #tpu.memory_space<vmem_shared>> -> memref<10240x8xf32, #tpu.memory_space<vmem_shared>>
      tpu.enqueue_indirect_dma source(%dma_start3A_244 : memref<128x8xf32, #tpu.memory_space<vmem>>) target(%dma_start3A_250 : memref<10240x8xf32, #tpu.memory_space<vmem_shared>>) offsets(%dma_start3A_247 : memref<128xi32, #tpu.memory_space<vmem>>) semaphore(%arg16 : memref<!tpu.dma_semaphore, #tpu.memory_space<semaphore_mem>>) {add = true}
      %scan3A_251 = arith.constant 1 : i32
      %scan3A_252 = arith.addi %scan3A_216, %scan3A_251 : i32
      %rem3A_253 = arith.constant 6 : i32
      %rem3A_254 = arith.remsi %scan3A_252, %rem3A_253 : i32
      %dma_wait3A_255 = arith.constant 0 : i32
      %dma_wait3A_256 = arith.constant 0 : i32
      %dma_wait3A_257 = tpu.memref_slice %arg8[%rem3A_254, %dma_wait3A_255, %dma_wait3A_256] : memref<6x128x8xf32, #tpu.memory_space<vmem>> -> memref<1x128x8xf32, #tpu.memory_space<vmem>>
      %dma_wait3A_258 = tpu.memref_squeeze %dma_wait3A_257 : memref<1x128x8xf32, #tpu.memory_space<vmem>> -> memref<128x8xf32, #tpu.memory_space<vmem>>
      %dma_wait3A_259 = arith.constant 0 : i32
      %dma_wait3A_260 = tpu.memref_slice %arg6[%scan3A_252, %dma_wait3A_259] : memref<79x128xi32, #tpu.memory_space<vmem>> -> memref<1x128xi32, #tpu.memory_space<vmem>>
      %dma_wait3A_261 = tpu.memref_squeeze %dma_wait3A_260 : memref<1x128xi32, #tpu.memory_space<vmem>> -> memref<128xi32, #tpu.memory_space<vmem>>
      %dma_wait3A_262 = arith.constant 0 : i32
      %dma_wait3A_263 = arith.constant 0 : i32
      %dma_wait3A_264 = tpu.memref_slice %arg13[%dma_wait3A_262, %dma_wait3A_263] : memref<10240x8xf32, #tpu.memory_space<vmem_shared>> -> memref<10240x8xf32, #tpu.memory_space<vmem_shared>>
      tpu.wait_indirect_dma semaphore(%arg15 : memref<!tpu.dma_semaphore, #tpu.memory_space<semaphore_mem>>) src(%dma_wait3A_264 : memref<10240x8xf32, #tpu.memory_space<vmem_shared>>) dst(%dma_wait3A_258 : memref<128x8xf32, #tpu.memory_space<vmem>>)
      %ge3A_265 = arith.constant 3 : i32
      %ge3A_266 = arith.cmpi sge, %scan3A_252, %ge3A_265 : i32
      %convert_element_type3A_267 = arith.extui %ge3A_266 : i1 to i32
      %cond3A_268 = arith.constant 0 : i32
      %cond3A_269 = arith.cmpi ne, %convert_element_type3A_267, %cond3A_268 : i32
      scf.if %cond3A_269 {
        %add3A_287 = arith.constant 3 : i32
        %add3A_288 = arith.addi %scan3A_252, %add3A_287 : i32
        %rem3A_289 = arith.constant 6 : i32
        %rem3A_290 = arith.remsi %add3A_288, %rem3A_289 : i32
        %sub3A = arith.constant 3 : i32
        %sub3A_291 = arith.subi %scan3A_252, %sub3A : i32
        %dma_wait3A_292 = arith.constant 0 : i32
        %dma_wait3A_293 = arith.constant 0 : i32
        %dma_wait3A_294 = tpu.memref_slice %arg8[%rem3A_290, %dma_wait3A_292, %dma_wait3A_293] : memref<6x128x8xf32, #tpu.memory_space<vmem>> -> memref<1x128x8xf32, #tpu.memory_space<vmem>>
        %dma_wait3A_295 = tpu.memref_squeeze %dma_wait3A_294 : memref<1x128x8xf32, #tpu.memory_space<vmem>> -> memref<128x8xf32, #tpu.memory_space<vmem>>
        %dma_wait3A_296 = arith.constant 0 : i32
        %dma_wait3A_297 = tpu.memref_slice %arg7[%sub3A_291, %dma_wait3A_296] : memref<79x128xi32, #tpu.memory_space<vmem>> -> memref<1x128xi32, #tpu.memory_space<vmem>>
        %dma_wait3A_298 = tpu.memref_squeeze %dma_wait3A_297 : memref<1x128xi32, #tpu.memory_space<vmem>> -> memref<128xi32, #tpu.memory_space<vmem>>
        %dma_wait3A_299 = arith.constant 0 : i32
        %dma_wait3A_300 = arith.constant 0 : i32
        %dma_wait3A_301 = tpu.memref_slice %arg14[%dma_wait3A_299, %dma_wait3A_300] : memref<10240x8xf32, #tpu.memory_space<vmem_shared>> -> memref<10240x8xf32, #tpu.memory_space<vmem_shared>>
        tpu.wait_indirect_dma semaphore(%arg16 : memref<!tpu.dma_semaphore, #tpu.memory_space<semaphore_mem>>) src(%dma_wait3A_295 : memref<128x8xf32, #tpu.memory_space<vmem>>) dst(%dma_wait3A_301 : memref<10240x8xf32, #tpu.memory_space<vmem_shared>>)
      } else {
      }
      %add3A_270 = arith.constant 3 : i32
      %add3A_271 = arith.addi %scan3A_252, %add3A_270 : i32
      %lt3A_272 = arith.constant 79 : i32
      %lt3A_273 = arith.cmpi slt, %add3A_271, %lt3A_272 : i32
      %convert_element_type3A_274 = arith.extui %lt3A_273 : i1 to i32
      %cond3A_275 = arith.constant 0 : i32
      %cond3A_276 = arith.cmpi ne, %convert_element_type3A_274, %cond3A_275 : i32
      scf.if %cond3A_276 {
        %add3A_287 = arith.constant 3 : i32
        %add3A_288 = arith.addi %scan3A_252, %add3A_287 : i32
        %add3A_289 = arith.constant 3 : i32
        %add3A_290 = arith.addi %scan3A_252, %add3A_289 : i32
        %rem3A_291 = arith.constant 6 : i32
        %rem3A_292 = arith.remsi %add3A_290, %rem3A_291 : i32
        %dma_start3A_293 = arith.constant 0 : i32
        %dma_start3A_294 = arith.constant 0 : i32
        %dma_start3A_295 = tpu.memref_slice %arg8[%rem3A_292, %dma_start3A_293, %dma_start3A_294] : memref<6x128x8xf32, #tpu.memory_space<vmem>> -> memref<1x128x8xf32, #tpu.memory_space<vmem>>
        %dma_start3A_296 = tpu.memref_squeeze %dma_start3A_295 : memref<1x128x8xf32, #tpu.memory_space<vmem>> -> memref<128x8xf32, #tpu.memory_space<vmem>>
        %dma_start3A_297 = arith.constant 0 : i32
        %dma_start3A_298 = tpu.memref_slice %arg6[%add3A_288, %dma_start3A_297] : memref<79x128xi32, #tpu.memory_space<vmem>> -> memref<1x128xi32, #tpu.memory_space<vmem>>
        %dma_start3A_299 = tpu.memref_squeeze %dma_start3A_298 : memref<1x128xi32, #tpu.memory_space<vmem>> -> memref<128xi32, #tpu.memory_space<vmem>>
        %dma_start3A_300 = arith.constant 0 : i32
        %dma_start3A_301 = arith.constant 0 : i32
        %dma_start3A_302 = tpu.memref_slice %arg13[%dma_start3A_300, %dma_start3A_301] : memref<10240x8xf32, #tpu.memory_space<vmem_shared>> -> memref<10240x8xf32, #tpu.memory_space<vmem_shared>>
        tpu.enqueue_indirect_dma source(%dma_start3A_302 : memref<10240x8xf32, #tpu.memory_space<vmem_shared>>) target(%dma_start3A_296 : memref<128x8xf32, #tpu.memory_space<vmem>>) offsets(%dma_start3A_299 : memref<128xi32, #tpu.memory_space<vmem>>) semaphore(%arg15 : memref<!tpu.dma_semaphore, #tpu.memory_space<semaphore_mem>>)
      } else {
      }
      %dma_start3A_277 = arith.constant 0 : i32
      %dma_start3A_278 = arith.constant 0 : i32
      %dma_start3A_279 = tpu.memref_slice %arg8[%rem3A_254, %dma_start3A_277, %dma_start3A_278] : memref<6x128x8xf32, #tpu.memory_space<vmem>> -> memref<1x128x8xf32, #tpu.memory_space<vmem>>
      %dma_start3A_280 = tpu.memref_squeeze %dma_start3A_279 : memref<1x128x8xf32, #tpu.memory_space<vmem>> -> memref<128x8xf32, #tpu.memory_space<vmem>>
      %dma_start3A_281 = arith.constant 0 : i32
      %dma_start3A_282 = tpu.memref_slice %arg7[%scan3A_252, %dma_start3A_281] : memref<79x128xi32, #tpu.memory_space<vmem>> -> memref<1x128xi32, #tpu.memory_space<vmem>>
      %dma_start3A_283 = tpu.memref_squeeze %dma_start3A_282 : memref<1x128xi32, #tpu.memory_space<vmem>> -> memref<128xi32, #tpu.memory_space<vmem>>
      %dma_start3A_284 = arith.constant 0 : i32
      %dma_start3A_285 = arith.constant 0 : i32
      %dma_start3A_286 = tpu.memref_slice %arg14[%dma_start3A_284, %dma_start3A_285] : memref<10240x8xf32, #tpu.memory_space<vmem_shared>> -> memref<10240x8xf32, #tpu.memory_space<vmem_shared>>
      tpu.enqueue_indirect_dma source(%dma_start3A_280 : memref<128x8xf32, #tpu.memory_space<vmem>>) target(%dma_start3A_286 : memref<10240x8xf32, #tpu.memory_space<vmem_shared>>) offsets(%dma_start3A_283 : memref<128xi32, #tpu.memory_space<vmem>>) semaphore(%arg16 : memref<!tpu.dma_semaphore, #tpu.memory_space<semaphore_mem>>) {add = true}
    }
    %scan3A_137 = arith.constant 78 : i32
    %scan3A_138 = arith.addi %scan3A_133, %scan3A_137 : i32
    %rem3A = arith.constant 6 : i32
    %rem3A_139 = arith.remsi %scan3A_138, %rem3A : i32
    %dma_wait3A_140 = arith.constant 0 : i32
    %dma_wait3A_141 = arith.constant 0 : i32
    %dma_wait3A_142 = tpu.memref_slice %arg8[%rem3A_139, %dma_wait3A_140, %dma_wait3A_141] : memref<6x128x8xf32, #tpu.memory_space<vmem>> -> memref<1x128x8xf32, #tpu.memory_space<vmem>>
    %dma_wait3A_143 = tpu.memref_squeeze %dma_wait3A_142 : memref<1x128x8xf32, #tpu.memory_space<vmem>> -> memref<128x8xf32, #tpu.memory_space<vmem>>
    %dma_wait3A_144 = arith.constant 0 : i32
    %dma_wait3A_145 = tpu.memref_slice %arg6[%scan3A_138, %dma_wait3A_144] : memref<79x128xi32, #tpu.memory_space<vmem>> -> memref<1x128xi32, #tpu.memory_space<vmem>>
    %dma_wait3A_146 = tpu.memref_squeeze %dma_wait3A_145 : memref<1x128xi32, #tpu.memory_space<vmem>> -> memref<128xi32, #tpu.memory_space<vmem>>
    %dma_wait3A_147 = arith.constant 0 : i32
    %dma_wait3A_148 = arith.constant 0 : i32
    %dma_wait3A_149 = tpu.memref_slice %arg13[%dma_wait3A_147, %dma_wait3A_148] : memref<10240x8xf32, #tpu.memory_space<vmem_shared>> -> memref<10240x8xf32, #tpu.memory_space<vmem_shared>>
    tpu.wait_indirect_dma semaphore(%arg15 : memref<!tpu.dma_semaphore, #tpu.memory_space<semaphore_mem>>) src(%dma_wait3A_149 : memref<10240x8xf32, #tpu.memory_space<vmem_shared>>) dst(%dma_wait3A_143 : memref<128x8xf32, #tpu.memory_space<vmem>>)
    %ge3A = arith.constant 3 : i32
    %ge3A_150 = arith.cmpi sge, %scan3A_138, %ge3A : i32
    %convert_element_type3A = arith.extui %ge3A_150 : i1 to i32
    %cond3A = arith.constant 0 : i32
    %cond3A_151 = arith.cmpi ne, %convert_element_type3A, %cond3A : i32
    scf.if %cond3A_151 {
      %add3A_216 = arith.constant 3 : i32
      %add3A_217 = arith.addi %scan3A_138, %add3A_216 : i32
      %rem3A_218 = arith.constant 6 : i32
      %rem3A_219 = arith.remsi %add3A_217, %rem3A_218 : i32
      %sub3A = arith.constant 3 : i32
      %sub3A_220 = arith.subi %scan3A_138, %sub3A : i32
      %dma_wait3A_221 = arith.constant 0 : i32
      %dma_wait3A_222 = arith.constant 0 : i32
      %dma_wait3A_223 = tpu.memref_slice %arg8[%rem3A_219, %dma_wait3A_221, %dma_wait3A_222] : memref<6x128x8xf32, #tpu.memory_space<vmem>> -> memref<1x128x8xf32, #tpu.memory_space<vmem>>
      %dma_wait3A_224 = tpu.memref_squeeze %dma_wait3A_223 : memref<1x128x8xf32, #tpu.memory_space<vmem>> -> memref<128x8xf32, #tpu.memory_space<vmem>>
      %dma_wait3A_225 = arith.constant 0 : i32
      %dma_wait3A_226 = tpu.memref_slice %arg7[%sub3A_220, %dma_wait3A_225] : memref<79x128xi32, #tpu.memory_space<vmem>> -> memref<1x128xi32, #tpu.memory_space<vmem>>
      %dma_wait3A_227 = tpu.memref_squeeze %dma_wait3A_226 : memref<1x128xi32, #tpu.memory_space<vmem>> -> memref<128xi32, #tpu.memory_space<vmem>>
      %dma_wait3A_228 = arith.constant 0 : i32
      %dma_wait3A_229 = arith.constant 0 : i32
      %dma_wait3A_230 = tpu.memref_slice %arg14[%dma_wait3A_228, %dma_wait3A_229] : memref<10240x8xf32, #tpu.memory_space<vmem_shared>> -> memref<10240x8xf32, #tpu.memory_space<vmem_shared>>
      tpu.wait_indirect_dma semaphore(%arg16 : memref<!tpu.dma_semaphore, #tpu.memory_space<semaphore_mem>>) src(%dma_wait3A_224 : memref<128x8xf32, #tpu.memory_space<vmem>>) dst(%dma_wait3A_230 : memref<10240x8xf32, #tpu.memory_space<vmem_shared>>)
    } else {
    }
    %add3A_152 = arith.constant 3 : i32
    %add3A_153 = arith.addi %scan3A_138, %add3A_152 : i32
    %lt3A = arith.constant 79 : i32
    %lt3A_154 = arith.cmpi slt, %add3A_153, %lt3A : i32
    %convert_element_type3A_155 = arith.extui %lt3A_154 : i1 to i32
    %cond3A_156 = arith.constant 0 : i32
    %cond3A_157 = arith.cmpi ne, %convert_element_type3A_155, %cond3A_156 : i32
    scf.if %cond3A_157 {
      %add3A_216 = arith.constant 3 : i32
      %add3A_217 = arith.addi %scan3A_138, %add3A_216 : i32
      %add3A_218 = arith.constant 3 : i32
      %add3A_219 = arith.addi %scan3A_138, %add3A_218 : i32
      %rem3A_220 = arith.constant 6 : i32
      %rem3A_221 = arith.remsi %add3A_219, %rem3A_220 : i32
      %dma_start3A_222 = arith.constant 0 : i32
      %dma_start3A_223 = arith.constant 0 : i32
      %dma_start3A_224 = tpu.memref_slice %arg8[%rem3A_221, %dma_start3A_222, %dma_start3A_223] : memref<6x128x8xf32, #tpu.memory_space<vmem>> -> memref<1x128x8xf32, #tpu.memory_space<vmem>>
      %dma_start3A_225 = tpu.memref_squeeze %dma_start3A_224 : memref<1x128x8xf32, #tpu.memory_space<vmem>> -> memref<128x8xf32, #tpu.memory_space<vmem>>
      %dma_start3A_226 = arith.constant 0 : i32
      %dma_start3A_227 = tpu.memref_slice %arg6[%add3A_217, %dma_start3A_226] : memref<79x128xi32, #tpu.memory_space<vmem>> -> memref<1x128xi32, #tpu.memory_space<vmem>>
      %dma_start3A_228 = tpu.memref_squeeze %dma_start3A_227 : memref<1x128xi32, #tpu.memory_space<vmem>> -> memref<128xi32, #tpu.memory_space<vmem>>
      %dma_start3A_229 = arith.constant 0 : i32
      %dma_start3A_230 = arith.constant 0 : i32
      %dma_start3A_231 = tpu.memref_slice %arg13[%dma_start3A_229, %dma_start3A_230] : memref<10240x8xf32, #tpu.memory_space<vmem_shared>> -> memref<10240x8xf32, #tpu.memory_space<vmem_shared>>
      tpu.enqueue_indirect_dma source(%dma_start3A_231 : memref<10240x8xf32, #tpu.memory_space<vmem_shared>>) target(%dma_start3A_225 : memref<128x8xf32, #tpu.memory_space<vmem>>) offsets(%dma_start3A_228 : memref<128xi32, #tpu.memory_space<vmem>>) semaphore(%arg15 : memref<!tpu.dma_semaphore, #tpu.memory_space<semaphore_mem>>)
    } else {
    }
    %dma_start3A_158 = arith.constant 0 : i32
    %dma_start3A_159 = arith.constant 0 : i32
    %dma_start3A_160 = tpu.memref_slice %arg8[%rem3A_139, %dma_start3A_158, %dma_start3A_159] : memref<6x128x8xf32, #tpu.memory_space<vmem>> -> memref<1x128x8xf32, #tpu.memory_space<vmem>>
    %dma_start3A_161 = tpu.memref_squeeze %dma_start3A_160 : memref<1x128x8xf32, #tpu.memory_space<vmem>> -> memref<128x8xf32, #tpu.memory_space<vmem>>
    %dma_start3A_162 = arith.constant 0 : i32
    %dma_start3A_163 = tpu.memref_slice %arg7[%scan3A_138, %dma_start3A_162] : memref<79x128xi32, #tpu.memory_space<vmem>> -> memref<1x128xi32, #tpu.memory_space<vmem>>
    %dma_start3A_164 = tpu.memref_squeeze %dma_start3A_163 : memref<1x128xi32, #tpu.memory_space<vmem>> -> memref<128xi32, #tpu.memory_space<vmem>>
    %dma_start3A_165 = arith.constant 0 : i32
    %dma_start3A_166 = arith.constant 0 : i32
    %dma_start3A_167 = tpu.memref_slice %arg14[%dma_start3A_165, %dma_start3A_166] : memref<10240x8xf32, #tpu.memory_space<vmem_shared>> -> memref<10240x8xf32, #tpu.memory_space<vmem_shared>>
    tpu.enqueue_indirect_dma source(%dma_start3A_161 : memref<128x8xf32, #tpu.memory_space<vmem>>) target(%dma_start3A_167 : memref<10240x8xf32, #tpu.memory_space<vmem_shared>>) offsets(%dma_start3A_164 : memref<128xi32, #tpu.memory_space<vmem>>) semaphore(%arg16 : memref<!tpu.dma_semaphore, #tpu.memory_space<semaphore_mem>>) {add = true}
    %scan3A_168 = arith.constant 79 : i32
    %rem3A_169 = arith.constant 76 : i32
    %rem3A_170 = arith.constant 6 : i32
    %rem3A_171 = arith.remsi %rem3A_169, %rem3A_170 : i32
    %dma_wait3A_172 = arith.constant 76 : i32
    %dma_wait3A_173 = arith.constant 0 : i32
    %dma_wait3A_174 = arith.constant 0 : i32
    %dma_wait3A_175 = tpu.memref_slice %arg8[%rem3A_171, %dma_wait3A_173, %dma_wait3A_174] : memref<6x128x8xf32, #tpu.memory_space<vmem>> -> memref<1x128x8xf32, #tpu.memory_space<vmem>>
    %dma_wait3A_176 = tpu.memref_squeeze %dma_wait3A_175 : memref<1x128x8xf32, #tpu.memory_space<vmem>> -> memref<128x8xf32, #tpu.memory_space<vmem>>
    %dma_wait3A_177 = arith.constant 0 : i32
    %dma_wait3A_178 = tpu.memref_slice %arg7[%dma_wait3A_172, %dma_wait3A_177] : memref<79x128xi32, #tpu.memory_space<vmem>> -> memref<1x128xi32, #tpu.memory_space<vmem>>
    %dma_wait3A_179 = tpu.memref_squeeze %dma_wait3A_178 : memref<1x128xi32, #tpu.memory_space<vmem>> -> memref<128xi32, #tpu.memory_space<vmem>>
    %dma_wait3A_180 = arith.constant 0 : i32
    %dma_wait3A_181 = arith.constant 0 : i32
    %dma_wait3A_182 = tpu.memref_slice %arg14[%dma_wait3A_180, %dma_wait3A_181] : memref<10240x8xf32, #tpu.memory_space<vmem_shared>> -> memref<10240x8xf32, #tpu.memory_space<vmem_shared>>
    tpu.wait_indirect_dma semaphore(%arg16 : memref<!tpu.dma_semaphore, #tpu.memory_space<semaphore_mem>>) src(%dma_wait3A_176 : memref<128x8xf32, #tpu.memory_space<vmem>>) dst(%dma_wait3A_182 : memref<10240x8xf32, #tpu.memory_space<vmem_shared>>)
    %rem3A_183 = arith.constant 77 : i32
    %rem3A_184 = arith.constant 6 : i32
    %rem3A_185 = arith.remsi %rem3A_183, %rem3A_184 : i32
    %dma_wait3A_186 = arith.constant 77 : i32
    %dma_wait3A_187 = arith.constant 0 : i32
    %dma_wait3A_188 = arith.constant 0 : i32
    %dma_wait3A_189 = tpu.memref_slice %arg8[%rem3A_185, %dma_wait3A_187, %dma_wait3A_188] : memref<6x128x8xf32, #tpu.memory_space<vmem>> -> memref<1x128x8xf32, #tpu.memory_space<vmem>>
    %dma_wait3A_190 = tpu.memref_squeeze %dma_wait3A_189 : memref<1x128x8xf32, #tpu.memory_space<vmem>> -> memref<128x8xf32, #tpu.memory_space<vmem>>
    %dma_wait3A_191 = arith.constant 0 : i32
    %dma_wait3A_192 = tpu.memref_slice %arg7[%dma_wait3A_186, %dma_wait3A_191] : memref<79x128xi32, #tpu.memory_space<vmem>> -> memref<1x128xi32, #tpu.memory_space<vmem>>
    %dma_wait3A_193 = tpu.memref_squeeze %dma_wait3A_192 : memref<1x128xi32, #tpu.memory_space<vmem>> -> memref<128xi32, #tpu.memory_space<vmem>>
    %dma_wait3A_194 = arith.constant 0 : i32
    %dma_wait3A_195 = arith.constant 0 : i32
    %dma_wait3A_196 = tpu.memref_slice %arg14[%dma_wait3A_194, %dma_wait3A_195] : memref<10240x8xf32, #tpu.memory_space<vmem_shared>> -> memref<10240x8xf32, #tpu.memory_space<vmem_shared>>
    tpu.wait_indirect_dma semaphore(%arg16 : memref<!tpu.dma_semaphore, #tpu.memory_space<semaphore_mem>>) src(%dma_wait3A_190 : memref<128x8xf32, #tpu.memory_space<vmem>>) dst(%dma_wait3A_196 : memref<10240x8xf32, #tpu.memory_space<vmem_shared>>)
    %rem3A_197 = arith.constant 78 : i32
    %rem3A_198 = arith.constant 6 : i32
    %rem3A_199 = arith.remsi %rem3A_197, %rem3A_198 : i32
    %dma_wait3A_200 = arith.constant 78 : i32
    %dma_wait3A_201 = arith.constant 0 : i32
    %dma_wait3A_202 = arith.constant 0 : i32
    %dma_wait3A_203 = tpu.memref_slice %arg8[%rem3A_199, %dma_wait3A_201, %dma_wait3A_202] : memref<6x128x8xf32, #tpu.memory_space<vmem>> -> memref<1x128x8xf32, #tpu.memory_space<vmem>>
    %dma_wait3A_204 = tpu.memref_squeeze %dma_wait3A_203 : memref<1x128x8xf32, #tpu.memory_space<vmem>> -> memref<128x8xf32, #tpu.memory_space<vmem>>
    %dma_wait3A_205 = arith.constant 0 : i32
    %dma_wait3A_206 = tpu.memref_slice %arg7[%dma_wait3A_200, %dma_wait3A_205] : memref<79x128xi32, #tpu.memory_space<vmem>> -> memref<1x128xi32, #tpu.memory_space<vmem>>
    %dma_wait3A_207 = tpu.memref_squeeze %dma_wait3A_206 : memref<1x128xi32, #tpu.memory_space<vmem>> -> memref<128xi32, #tpu.memory_space<vmem>>
    %dma_wait3A_208 = arith.constant 0 : i32
    %dma_wait3A_209 = arith.constant 0 : i32
    %dma_wait3A_210 = tpu.memref_slice %arg14[%dma_wait3A_208, %dma_wait3A_209] : memref<10240x8xf32, #tpu.memory_space<vmem_shared>> -> memref<10240x8xf32, #tpu.memory_space<vmem_shared>>
    tpu.wait_indirect_dma semaphore(%arg16 : memref<!tpu.dma_semaphore, #tpu.memory_space<semaphore_mem>>) src(%dma_wait3A_204 : memref<128x8xf32, #tpu.memory_space<vmem>>) dst(%dma_wait3A_210 : memref<10240x8xf32, #tpu.memory_space<vmem_shared>>)
    %barrier3A_211 = arith.constant 0 : index
    tpu.barrier barrier_id(%barrier3A_211)
    %mul3A_212 = arith.constant 640 : i32
    %mul3A_213 = arith.muli %arg1, %mul3A_212 : i32
    %mul3A_214 = arith.constant 640 : i32
    %mul3A_215 = arith.muli %arg1, %mul3A_214 : i32
    "tpu.region"() ({
      %run_scoped3A_216 = tpu.sem_alloc : memref<!tpu.dma_semaphore, #tpu.memory_space<semaphore_mem>>
      %dma_start3A_217 = arith.constant 0 : i32
      %dma_start3A_218 = tpu.memref_slice %arg5[%arg0, %mul3A_215, %dma_start3A_217] : memref<2x10240x8xf32, #tpu.memory_space<hbm>> -> memref<1x640x8xf32, #tpu.memory_space<hbm>>
      %dma_start3A_219 = tpu.memref_squeeze %dma_start3A_218 : memref<1x640x8xf32, #tpu.memory_space<hbm>> -> memref<640x8xf32, #tpu.memory_space<hbm>>
      %dma_start3A_220 = arith.constant 0 : i32
      %dma_start3A_221 = tpu.memref_slice %arg14[%mul3A_213, %dma_start3A_220] : memref<10240x8xf32, #tpu.memory_space<vmem_shared>> -> memref<640x8xf32, #tpu.memory_space<vmem_shared>>
      tpu.enqueue_dma source(%dma_start3A_221 : memref<640x8xf32, #tpu.memory_space<vmem_shared>>) target(%dma_start3A_219 : memref<640x8xf32, #tpu.memory_space<hbm>>) target_semaphore(%run_scoped3A_216 : memref<!tpu.dma_semaphore, #tpu.memory_space<semaphore_mem>>)
      %dma_wait3A_222 = arith.constant 0 : i32
      %dma_wait3A_223 = tpu.memref_slice %arg5[%arg0, %mul3A_215, %dma_wait3A_222] : memref<2x10240x8xf32, #tpu.memory_space<hbm>> -> memref<1x640x8xf32, #tpu.memory_space<hbm>>
      %dma_wait3A_224 = tpu.memref_squeeze %dma_wait3A_223 : memref<1x640x8xf32, #tpu.memory_space<hbm>> -> memref<640x8xf32, #tpu.memory_space<hbm>>
      %dma_wait3A_225 = arith.constant 0 : i32
      %dma_wait3A_226 = tpu.memref_slice %arg14[%mul3A_213, %dma_wait3A_225] : memref<10240x8xf32, #tpu.memory_space<vmem_shared>> -> memref<640x8xf32, #tpu.memory_space<vmem_shared>>
      tpu.wait_dma2 semaphore(%run_scoped3A_216 : memref<!tpu.dma_semaphore, #tpu.memory_space<semaphore_mem>>) src(%dma_wait3A_226 : memref<640x8xf32, #tpu.memory_space<vmem_shared>>) dst(%dma_wait3A_224 : memref<640x8xf32, #tpu.memory_space<hbm>>)
      tpu.yield
    }) : () -> ()
    return
  }
}

module attributes {stable_mosaic.version = 14 : i64} {
  func.func @_mm1_body(%arg0: i32, %arg1: memref<5120x128xf32, #tpu.memory_space<vmem>>, %arg2: memref<128x16xf32, #tpu.memory_space<vmem>>, %arg3: memref<5120x16xf32, #tpu.memory_space<vmem>>) attributes {dimension_semantics = [#tpu.dimension_semantics<arbitrary>], iteration_bounds = array<i64: 2>, scalar_prefetch = 0 : i64, scratch_operands = 0 : i64, tpu.core_type = #tpu.core_type<tc>, window_params = [{transform_indices = @transform_0, window_bounds = array<i64: 5120, 128>}, {pipeline_mode = #tpu.pipeline_mode<synchronous>, transform_indices = @transform_1, window_bounds = array<i64: 128, 16>}, {transform_indices = @transform_2, window_bounds = array<i64: 5120, 16>}]} {
    %get3A = arith.constant 0 : index
    %get3A_0 = arith.constant 0 : index
    %get3A_1 = vector.load %arg1[%get3A, %get3A_0] : memref<5120x128xf32, #tpu.memory_space<vmem>>, vector<5120x128xf32>
    %get3A_2 = arith.constant 0 : index
    %get3A_3 = arith.constant 0 : index
    %get3A_4 = vector.load %arg2[%get3A_2, %get3A_3] : memref<128x16xf32, #tpu.memory_space<vmem>>, vector<128x16xf32>
    %dot_general3A = arith.constant dense<0.000000e+00> : vector<5120x16xf32>
    %dot_general3A_5 = tpu.matmul %get3A_1, %get3A_4, %dot_general3A {dimension_numbers = #tpu.dot_dimension_numbers<[1], [0], [0], [1], [0, 0, 1, 1], [], []>, transpose_lhs_hint = false} : vector<5120x128xf32>, vector<128x16xf32>, vector<5120x16xf32> -> vector<5120x16xf32>
    %swap3A = arith.constant 0 : index
    %swap3A_6 = arith.constant 0 : index
    %swap3A_7 = vector.load %arg3[%swap3A, %swap3A_6] : memref<5120x16xf32, #tpu.memory_space<vmem>>, vector<5120x16xf32>
    tpu.vector_store %arg3[%swap3A, %swap3A_6], %dot_general3A_5 {strides = array<i32>} : memref<5120x16xf32, #tpu.memory_space<vmem>>, vector<5120x16xf32>,
    return
  }
  func.func @transform_0(%arg0: i32) -> (i32, i32) {
    %c0_i32 = arith.constant 0 : i32
    %c0_i32_0 = arith.constant 0 : i32
    return %arg0, %c0_i32 : i32, i32
  }
  func.func @transform_1(%arg0: i32) -> (i32, i32) {
    %c0_i32 = arith.constant 0 : i32
    %c0_i32_0 = arith.constant 0 : i32
    %c0_i32_1 = arith.constant 0 : i32
    return %c0_i32, %c0_i32_0 : i32, i32
  }
  func.func @transform_2(%arg0: i32) -> (i32, i32) {
    %c0_i32 = arith.constant 0 : i32
    %c0_i32_0 = arith.constant 0 : i32
    return %arg0, %c0_i32 : i32, i32
  }
}

</mosaic_0001>

<sc_bundles>
// kernel: kernel.12.cloned.1.call-start
scs
__scs_entry_jumppad:
0x0: {  	(pc) =	sbr.rel $0x88, $3  }
0x1: {  	(tag) =	ssettag $0x0;
	lr =	simm.s32 $0x1  }
0x2: {  	[smem:$0x3F9D] =	sst lr;
	_ =	strace $0xD0000000  }
0x3: {  	_ = 	snop  }
0x4: {  	_ = 	snop  }
0x5: {  	_ = 	snop  }
0x6: {  	_ = 	snop  }
0x7: {  	_ = 	snop  }
__scs_overlays_trampoline_lowered:
0x8: {  	[smem:$0x3FAC] =	sst s0  }
0x9: {  	[smem:$0x3FAD] =	sst s1  }
0xa: {  	[smem:$0x3FAE] =	sst s2  }
0xb: {  	[smem:$0x3FAF] =	sst s3  }
0xc: {  	[smem:$0x3FB0] =	sst s4  }
0xd: {  	[smem:$0x3FB1] =	sst s5  }
0xe: {  	[smem:$0x3FB2] =	sst s6  }
0xf: {  	[smem:$0x3FB3] =	sst s7  }
0x10: {  	[smem:$0x3FB4] =	sst s8  }
0x11: {  	[smem:$0x3FB5] =	sst s9;
	s0 =	simm.s32 @!p0 $0x0  }
0x12: {  	s1 =	sld [smem:$0x3F9B];
	s0 =	simm.s32 @p0 $0x1  }
0x13: {  	[smem:$0x3FB6] =	sst s0;
	s0 =	simm.s32 @!p1 $0x0  }
0x14: {  	s2 =	sld [smem:$0x3F9A];
	s0 =	simm.s32 @p1 $0x1  }
0x15: {  	[smem:$0x3FB7] =	sst s0;
	s0 =	simm.s32 @!p2 $0x0  }
0x16: {  	s3 =	sld [smem:$0x3FDB];
	s0 =	simm.s32 @p2 $0x1  }
0x17: {  	s4 =	simm.s32 $0x1BF5;
	[smem:$0x3FB9] =	sst s0  }
0x18: {  	s0 =	sld [smem:$0x3F9C];
	_ =	swait.ge [sflag:s4], $0x0  }
0x19: {  	s7 =	sld [smem:$0x3F9D]  }
0x1a: {  	s8 =	sadd.s32 $0xFFFFE003, lr  }
0x1b: {  	s9 =	sadd.s32 $0xFFFFFEF7, lr;
	s5 =	simm.s32 $0xFFFFFFFF;
	p2 =	slt.u32 s8, $0xFFFFF086  }
0x1c: {  	p1 =	slt.u32 s9, $0xF7A;
	s5 =	simm.s32 @!p2 $0x0  }
0x1d: {  	s5 =	simm.s32 @p1 $0x1;
	p0 =	seq.s32 s7, s2  }
0x1e: {  	s7 =	smul.u32 @!p0 $0xF7A, s2;
	p2 =	seq.s32 @!p0 s5, $0x0  }
0x1f: {  	s9 =	smul.u32 $0xF7A, s1;
	s8 =	simm.s32 @!p0 $0x1BF5;
	p2 =	por !p2, p0  }
0x20: {  	[sflag:s8] =	ssyncset.s32 @!p0 $0xFFFFF086;
	s6 =	sadd.s32 @!p0 s3, s7;
	s7 =	simm.s32 @!p0 $0x108  }
0x21: {  	s3 =	sadd.s32 s3, s9;
	s6 =	sadd.s32 @!p0 $0x88, s6;
	s7 =	simm.s32 @p2 $0x1082  }
0x22: {  	[simem:s7], [sflag:s8] =	dma.local @!p0 [hbm:s6], $0xF7A  }
0x23: {  	s9 =	sor.u32 $0xD0000000, s2;
	s6 =	simm.s32 $0x108;
	_ =	swait.ge @!p0 [sflag:s8], $0x0  }
0x24: {  	s3 =	sadd.s32 $0x88, s3;
	s6 =	simm.s32 @!p1 $0x1082;
	[sflag:s4] =	ssyncset.s32 $0xFFFFF086  }
0x25: {  	[simem:s6], [sflag:s4] =	dma.local [hbm:s3], $0xF7A  }
0x26: {  	[smem:$0x3F9D] =	sst s1;
	(tag) =	ssettag s2;
	_ =	strace s9  }
0x27: {  	s1 =	sld [smem:$0x3FAD]  }
0x28: {  	s2 =	sld [smem:$0x3FAE]  }
0x29: {  	s4 =	sld [smem:$0x3FB0]  }
0x2a: {  	p0 =	seq.s32 s5, $0x0;
	s5 =	sld [smem:$0x3FB1]  }
0x2b: {  	s6 =	sld [smem:$0x3FB2]  }
0x2c: {  	s7 =	sld [smem:$0x3FB3]  }
0x2d: {  	s3 =	simm.s32 $0x108;
	s8 =	sld [smem:$0x3FB4]  }
0x2e: {  	s3 =	simm.s32 @!p0 $0x1082;
	s9 =	sld [smem:$0x3FB5]  }
0x2f: {  	lr =	sadd.s32 s0, s3;
	s0 =	sld [smem:$0x3FAC]  }
0x30: {  	s3 =	sld [smem:$0x3FAF]  }
0x31: {  	[smem:$0x3FB8] =	sst s10  }
0x32: {  	s10 =	sld [smem:$0x3FB6];
	_ =	sdelay $0x3  }
0x33: {  	p0 =	seq.s32 s10, $0x1;
	s10 =	sld [smem:$0x3FB8];
	_ =	sdelay $0x3  }
0x34: {  	[smem:$0x3FB8] =	sst s10  }
0x35: {  	s10 =	sld [smem:$0x3FB7];
	_ =	sdelay $0x3  }
0x36: {  	p1 =	seq.s32 s10, $0x1;
	s10 =	sld [smem:$0x3FB8];
	_ =	sdelay $0x3  }
0x37: {  	[smem:$0x3FB8] =	sst s10  }
0x38: {  	s10 =	sld [smem:$0x3FB9]  }
0x39: {  	_ = 	snop;
	(pc) =	sbr.ind lr, $3  }
0x3a: {  	_ = 	snop  }
0x3b: {  	_ = 	snop  }
0x3c: {  	p2 =	seq.s32 s10, $0x1;
	s10 =	sld [smem:$0x3FB8]  }
0x3d: {  	_ =	shalt  }
0x3e: {  	_ =	shalt  }
0x3f: {  	_ =	shalt  }
0x40: {  	_ =	shalt  }
0x41: {  	_ =	shalt  }
0x42: {  	_ =	shalt  }
0x43: {  	_ =	shalt  }
0x44: {  	_ =	shalt  }
0x45: {  	_ =	shalt  }
0x46: {  	_ =	shalt  }
0x47: {  	_ =	shalt  }
0x48: {  	_ =	shalt  }
0x49: {  	_ =	shalt  }
0x4a: {  	_ =	shalt  }
0x4b: {  	_ =	shalt  }
0x4c: {  	_ =	shalt  }
0x4d: {  	_ =	shalt  }
0x4e: {  	_ =	shalt  }
0x4f: {  	_ =	shalt  }
0x50: {  	_ =	shalt  }
0x51: {  	_ =	shalt  }
0x52: {  	_ =	shalt  }
0x53: {  	_ =	shalt  }
0x54: {  	_ =	shalt  }
0x55: {  	_ =	shalt  }
0x56: {  	_ =	shalt  }
0x57: {  	_ =	shalt  }
0x58: {  	_ =	shalt  }
0x59: {  	_ =	shalt  }
0x5a: {  	_ =	shalt  }
0x5b: {  	_ =	shalt  }
0x5c: {  	_ =	shalt  }
0x5d: {  	_ =	shalt  }
0x5e: {  	_ =	shalt  }
0x5f: {  	_ =	shalt  }
0x60: {  	_ =	shalt  }
0x61: {  	_ =	shalt  }
0x62: {  	_ =	shalt  }
0x63: {  	_ =	shalt  }
0x64: {  	_ =	shalt  }
0x65: {  	_ =	shalt  }
0x66: {  	_ =	shalt  }
0x67: {  	_ =	shalt  }
0x68: {  	_ =	shalt  }
0x69: {  	_ =	shalt  }
0x6a: {  	_ =	shalt  }
0x6b: {  	_ =	shalt  }
0x6c: {  	_ =	shalt  }
0x6d: {  	_ =	shalt  }
0x6e: {  	_ =	shalt  }
0x6f: {  	_ =	shalt  }
0x70: {  	_ =	shalt  }
0x71: {  	_ =	shalt  }
0x72: {  	_ =	shalt  }
0x73: {  	_ =	shalt  }
0x74: {  	_ =	shalt  }
0x75: {  	_ =	shalt  }
0x76: {  	_ =	shalt  }
0x77: {  	_ =	shalt  }
0x78: {  	_ =	shalt  }
0x79: {  	_ =	shalt  }
0x7a: {  	_ =	shalt  }
0x7b: {  	_ =	shalt  }
0x7c: {  	_ =	shalt  }
0x7d: {  	_ =	shalt  }
0x7e: {  	_ =	shalt  }
0x7f: {  	_ =	shalt  }
0x80: {  	_ =	shalt  }
0x81: {  	_ =	shalt  }
0x82: {  	_ =	shalt  }
0x83: {  	_ =	shalt  }
0x84: {  	_ =	shalt  }
0x85: {  	_ =	shalt  }
0x86: {  	_ =	shalt  }
0x87: {  	_ =	shalt  }
.Lfunc_end0:
.L_simem_size_0:
called_computation.2_lowered:
.L_overlay_start_0:
0x88: {  	s2 =	sld [smem:$0x3FD9]  }
0x89: {  	s3 =	sld [smem:$0x3FFE];
	_ =	sdelay $0x1  }
0x8a: {  	s1 =	srdreg.scid  }
0x8b: {  	s0 =	sand.u32 $0x1, s1  }
0x8c: {  	s17 =	sshll.u32 s0, $0xA;
	s2 =	sadd.s32 s3, s2  }
0x8d: {  	s2 =	sadd.s32 s2, s17  }
0x8e: {  	[smem:$0x3FC4] =	sst s2  }
0x8f: {  	_ = 	snop  }
0x90: {  	s2 =	sld [smem:$0x3FD0];
	(tm) =	ssettm $0x1  }
0x91: {  	s18 =	sld [smem:$0x3FFB];
	_ =	sdelay $0x3  }
0x92: {  	_ =	strace s18  }
0x93: {  	s3 =	sld [smem:$0x3FFC];
	_ =	sdelay $0x3  }
0x94: {  	_ =	strace s3  }
0x95: {  	s3 =	sld [smem:$0x3FFD];
	_ =	sdelay $0x3  }
0x96: {  	_ =	strace s3  }
0x97: {  	_ =	strace $0x8FFFFFFF  }
0x98: {  	s19 =	sld [smem:$0x3FDB];
	_ =	sdelay $0x1  }
0x99: {  	s4 =	simm.s32 $_scs_section_size  }
0x9a: {  	s5 =	simm.s32 $_size__tile_overlayer_lowered;
	s6 =	simm.s32 $_tile_overlayer_lowered  }
0x9b: {  	s22 =	simm.s32 $0x1BFF;
	s21 =	sshll.u32 s6, $0x1;
	s3 =	sadd.s32 s4, s19  }
0x9c: {  	s7 =	simm.s32 $0x0;
	s20 =	sshll.u32 s5, $0x1;
	s5 =	sadd.s32 s21, s3  }
0x9d: {  	[timem:s7], [sflag:s22] =	dma.local [hbm:s5], s20  }
0x9e: {  	_ =	swait.ge [sflag:s22], s20  }
0x9f: {  	s4 =	ssub.s32 $0x0, s20;
	[sflag:s22] =	ssyncset.done $0x0  }
0xa0: {  	[sflag:s22] =	ssyncadd.s32 s4;
	_ =	sdelay $0x1  }
0xa1: {  	s23 =	simm.s32 $0x1B8B  }
0xa2: {  	_ =	swait.ge [sflag:s23], $0x1  }
0xa3: {  	[sflag:s23] =	ssyncset.done $0x0  }
0xa4: {  	s25 =	simm.s32 $0x1B8E;
	s24 =	sld [smem:$0x3FFE];
	[sflag:s23] =	ssyncadd.s32 $0xFFFFFFFF  }
0xa5: {  	s26 =	simm.s32 $execute0_lowered;
	[smem:$0x3FD2] =	sst s25  }
0xa6: {  	s5 =	sshll.u32 s26, $0x1;
	_ =	strace $0x8000004C;
	[dreg:$0x1] =	wrdreg $0xFFFFFFFF  }
0xa7: {  	s28 =	simm.s32 $_size_execute0_lowered;
	s3 =	sadd.s32 s3, s5;
	[dreg:$0x0] =	wrdreg $0x0  }
0xa8: {  	s5 =	sshll.u32 s28, $0x1;
	[dreg:$0x2] =	wrdreg s3  }
0xa9: {  	[dreg:$0x3] =	wrdreg s5  }
0xaa: {  	[dreg:$0x4] =	wrdreg $0xC0  }
0xab: {  	_ =	task [dreg:s7], $0x5FFFF  }
0xac: {  	[dreg:$0x1] =	wrdreg $0xFFFFFFFF  }
0xad: {  	[dreg:$0x0] =	wrdreg $0x60  }
0xae: {  	[dreg:$0x2] =	wrdreg s24  }
0xaf: {  	[dreg:$0x3] =	wrdreg s2  }
0xb0: {  	[dreg:$0x4] =	wrdreg $0x9  }
0xb1: {  	_ =	task.clear_ibuf [dreg:s7], $0x5FFFF;
	_ =	strace $0x9000004C  }
0xb2: {  	s29 =	simm.s32 $0x9;
	_ =	strace $0x8000004E  }
0xb3: {  	_ =	swait.ge [sflag:s29], $0x1  }
0xb4: {  	[sflag:s29] =	ssyncadd.s32 $0xFFFFFFFF  }
0xb5: {  	_ =	strace $0x9000004E  }
0xb6: {  	_ =	sfence  }
0xb7: {  	s30 =	sld [smem:$0x0];
	_ =	sdelay $0x2  }
0xb8: {  	s31 =	sshll.u32 s1, $0xD;
	s1 =	sshrl.u32 s1, $0x2  }
0xb9: {  	s3 =	sand.u32 $0x4000, s31;
	s1 =	sadd.s32 s1, s30  }
0xba: {  	s0 =	sor.u32 s3, s0;
	s1 =	sshll.u32 s1, $0x11  }
0xbb: {  	s0 =	sor.u32 s1, s0  }
0xbc: {  	s0 =	sadd.s32 $0x8F2B, s0  }
0xbd: {  	[sflag:s0] =	ssyncadd.remote.s32 $0x1  }
0xbe: {  	_ =	sfence.sel $0xFFFF  }
0xbf: {  	[dreg:$0x0] =	wrdreg $0xFFFFFFFF;
	(pc) =	sbr.abs _section_cstart, $3  }
0xc0: {  	[dreg:$0x1] =	wrdreg $0xFFFFFFFF  }
0xc1: {  	_ =	task.clear_ibuf [dreg:s7], $0x2FFFF;
	_ =	strace $0x9FFFFFFF  }
0xc2: {  	(tm) =	ssettm $0x7FFFFFFF  }
0xc3: {  	_ =	shalt  }
tec
execute0_lowered:
.L_overlay_start_1:
0x0: {  	(tag) =	ssettag $0x1  }
0x1: {  	s1 =	srdreg.scid;
	s0 =	stileid.u32  }
0x2: {  	s4 =	sand.u32 $0x1, s1;
	s6 =	sshll.u32 s0, $0x1  }
0x3: {  	s6 =	sor.u32 s4, s6  }
0x4: {  	p0 =	sgt.u32 s6, $0x18  }
.Ltmp0:
0x5: {  	_ = 	snop;
	(pc) =	sbr.rel @p0 .LBB2_5-.Ltmp0, $4  }
0x6: {  	s3 =	rddreg [dreg:$0x0]  }
0x7: {  	s5 =	rddreg [dreg:$0x1];
	s2 =	simm.s32 $0x0  }
0x8: {  	[smem:$0x7FF] =	sst s2  }
0x9: {  	s1 =	rddreg [dreg:$0x2];
	_ =	strace $0x8000004D  }
0xa: {  	v0 =	vlaneseq.u32  }
0xb: {  	v1 =	vimm.s32 $0xC7E;
	vm0 =	vcmask $0x300;
	v2 =	vimm.s32 $0x18FE  }
0xc: {  	vm1 =	vcmask $0x704;
	v1 =	vsel vm0, $0xC6D, v1;
	v2 =	vsel vm0, $0x18ED, v2  }
0xd: {  	vm15 =	vcmask $0xB08;
	v1 =	vsel vm1, $0xC6E, v1;
	v2 =	vsel vm1, $0x18EE, v2  }
0xe: {  	vm4 =	vcmask $0xF0C;
	v1 =	vsel vm15, $0xC70, v1;
	v2 =	vsel vm15, $0x18F0, v2  }
0xf: {  	vm5 =	vcmask $0x1310;
	v1 =	vsel vm4, $0xC71, v1;
	v2 =	vsel vm4, $0x18F1, v2  }
0x10: {  	vm6 =	vcmask $0x1714;
	v1 =	vsel vm5, $0xC72, v1;
	v2 =	vsel vm5, $0x18F2, v2  }
0x11: {  	vm7 =	vcmask $0x1B18;
	v1 =	vsel vm6, $0xC73, v1;
	v2 =	vsel vm6, $0x18F3, v2  }
0x12: {  	vm8 =	vcmask $0x1F1C;
	v1 =	vsel vm7, $0xC74, v1;
	v2 =	vsel vm7, $0x18F4, v2  }
0x13: {  	vm9 =	vcmask $0x2320;
	v1 =	vsel vm8, $0xC75, v1;
	v2 =	vsel vm8, $0x18F5, v2  }
0x14: {  	vm10 =	vcmask $0x2724;
	v1 =	vsel vm9, $0xC76, v1;
	v2 =	vsel vm9, $0x18F6, v2  }
0x15: {  	vm11 =	vcmask $0x2B28;
	v1 =	vsel vm10, $0xC78, v1;
	v2 =	vsel vm10, $0x18F8, v2  }
0x16: {  	s6 =	smul.u32 $0xC80, s6;
	s7 =	ssub.s32 $0x2, s4;
	vm12 =	vcmask $0x2F2C;
	v1 =	vsel vm11, $0xC79, v1;
	v2 =	vsel vm11, $0x18F9, v2  }
0x17: {  	s3 =	sadd.s32 $0x1200, s3;
	vm13 =	vcmask $0x3330;
	s9 =	simm.s32 $0x1900;
	s8 =	sshrl.u32 s7, $0x1;
	v1 =	vsel vm12, $0xC7A, v1;
	v2 =	vsel vm12, $0x18FA, v2  }
0x18: {  	vm14 =	vcmask $0x3734;
	s10 =	simm.s32 $0x0;
	s6 =	sshrl.u32 s6, $0x3;
	s7 =	ssub.s32 s7, s8;
	v1 =	vsel vm13, $0xC7B, v1;
	v2 =	vsel vm13, $0x18FB, v2  }
0x19: {  	s8 =	simm.s32 $0xC80;
	s3 =	sadd.s32 s3, s6;
	s5 =	sadd.s32 s5, s6;
	vm15 =	vcmask $0x3B38;
	v3 =	vsel vm14, $0xC7C, v1;
	v4 =	vsel vm14, $0x18FC, v2  }
0x1a: {  	s6 =	smax.u32 s7, $0x1;
	s7 =	simm.s32 $0x1;
	s4 =	sadd.s32 $0x2800, s3;
	v1 =	vimm.s32 $0x0;
	v2 =	vsel vm15, $0xC7D, v3;
	v3 =	vsel vm15, $0x18FD, v4  }
.LBB2_2:
0x1b: {  	s12 =	simm.s32 $0x0  }
0x1c: {  	s11 =	simm.s32 $0x10;
	v6 =	vor.u32 s12, v0  }
0x1d: {  	v4 =	vor.u32 s11, v0;
	v7 =	vmulhi.u32 $0x24924925, v6  }
0x1e: {  	v5 =	vmulhi.u32 $0x24924925, v4  }
0x1f: {  	v9 =	vsub.s32 v6, v7  }
0x20: {  	v8 =	vsub.s32 v4, v5;
	v9 =	vshrl.u32 v9, $0x1  }
0x21: {  	v8 =	vshrl.u32 v8, $0x1;
	v7 =	vadd.s32 v7, v9  }
0x22: {  	v5 =	vadd.s32 v5, v8;
	v7 =	vshrl.u32 v7, $0x2  }
0x23: {  	v5 =	vshrl.u32 v5, $0x2;
	v8 =	vmul.u32 $0xFFFFFFF9, v7  }
0x24: {  	s30 =	simm.s32 $0x30;
	v10 =	vmov s12;
	v11 =	vsub.s32 $0x0, v6;
	v9 =	vmul.u32 $0xFFFFFFF9, v5  }
0x25: {  	vm0 =	veq.s32 v10, v0;
	v10 =	vor.u32 s30, v0;
	vm1 =	vne.s32 v8, v11  }
0x26: {  	s31 =	simm.s32 $0x20;
	v12 =	vmulhi.u32 $0x24924925, v10;
	v4 =	vadd.s32 v4, v9;
	vm0 =	vmand vm0, vm1  }
0x27: {  	v8 =	vshll.u32 v5, $0x3;
	v5 =	vor.u32 s31, v0;
	v11 =	vsel vm0, $0xFFFFFFFF, v1  }
0x28: {  	[tilespmem:s2], [sflag:$0x1] =	stream.linear.gather [hbm4b:s3+s2], $0xC80, $0x38;
	v9 =	vand.u32 $0xFFFFFFF8, v4;
	v4 =	vand.u32 $0x7, v4;
	v7 =	vadd.s32 v11, v7;
	[tilespmem:$0x2580] =	vst v63  }
0x29: {  	v8 =	vadd.s32 v8, v9;
	v9 =	vmulhi.u32 $0x24924925, v5;
	v11 =	vmul.u32 $0xFFFFFFF9, v7  }
0x2a: {  	_ =	swait.ge [sflag:s7], $0xC80;
	v4 =	vor.u32 v4, v8;
	v8 =	vsub.s32 v10, v12  }
0x2b: {  	[sflag:s7] =	ssyncset.done $0x0;
	v13 =	vadd.s32 $0xC80, v4;
	v14 =	vsub.s32 v5, v9;
	v6 =	vadd.s32 v6, v11  }
0x2c: {  	[sflag:s7] =	ssyncadd.s32 $0xFFFFF380;
	v8 =	vshrl.u32 v8, $0x1;
	v7 =	vshll.u32 v7, $0x3;
	v11 =	vand.u32 $0xFFFFFFF8, v6  }
0x2d: {  	[tilespmem:s8], [sflag:$0x1] =	stream.linear.gather [hbm4b:s4+s2], $0xC80, $0x38;
	v14 =	vshrl.u32 v14, $0x1;
	v6 =	vand.u32 $0x7, v6;
	v7 =	vadd.s32 v7, v11;
	[tilespmem:$0x2580] =	vst v63  }
0x2e: {  	_ =	swait.ge [sflag:s7], $0xC80;
	v8 =	vadd.s32 v12, v8;
	v9 =	vadd.s32 v9, v14;
	v6 =	vor.u32 v6, v7  }
0x2f: {  	[sflag:s7] =	ssyncset.done $0x0;
	v8 =	vshrl.u32 v8, $0x2;
	v11 =	vshrl.u32 v9, $0x2;
	v9 =	vadd.s32 $0xC80, v6  }
0x30: {  	v16 =	vmov s31;
	[sflag:s7] =	ssyncadd.s32 $0xFFFFF380;
	v15 =	vmul.u32 $0xFFFFFFF9, v8;
	v14 =	vmul.u32 $0xFFFFFFF9, v11  }
0x31: {  	v17 =	vsub.s32 $0x0, v5;
	vm0 =	veq.s32 v16, v0;
	v7 =	vld.idx.msk [tilespmem:v4+s2+$0x0], $0xffff  }
0x32: {  	v12 =	vshll.u32 v8, $0x3;
	v8 =	vld.idx.msk [tilespmem:v13+s2+$0x0], $0xffff;
	v10 =	vadd.s32 v10, v15;
	vm1 =	vne.s32 v14, v17  }
0x33: {  	s11 =	simm.s32 $0x2;
	s12 =	simm.s32 $0x50;
	v13 =	vand.u32 $0x7, v10;
	v14 =	vand.u32 $0xFFFFFFF8, v10;
	vm0 =	vmand vm0, vm1;
	v10 =	vld.idx.msk [tilespmem:v6+s2+$0x0], $0xffff  }
.LBB2_3:
0x34: {  	s13 =	sadd.s32 $0xFFFFFFF0, s12;
	v15 =	vor.u32 s12, v0;
	v16 =	vsel vm0, $0xFFFFFFFF, v1;
	v12 =	vadd.s32 v12, v14;
	v9 =	vld.idx.msk [tilespmem:v9+s2+$0x0], $0xffff  }
0x35: {  	s11 =	sadd.s32 $0x2, s11;
	v14 =	vor.u32 s13, v0;
	v17 =	vmulhi.u32 $0x24924925, v15;
	v11 =	vadd.s32 v16, v11  }
0x36: {  	p0 =	slt.u32 s11, $0xAC;
	v12 =	vor.u32 v13, v12;
	v16 =	vmulhi.u32 $0x24924925, v14;
	v18 =	vmul.u32 $0xFFFFFFF9, v11  }
0x37: {  	v7 =	vadd.f32 v8, v7;
	v19 =	vadd.s32 $0xC80, v12;
	v13 =	vsub.s32 v15, v17  }
0x38: {  	v8 =	vsub.s32 v14, v16;
	v13 =	vshrl.u32 v13, $0x1;
	v18 =	vadd.s32 v5, v18;
	v5 =	vmovc v14  }
0x39: {  	v11 =	vshll.u32 v11, $0x3;
	v8 =	vshrl.u32 v8, $0x1;
	v14 =	vand.u32 $0xFFFFFFF8, v18;
	[tilespmem:v4+s9+$0x0] =	vst.idx.msk $0xffff, v7;
	v4 =	vmovc v12  }
0x3a: {  	v7 =	vand.u32 $0x7, v18;
	v10 =	vadd.f32 v9, v10;
	v11 =	vadd.s32 v11, v14  }
0x3b: {  	v9 =	vadd.s32 v17, v13;
	v8 =	vadd.s32 v16, v8;
	v16 =	vor.u32 v7, v11;
	v7 =	vld.idx.msk [tilespmem:v12+s2+$0x0], $0xffff  }
.Ltmp1:
0x3c: {  	v11 =	vshrl.u32 v8, $0x2;
	v12 =	vshrl.u32 v9, $0x2;
	v9 =	vadd.s32 $0xC80, v16;
	v8 =	vld.idx.msk [tilespmem:v19+s2+$0x0], $0xffff;
	[tilespmem:v6+s9+$0x0] =	vst.idx.msk $0xffff, v10;
	v6 =	vmovc v16;
	(pc) =	sbr.rel @p0 .LBB2_3-.Ltmp1, $4  }
0x3d: {  	v10 =	vmul.u32 $0xFFFFFFF9, v11;
	v13 =	vmul.u32 $0xFFFFFFF9, v12;
	v12 =	vshll.u32 v12, $0x3  }
0x3e: {  	v17 =	vsub.s32 $0x0, v5;
	v14 =	vmov s13  }
0x3f: {  	vm0 =	veq.s32 v14, v0;
	vm1 =	vne.s32 v10, v17;
	v10 =	vadd.s32 v15, v13  }
0x40: {  	s12 =	sadd.s32 $0x20, s12;
	vm0 =	vmand vm0, vm1;
	v14 =	vand.u32 $0xFFFFFFF8, v10;
	v13 =	vand.u32 $0x7, v10;
	v10 =	vld.idx.msk [tilespmem:v16+s2+$0x0], $0xffff  }
0x41: {  	v15 =	vsel vm0, $0xFFFFFFFF, v1  }
0x42: {  	v11 =	vadd.s32 v15, v11  }
0x43: {  	v15 =	vmul.u32 $0xFFFFFFF9, v11;
	_ =	sdelay $0x1  }
0x44: {  	v12 =	vadd.s32 v12, v14;
	v5 =	vadd.s32 v5, v15  }
0x45: {  	v12 =	vor.u32 v13, v12;
	v11 =	vshll.u32 v11, $0x3;
	v58 =	vand.u32 $0xFFFFFFF8, v5  }
0x46: {  	v59 =	vadd.s32 $0xC80, v12;
	v5 =	vand.u32 $0x7, v5;
	v11 =	vadd.s32 v11, v58  }
0x47: {  	v5 =	vor.u32 v5, v11  }
0x48: {  	v11 =	vadd.s32 $0xC80, v5  }
0x49: {  	v9 =	vld.idx.msk [tilespmem:v9+s2+$0x0], $0xffff  }
0x4a: {  	v60 =	vld.idx.msk [tilespmem:v12+s2+$0x0], $0xffff  }
0x4b: {  	v14 =	vld.idx.msk [tilespmem:v59+s2+$0x0], $0xffff  }
0x4c: {  	v61 =	vld.idx.msk [tilespmem:v5+s2+$0x0], $0xffff  }
0x4d: {  	v11 =	vld.idx.msk [tilespmem:v11+s2+$0x0], $0xffff;
	_ =	sdelay $0x1  }
0x4e: {  	v7 =	vadd.f32 v8, v7  }
0x4f: {  	v62 =	vadd.f32 v9, v10  }
0x50: {  	[tilespmem:v4+s9+$0x0] =	vst.idx.msk $0xffff, v7;
	v4 =	vadd.f32 v14, v60  }
0x51: {  	[tilespmem:v6+s9+$0x0] =	vst.idx.msk $0xffff, v62;
	v63 =	vadd.f32 v11, v61  }
0x52: {  	[tilespmem:v12+s9+$0x0] =	vst.idx.msk $0xffff, v4  }
0x53: {  	[tilespmem:v5+s9+$0x0] =	vst.idx.msk $0xffff, v63  }
0x54: {  	v4 =	vld.idx.msk [tilespmem:v2+s2+$0x0], $0xffff  }
0x55: {  	v5 =	vld.idx.msk [tilespmem:v3+s2+$0x0], $0xffff;
	_ =	sdelay $0x4  }
0x56: {  	s10 =	sadd.s32 $0x1, s10;
	v4 =	vadd.f32 v5, v4  }
0x57: {  	p0 =	sne.s32 s10, s6  }
.Ltmp2:
0x58: {  	[tilespmem:v2+s9+$0x0] =	vst.idx.msk $0xffff, v4;
	(pc) =	sbr.rel @p0 .LBB2_2-.Ltmp2, $4  }
0x59: {  	[hbm4b:s5+s2] =	stream.linear.scatter [tilespmem:s9], [sflag:$0x1], $0xC80, $0x38;
	[tilespmem:$0x2580] =	vst v63  }
0x5a: {  	_ =	swait.ge [sflag:s7], $0xC80  }
0x5b: {  	[sflag:s7] =	ssyncset.done $0x0  }
0x5c: {  	[sflag:s7] =	ssyncadd.s32 $0xFFFFF380  }
.LBB2_5:
0x5d: {  	_ =	sfence.sel $0x180000  }
0x5e: {  	[bflag:$0x0] =	sbarrier.arrive $0xFFFF  }
0x5f: {  	p0 =	sne.s32 s0, $0x0;
	_ =	strace $0x9000004D  }
0x60: {  	s0 =	sadd.s32 @!p0 $0x100000, s1;
	[bflag:$0x2] =	sbarrier.arrive $0xFFFF  }
0x61: {  	[sflag:s0] =	ssyncadd.tile.s32 @!p0 $0x1;
	_ =	shalt  }
.Lfunc_end2:
_tile_overlayer_lowered:
.L_overlay_start_2:
0x62: {  	(tag) =	ssettag $0x2  }
0x63: {  	s0 =	rddreg [dreg:$0x0];
	s2 =	stileid.u32  }
0x64: {  	s1 =	rddreg [dreg:$0x1];
	p0 =	sne.s32 s2, $0x0  }
0x65: {  	s3 =	rddreg [dreg:$0x2];
	[bflag:$0x3] =	sbarrier.arrive $0xFFFF;
	s2 =	simm.s32 @!p0 $0x1C01  }
0x66: {  	[timem:s3], [sflag:s2] =	dma.local @!p0 [hbm:s0], s1  }
0x67: {  	s0 =	simm.s32 @!p0 $0x1  }
0x68: {  	_ =	swait.ge @!p0 [sflag:s0], s1  }
0x69: {  	s1 =	ssub.s32 @!p0 $0x0, s1;
	[sflag:s0] =	ssyncset.done @!p0 $0x0  }
0x6a: {  	[sflag:s0] =	ssyncadd.s32 @!p0 s1  }
0x6b: {  	[bflag:$0x3] =	sbarrier.arrive $0xFFFF  }
0x6c: {  	_ =	shalt  }

// kernel: kernel.6.cloned.1.call-start
scs
__scs_entry_jumppad:
0x0: {  	(pc) =	sbr.rel $0x88, $3  }
0x1: {  	(tag) =	ssettag $0x0;
	lr =	simm.s32 $0x1  }
0x2: {  	[smem:$0x3F9D] =	sst lr;
	_ =	strace $0xD0000000  }
0x3: {  	_ = 	snop  }
0x4: {  	_ = 	snop  }
0x5: {  	_ = 	snop  }
0x6: {  	_ = 	snop  }
0x7: {  	_ = 	snop  }
__scs_overlays_trampoline_lowered:
0x8: {  	[smem:$0x3FAC] =	sst s0  }
0x9: {  	[smem:$0x3FAD] =	sst s1  }
0xa: {  	[smem:$0x3FAE] =	sst s2  }
0xb: {  	[smem:$0x3FAF] =	sst s3  }
0xc: {  	[smem:$0x3FB0] =	sst s4  }
0xd: {  	[smem:$0x3FB1] =	sst s5  }
0xe: {  	[smem:$0x3FB2] =	sst s6  }
0xf: {  	[smem:$0x3FB3] =	sst s7  }
0x10: {  	[smem:$0x3FB4] =	sst s8  }
0x11: {  	[smem:$0x3FB5] =	sst s9;
	s0 =	simm.s32 @!p0 $0x0  }
0x12: {  	s1 =	sld [smem:$0x3F9B];
	s0 =	simm.s32 @p0 $0x1  }
0x13: {  	[smem:$0x3FB6] =	sst s0;
	s0 =	simm.s32 @!p1 $0x0  }
0x14: {  	s2 =	sld [smem:$0x3F9A];
	s0 =	simm.s32 @p1 $0x1  }
0x15: {  	[smem:$0x3FB7] =	sst s0;
	s0 =	simm.s32 @!p2 $0x0  }
0x16: {  	s3 =	sld [smem:$0x3FDB];
	s0 =	simm.s32 @p2 $0x1  }
0x17: {  	s4 =	simm.s32 $0x1BF5;
	[smem:$0x3FB9] =	sst s0  }
0x18: {  	s0 =	sld [smem:$0x3F9C];
	_ =	swait.ge [sflag:s4], $0x0  }
0x19: {  	s7 =	sld [smem:$0x3F9D]  }
0x1a: {  	s8 =	sadd.s32 $0xFFFFE003, lr  }
0x1b: {  	s9 =	sadd.s32 $0xFFFFFEF7, lr;
	s5 =	simm.s32 $0xFFFFFFFF;
	p2 =	slt.u32 s8, $0xFFFFF086  }
0x1c: {  	p1 =	slt.u32 s9, $0xF7A;
	s5 =	simm.s32 @!p2 $0x0  }
0x1d: {  	s5 =	simm.s32 @p1 $0x1;
	p0 =	seq.s32 s7, s2  }
0x1e: {  	s7 =	smul.u32 @!p0 $0xF7A, s2;
	p2 =	seq.s32 @!p0 s5, $0x0  }
0x1f: {  	s9 =	smul.u32 $0xF7A, s1;
	s8 =	simm.s32 @!p0 $0x1BF5;
	p2 =	por !p2, p0  }
0x20: {  	[sflag:s8] =	ssyncset.s32 @!p0 $0xFFFFF086;
	s6 =	sadd.s32 @!p0 s3, s7;
	s7 =	simm.s32 @!p0 $0x108  }
0x21: {  	s3 =	sadd.s32 s3, s9;
	s6 =	sadd.s32 @!p0 $0x88, s6;
	s7 =	simm.s32 @p2 $0x1082  }
0x22: {  	[simem:s7], [sflag:s8] =	dma.local @!p0 [hbm:s6], $0xF7A  }
0x23: {  	s9 =	sor.u32 $0xD0000000, s2;
	s6 =	simm.s32 $0x108;
	_ =	swait.ge @!p0 [sflag:s8], $0x0  }
0x24: {  	s3 =	sadd.s32 $0x88, s3;
	s6 =	simm.s32 @!p1 $0x1082;
	[sflag:s4] =	ssyncset.s32 $0xFFFFF086  }
0x25: {  	[simem:s6], [sflag:s4] =	dma.local [hbm:s3], $0xF7A  }
0x26: {  	[smem:$0x3F9D] =	sst s1;
	(tag) =	ssettag s2;
	_ =	strace s9  }
0x27: {  	s1 =	sld [smem:$0x3FAD]  }
0x28: {  	s2 =	sld [smem:$0x3FAE]  }
0x29: {  	s4 =	sld [smem:$0x3FB0]  }
0x2a: {  	p0 =	seq.s32 s5, $0x0;
	s5 =	sld [smem:$0x3FB1]  }
0x2b: {  	s6 =	sld [smem:$0x3FB2]  }
0x2c: {  	s7 =	sld [smem:$0x3FB3]  }
0x2d: {  	s3 =	simm.s32 $0x108;
	s8 =	sld [smem:$0x3FB4]  }
0x2e: {  	s3 =	simm.s32 @!p0 $0x1082;
	s9 =	sld [smem:$0x3FB5]  }
0x2f: {  	lr =	sadd.s32 s0, s3;
	s0 =	sld [smem:$0x3FAC]  }
0x30: {  	s3 =	sld [smem:$0x3FAF]  }
0x31: {  	[smem:$0x3FB8] =	sst s10  }
0x32: {  	s10 =	sld [smem:$0x3FB6];
	_ =	sdelay $0x3  }
0x33: {  	p0 =	seq.s32 s10, $0x1;
	s10 =	sld [smem:$0x3FB8];
	_ =	sdelay $0x3  }
0x34: {  	[smem:$0x3FB8] =	sst s10  }
0x35: {  	s10 =	sld [smem:$0x3FB7];
	_ =	sdelay $0x3  }
0x36: {  	p1 =	seq.s32 s10, $0x1;
	s10 =	sld [smem:$0x3FB8];
	_ =	sdelay $0x3  }
0x37: {  	[smem:$0x3FB8] =	sst s10  }
0x38: {  	s10 =	sld [smem:$0x3FB9]  }
0x39: {  	_ = 	snop;
	(pc) =	sbr.ind lr, $3  }
0x3a: {  	_ = 	snop  }
0x3b: {  	_ = 	snop  }
0x3c: {  	p2 =	seq.s32 s10, $0x1;
	s10 =	sld [smem:$0x3FB8]  }
0x3d: {  	_ =	shalt  }
0x3e: {  	_ =	shalt  }
0x3f: {  	_ =	shalt  }
0x40: {  	_ =	shalt  }
0x41: {  	_ =	shalt  }
0x42: {  	_ =	shalt  }
0x43: {  	_ =	shalt  }
0x44: {  	_ =	shalt  }
0x45: {  	_ =	shalt  }
0x46: {  	_ =	shalt  }
0x47: {  	_ =	shalt  }
0x48: {  	_ =	shalt  }
0x49: {  	_ =	shalt  }
0x4a: {  	_ =	shalt  }
0x4b: {  	_ =	shalt  }
0x4c: {  	_ =	shalt  }
0x4d: {  	_ =	shalt  }
0x4e: {  	_ =	shalt  }
0x4f: {  	_ =	shalt  }
0x50: {  	_ =	shalt  }
0x51: {  	_ =	shalt  }
0x52: {  	_ =	shalt  }
0x53: {  	_ =	shalt  }
0x54: {  	_ =	shalt  }
0x55: {  	_ =	shalt  }
0x56: {  	_ =	shalt  }
0x57: {  	_ =	shalt  }
0x58: {  	_ =	shalt  }
0x59: {  	_ =	shalt  }
0x5a: {  	_ =	shalt  }
0x5b: {  	_ =	shalt  }
0x5c: {  	_ =	shalt  }
0x5d: {  	_ =	shalt  }
0x5e: {  	_ =	shalt  }
0x5f: {  	_ =	shalt  }
0x60: {  	_ =	shalt  }
0x61: {  	_ =	shalt  }
0x62: {  	_ =	shalt  }
0x63: {  	_ =	shalt  }
0x64: {  	_ =	shalt  }
0x65: {  	_ =	shalt  }
0x66: {  	_ =	shalt  }
0x67: {  	_ =	shalt  }
0x68: {  	_ =	shalt  }
0x69: {  	_ =	shalt  }
0x6a: {  	_ =	shalt  }
0x6b: {  	_ =	shalt  }
0x6c: {  	_ =	shalt  }
0x6d: {  	_ =	shalt  }
0x6e: {  	_ =	shalt  }
0x6f: {  	_ =	shalt  }
0x70: {  	_ =	shalt  }
0x71: {  	_ =	shalt  }
0x72: {  	_ =	shalt  }
0x73: {  	_ =	shalt  }
0x74: {  	_ =	shalt  }
0x75: {  	_ =	shalt  }
0x76: {  	_ =	shalt  }
0x77: {  	_ =	shalt  }
0x78: {  	_ =	shalt  }
0x79: {  	_ =	shalt  }
0x7a: {  	_ =	shalt  }
0x7b: {  	_ =	shalt  }
0x7c: {  	_ =	shalt  }
0x7d: {  	_ =	shalt  }
0x7e: {  	_ =	shalt  }
0x7f: {  	_ =	shalt  }
0x80: {  	_ =	shalt  }
0x81: {  	_ =	shalt  }
0x82: {  	_ =	shalt  }
0x83: {  	_ =	shalt  }
0x84: {  	_ =	shalt  }
0x85: {  	_ =	shalt  }
0x86: {  	_ =	shalt  }
0x87: {  	_ =	shalt  }
.Lfunc_end0:
.L_simem_size_0:
called_computation_lowered:
.L_overlay_start_0:
0x88: {  	s2 =	sld [smem:$0x3FD9]  }
0x89: {  	s3 =	sld [smem:$0x3FFE];
	_ =	sdelay $0x1  }
0x8a: {  	s1 =	srdreg.scid  }
0x8b: {  	s0 =	sand.u32 $0x1, s1  }
0x8c: {  	s16 =	sshll.u32 s0, $0xA;
	s2 =	sadd.s32 s3, s2  }
0x8d: {  	s2 =	sadd.s32 s2, s16  }
0x8e: {  	[smem:$0x3FC4] =	sst s2  }
0x8f: {  	_ = 	snop  }
0x90: {  	(tm) =	ssettm $0x1  }
0x91: {  	s17 =	sld [smem:$0x3FFB];
	_ =	sdelay $0x3  }
0x92: {  	_ =	strace s17  }
0x93: {  	s2 =	sld [smem:$0x3FFC];
	_ =	sdelay $0x3  }
0x94: {  	_ =	strace s2  }
0x95: {  	s2 =	sld [smem:$0x3FFD];
	_ =	sdelay $0x3  }
0x96: {  	_ =	strace s2  }
0x97: {  	_ =	strace $0x8FFFFFFF  }
0x98: {  	s18 =	sld [smem:$0x3FDB];
	_ =	sdelay $0x1  }
0x99: {  	s19 =	simm.s32 $_scs_section_size  }
0x9a: {  	s4 =	simm.s32 $_size__tile_overlayer_lowered;
	s5 =	simm.s32 $_tile_overlayer_lowered  }
0x9b: {  	s22 =	simm.s32 $0x1BFF;
	s21 =	sshll.u32 s5, $0x1;
	s2 =	sadd.s32 s19, s18  }
0x9c: {  	s6 =	simm.s32 $0x0;
	s20 =	sshll.u32 s4, $0x1;
	s4 =	sadd.s32 s21, s2  }
0x9d: {  	[timem:s6], [sflag:s22] =	dma.local [hbm:s4], s20  }
0x9e: {  	_ =	swait.ge [sflag:s22], s20  }
0x9f: {  	s3 =	ssub.s32 $0x0, s20;
	[sflag:s22] =	ssyncset.done $0x0  }
0xa0: {  	[sflag:s22] =	ssyncadd.s32 s3;
	_ =	sdelay $0x1  }
0xa1: {  	s23 =	simm.s32 $0x1B8B  }
0xa2: {  	_ =	swait.ge [sflag:s23], $0x1  }
0xa3: {  	[sflag:s23] =	ssyncset.done $0x0  }
0xa4: {  	s25 =	simm.s32 $0x1B8E;
	s24 =	sld [smem:$0x3FFE];
	[sflag:s23] =	ssyncadd.s32 $0xFFFFFFFF  }
0xa5: {  	s26 =	simm.s32 $execute0_lowered;
	[smem:$0x3FD2] =	sst s25  }
0xa6: {  	s4 =	sshll.u32 s26, $0x1;
	_ =	strace $0x80000046;
	[dreg:$0x1] =	wrdreg $0xFFFFFFFF  }
0xa7: {  	s28 =	simm.s32 $_size_execute0_lowered;
	s2 =	sadd.s32 s2, s4;
	[dreg:$0x0] =	wrdreg $0x0  }
0xa8: {  	s4 =	sshll.u32 s28, $0x1;
	[dreg:$0x2] =	wrdreg s2  }
0xa9: {  	[dreg:$0x3] =	wrdreg s4  }
0xaa: {  	[dreg:$0x4] =	wrdreg $0xC0  }
0xab: {  	_ =	task [dreg:s6], $0x5FFFF  }
0xac: {  	[dreg:$0x1] =	wrdreg $0xFFFFFFFF  }
0xad: {  	[dreg:$0x0] =	wrdreg $0x60  }
0xae: {  	[dreg:$0x2] =	wrdreg s24  }
0xaf: {  	[dreg:$0x3] =	wrdreg $0xA7000  }
0xb0: {  	[dreg:$0x4] =	wrdreg $0xCF000  }
0xb1: {  	[dreg:$0x5] =	wrdreg $0x9  }
0xb2: {  	_ =	task.clear_ibuf [dreg:s6], $0x6FFFF;
	_ =	strace $0x90000046  }
0xb3: {  	s29 =	simm.s32 $0x9;
	_ =	strace $0x80000048  }
0xb4: {  	_ =	swait.ge [sflag:s29], $0x1  }
0xb5: {  	[sflag:s29] =	ssyncadd.s32 $0xFFFFFFFF  }
0xb6: {  	_ =	strace $0x90000048  }
0xb7: {  	_ =	sfence  }
0xb8: {  	s30 =	sld [smem:$0x0];
	_ =	sdelay $0x2  }
0xb9: {  	s31 =	sshll.u32 s1, $0xD;
	s1 =	sshrl.u32 s1, $0x2  }
0xba: {  	s3 =	sand.u32 $0x4000, s31;
	s1 =	sadd.s32 s1, s30  }
0xbb: {  	s0 =	sor.u32 s3, s0;
	s1 =	sshll.u32 s1, $0x11  }
0xbc: {  	s0 =	sor.u32 s1, s0  }
0xbd: {  	s0 =	sadd.s32 $0x8F2B, s0  }
0xbe: {  	[sflag:s0] =	ssyncadd.remote.s32 $0x1  }
0xbf: {  	_ =	sfence.sel $0xFFFF  }
0xc0: {  	[dreg:$0x0] =	wrdreg $0xFFFFFFFF;
	(pc) =	sbr.abs _section_cstart, $3  }
0xc1: {  	[dreg:$0x1] =	wrdreg $0xFFFFFFFF  }
0xc2: {  	_ =	task.clear_ibuf [dreg:s6], $0x2FFFF;
	_ =	strace $0x9FFFFFFF  }
0xc3: {  	(tm) =	ssettm $0x7FFFFFFF  }
tec
execute0_lowered:
.L_overlay_start_1:
0x0: {  	(tag) =	ssettag $0x1  }
0x1: {  	s5 =	rddreg [dreg:$0x0]  }
0x2: {  	s2 =	rddreg [dreg:$0x1]  }
0x3: {  	s3 =	rddreg [dreg:$0x2]  }
0x4: {  	s0 =	rddreg [dreg:$0x3]  }
0x5: {  	s4 =	simm.s32 $0x0;
	s1 =	stileid.u32;
	s6 =	srdreg.scid  }
0x6: {  	s16 =	simm.s32 $0x1;
	s17 =	simm.s32 $0x2780;
	s18 =	simm.s32 $0x80  }
0x7: {  	s19 =	simm.s32 $0x4F00;
	s20 =	simm.s32 $0x5700;
	s21 =	simm.s32 $0x100  }
0x8: {  	s22 =	simm.s32 $0x5F00;
	s23 =	simm.s32 $0x2;
	s24 =	simm.s32 $0x4E80  }
0x9: {  	s8 =	smul.u32 $0x2800, s1;
	s6 =	sand.u32 $0x1, s6;
	s7 =	sshll.u32 s1, $0x1  }
0xa: {  	[smem:$0x7FF] =	sst s4;
	s7 =	sor.u32 s6, s7;
	s9 =	smul.u32 $0x28000, s6  }
0xb: {  	_ =	strace $0x80000047;
	s6 =	ssub.s32 $0x2, s6;
	s10 =	sshrl.u32 s8, $0x3  }
0xc: {  	s7 =	smul.u32 $0x2780, s7;
	s11 =	sshrl.u32 s6, $0x1;
	s15 =	sadd.s32 s8, s2  }
0xd: {  	s10 =	sadd.s32 s10, s5;
	s9 =	sadd.s32 s8, s9;
	s14 =	ssub.s32 s6, s11  }
0xe: {  	s6 =	sshll.u32 s1, $0x6;
	s7 =	sshrl.u32 s7, $0x3;
	s9 =	sshrl.u32 s9, $0x3  }
0xf: {  	s8 =	sadd.s32 s8, s3;
	s12 =	sadd.s32 s7, s5;
	s13 =	sadd.s32 s9, s5  }
0x10: {  	s5 =	sadd.s32 $0x1200, s10;
	s7 =	sor.u32 $0x1C01, s6;
	s9 =	sadd.s32 $0x6200, s12  }
0x11: {  	s10 =	sadd.s32 $0x10000, s12;
	s11 =	sadd.s32 $0x19E00, s13;
	s12 =	smax.u32 s14, $0x1  }
0x12: {  	v0 =	vimm.f32 $0.0e+00;
	s13 =	sshrl.u32 s15, $0x3;
	s14 =	simm.s32 $0x7F00;
	s15 =	simm.s32 $0x3  }
.LBB2_1:
0x13: {  	s25 =	simm.s32 $0x7F20  }
0x14: {  	[spmem:s13], [sflag:s7] =	dma.local [hbm:s5], $0x500;
	[tilespmem:s25+$0xFFFFFFE0] =	vst v0  }
0x15: {  	[tilespmem:s25+$0x10] =	vst v0  }
0x16: {  	s26 =	simm.s32 $0x0;
	[tilespmem:s25+$0x0] =	vst v0  }
.LBB2_2:
0x17: {  	s26 =	sadd.s32 $0x4, s26  }
0x18: {  	[tilespmem:s25+$0xFFFFFFF0] =	vst v0;
	s25 =	sadd.s32 $0x40, s25;
	p0 =	slt.u32 s26, $0x27C  }
.Ltmp0:
0x19: {  	[tilespmem:s25+$0xFFFFFFE0] =	vst v0;
	(pc) =	sbr.rel @p0 .LBB2_2-.Ltmp0, $3  }
0x1a: {  	_ =	sdelay $0x1  }
0x1b: {  	[tilespmem:s25+$0x10] =	vst v0  }
0x1c: {  	[tilespmem:s25+$0x0] =	vst v0  }
0x1d: {  	[tilespmem:s25+$0xFFFFFFF0] =	vst v0  }
0x1e: {  	[spmem:s8] =	stream.linear.scatter [tilespmem:s14], [sflag:$0x3], $0x2800, $0x38;
	[tilespmem:$0xF700] =	vst v63  }
0x1f: {  	_ =	swait.ge [sflag:s15], $0x2800  }
0x20: {  	[sflag:s15] =	ssyncset.done $0x0  }
0x21: {  	[sflag:s15] =	ssyncadd.s32 $0xFFFFD800  }
0x22: {  	_ =	swait.ge [sflag:s16], $0x500  }
0x23: {  	[sflag:s16] =	ssyncset.done $0x0  }
0x24: {  	s25 =	simm.s32 $0x0;
	[sflag:s16] =	ssyncadd.s32 $0xFFFFFB00  }
0x25: {  	[tilespmem:s25], [sflag:$0x3] =	stream.linear.gather [hbm4b:s9+s25], $0x2780, $0x38;
	[tilespmem:$0xF700] =	vst v63  }
0x26: {  	_ =	swait.ge [sflag:s15], $0x2780  }
0x27: {  	[sflag:s15] =	ssyncset.done $0x0  }
0x28: {  	[sflag:s15] =	ssyncadd.s32 $0xFFFFD880  }
0x29: {  	[tilespmem:s17], [sflag:$0x3] =	stream.linear.gather [hbm4b:s10+s25], $0x2780, $0x38;
	[tilespmem:$0xF700] =	vst v63  }
0x2a: {  	_ =	swait.ge [sflag:s15], $0x2780  }
0x2b: {  	[sflag:s15] =	ssyncset.done $0x0  }
0x2c: {  	[sflag:s15] =	ssyncadd.s32 $0xFFFFD880  }
0x2d: {  	[bflag:$0x0] =	sbarrier.arrive $0xFFFF  }
0x2e: {  	[tilespmem:s19], [sflag:$0x1] =	stream.indirect.gather [spmem:s2], $0x10, s25, s18, $0xb8;
	[tilespmem:$0xF700] =	vst v63  }
0x2f: {  	_ = 	snop  }
0x30: {  	[tilespmem:s20], [sflag:$0x1] =	stream.indirect.gather [spmem:s2], $0x10, s18, s18, $0xb8;
	[tilespmem:$0xF700] =	vst v63  }
0x31: {  	s26 =	simm.s32 $0x200;
	s28 =	simm.s32 $0x2800  }
0x32: {  	[tilespmem:s22], [sflag:$0x1] =	stream.indirect.gather [spmem:s2], $0x10, s21, s18, $0xb8;
	[tilespmem:$0xF700] =	vst v63  }
.LBB2_4:
0x33: {  	_ =	swait.ge [sflag:s16], $0x800  }
0x34: {  	p0 =	slt.u32 s25, $0x3;
	[sflag:s16] =	ssyncset.done $0x0  }
0x35: {  	s29 =	simm.s32 @!p0 $0x2;
	[sflag:s16] =	ssyncadd.s32 $0xFFFFF800  }
0x36: {  	p1 =	sgt.u32 @!p0 s25, $0x4B;
	_ =	swait.ge @!p0 [sflag:s29], $0x800  }
0x37: {  	p1 =	por p0, !p1;
	[sflag:s29] =	ssyncset.done @!p0 $0x0  }
0x38: {  	[sflag:s29] =	ssyncadd.s32 @!p0 $0xFFFFF800;
	s29 =	sadd.s32 @p1 $0x3, s25  }
0x39: {  	s30 =	smul.u32 @p1 $0xAB, s29;
	_ =	sdelay $0x1  }
0x3a: {  	s30 =	sshrl.u32 @p1 s30, $0xA  }
0x3b: {  	s30 =	sand.u32 @p1 $0x3F, s30  }
0x3c: {  	s30 =	smul.u32 @p1 $0x6, s30;
	_ =	sdelay $0x1  }
0x3d: {  	s29 =	ssub.s32 @p1 s29, s30  }
0x3e: {  	s29 =	sand.u32 @p1 $0xFF, s29  }
0x3f: {  	s29 =	sshll.u32 @p1 s29, $0xB  }
0x40: {  	s30 =	sadd.s32 @p1 $0xFFFFFF80, s26;
	s29 =	sadd.s32 @p1 $0x4F00, s29  }
0x41: {  	[tilespmem:s29], [sflag:$0x1] =	stream.indirect.gather @p1 [spmem:s2], $0x10, s30, s18, $0xb8;
	[tilespmem:$0xF700] =	vst v63  }
0x42: {  	s30 =	smul.u32 $0xAB, s25;
	_ =	sdelay $0x1  }
0x43: {  	s29 =	sshrl.u32 s30, $0xA  }
0x44: {  	s29 =	sand.u32 $0x3F, s29  }
0x45: {  	s29 =	smul.u32 $0x6, s29;
	_ =	sdelay $0x1  }
0x46: {  	s29 =	ssub.s32 s25, s29  }
0x47: {  	s29 =	sand.u32 $0xFF, s29  }
0x48: {  	s29 =	sshll.u32 s29, $0xB  }
0x49: {  	s31 =	sadd.s32 $0xFFFFFF80, s28;
	s29 =	sadd.s32 $0x4F00, s29  }
0x4a: {  	[spmem:s3] =	stream.indirect.scatter.add.f32 [tilespmem:s29], [sflag:$0x2], $0x10, s31, s18, $0xb8;
	[tilespmem:$0xF700] =	vst v63  }
0x4b: {  	_ =	swait.ge [sflag:s16], $0x800  }
0x4c: {  	p0 =	seq.s32 s25, $0x0;
	[sflag:s16] =	ssyncset.done $0x0  }
0x4d: {  	s29 =	simm.s32 @!p0 $0x2;
	[sflag:s16] =	ssyncadd.s32 $0xFFFFF800  }
0x4e: {  	p1 =	sgt.u32 @!p0 s25, $0x4A;
	_ =	swait.ge @!p0 [sflag:s29], $0x800  }
0x4f: {  	p1 =	por p0, !p1;
	[sflag:s29] =	ssyncset.done @!p0 $0x0  }
0x50: {  	[sflag:s29] =	ssyncadd.s32 @!p0 $0xFFFFF800;
	s29 =	sadd.s32 @p1 $0x4, s25  }
0x51: {  	s30 =	smul.u32 @p1 $0xAB, s29;
	_ =	sdelay $0x1  }
0x52: {  	s30 =	sshrl.u32 @p1 s30, $0xA  }
0x53: {  	s30 =	sand.u32 @p1 $0x3F, s30  }
0x54: {  	s30 =	smul.u32 @p1 $0x6, s30;
	_ =	sdelay $0x1  }
0x55: {  	s29 =	ssub.s32 @p1 s29, s30  }
0x56: {  	s29 =	sand.u32 @p1 $0xFF, s29  }
0x57: {  	s29 =	sshll.u32 @p1 s29, $0xB  }
0x58: {  	s29 =	sadd.s32 @p1 $0x4F00, s29  }
0x59: {  	[tilespmem:s29], [sflag:$0x1] =	stream.indirect.gather @p1 [spmem:s2], $0x10, s26, s18, $0xb8;
	[tilespmem:$0xF700] =	vst v63  }
0x5a: {  	s29 =	sadd.s32 $0x1, s25  }
0x5b: {  	s31 =	smul.u32 $0xAB, s29;
	_ =	sdelay $0x1  }
0x5c: {  	s30 =	sshrl.u32 s31, $0xA  }
0x5d: {  	s30 =	sand.u32 $0x3F, s30  }
0x5e: {  	s30 =	smul.u32 $0x6, s30;
	_ =	sdelay $0x1  }
0x5f: {  	p0 =	slt.u32 s25, $0x4C;
	s29 =	ssub.s32 s29, s30  }
.Ltmp1:
0x60: {  	s29 =	sand.u32 $0xFF, s29;
	(pc) =	sbr.rel @p0 .LBB2_4-.Ltmp1, $4  }
0x61: {  	s29 =	sshll.u32 s29, $0xB  }
0x62: {  	s31 =	sadd.s32 $0x2, s25;
	s29 =	sadd.s32 $0x4F00, s29  }
0x63: {  	[spmem:s3] =	stream.indirect.scatter.add.f32 [tilespmem:s29], [sflag:$0x2], $0x10, s28, s18, $0xb8;
	[tilespmem:$0xF700] =	vst v63  }
0x64: {  	s26 =	sadd.s32 $0x100, s26;
	s25 =	smov.u32 s31;
	s28 =	sadd.s32 $0x100, s28  }
0x65: {  	_ =	swait.ge [sflag:s16], $0x800  }
0x66: {  	[sflag:s16] =	ssyncset.done $0x0  }
0x67: {  	[sflag:s16] =	ssyncadd.s32 $0xFFFFF800  }
0x68: {  	_ =	swait.ge [sflag:s23], $0x800  }
0x69: {  	[sflag:s23] =	ssyncset.done $0x0  }
0x6a: {  	[sflag:s23] =	ssyncadd.s32 $0xFFFFF800  }
0x6b: {  	[spmem:s3] =	stream.indirect.scatter.add.f32 [tilespmem:s19], [sflag:$0x2], $0x10, s24, s18, $0xb8;
	[tilespmem:$0xF700] =	vst v63  }
0x6c: {  	_ =	swait.ge [sflag:s23], $0x800  }
0x6d: {  	[sflag:s23] =	ssyncset.done $0x0  }
0x6e: {  	[sflag:s23] =	ssyncadd.s32 $0xFFFFF800  }
0x6f: {  	_ =	swait.ge [sflag:s23], $0x800  }
0x70: {  	[sflag:s23] =	ssyncset.done $0x0  }
0x71: {  	[sflag:s23] =	ssyncadd.s32 $0xFFFFF800  }
0x72: {  	_ =	swait.ge [sflag:s23], $0x800  }
0x73: {  	s4 =	sadd.s32 $0x1, s4;
	[sflag:s23] =	ssyncset.done $0x0  }
0x74: {  	s25 =	sor.u32 $0x1C03, s6;
	p0 =	sne.s32 s4, s12;
	[sflag:s23] =	ssyncadd.s32 $0xFFFFF800  }
.Ltmp2:
0x75: {  	s26 =	sshrl.u32 s8, $0x3;
	[bflag:$0x0] =	sbarrier.arrive $0xFFFF;
	(pc) =	sbr.rel @p0 .LBB2_1-.Ltmp2, $4  }
0x76: {  	[hbm:s11], [sflag:s25] =	dma.local [spmem:s26], $0x500  }
0x77: {  	_ =	swait.ge [sflag:s15], $0x500  }
0x78: {  	[sflag:s15] =	ssyncset.done $0x0  }
0x79: {  	[sflag:s15] =	ssyncadd.s32 $0xFFFFFB00  }
0x7a: {  	_ =	sfence.sel $0x180000  }
0x7b: {  	[bflag:$0x0] =	sbarrier.arrive $0xFFFF  }
0x7c: {  	p0 =	sne.s32 s1, $0x0;
	_ =	strace $0x90000047  }
0x7d: {  	s0 =	sadd.s32 @!p0 $0x100000, s0;
	[bflag:$0x2] =	sbarrier.arrive $0xFFFF  }
0x7e: {  	[sflag:s0] =	ssyncadd.tile.s32 @!p0 $0x1;
	_ =	shalt  }
.Lfunc_end2:
_tile_overlayer_lowered:
.L_overlay_start_2:
0x7f: {  	(tag) =	ssettag $0x2  }
0x80: {  	s0 =	rddreg [dreg:$0x0];
	s2 =	stileid.u32  }
0x81: {  	s1 =	rddreg [dreg:$0x1];
	p0 =	sne.s32 s2, $0x0  }
0x82: {  	s3 =	rddreg [dreg:$0x2];
	[bflag:$0x3] =	sbarrier.arrive $0xFFFF;
	s2 =	simm.s32 @!p0 $0x1C03  }
0x83: {  	[timem:s3], [sflag:s2] =	dma.local @!p0 [hbm:s0], s1  }
0x84: {  	s0 =	simm.s32 @!p0 $0x3  }
0x85: {  	_ =	swait.ge @!p0 [sflag:s0], s1  }
0x86: {  	s1 =	ssub.s32 @!p0 $0x0, s1;
	[sflag:s0] =	ssyncset.done @!p0 $0x0  }
0x87: {  	[sflag:s0] =	ssyncadd.s32 @!p0 s1  }
0x88: {  	[bflag:$0x3] =	sbarrier.arrive $0xFFFF  }
0x89: {  	_ =	shalt  }

// kernel: kernel.9.cloned.1.call-start
scs
__scs_entry_jumppad:
0x0: {  	(pc) =	sbr.rel $0x88, $3  }
0x1: {  	(tag) =	ssettag $0x0;
	lr =	simm.s32 $0x1  }
0x2: {  	[smem:$0x3F9D] =	sst lr;
	_ =	strace $0xD0000000  }
0x3: {  	_ = 	snop  }
0x4: {  	_ = 	snop  }
0x5: {  	_ = 	snop  }
0x6: {  	_ = 	snop  }
0x7: {  	_ = 	snop  }
__scs_overlays_trampoline_lowered:
0x8: {  	[smem:$0x3FAC] =	sst s0  }
0x9: {  	[smem:$0x3FAD] =	sst s1  }
0xa: {  	[smem:$0x3FAE] =	sst s2  }
0xb: {  	[smem:$0x3FAF] =	sst s3  }
0xc: {  	[smem:$0x3FB0] =	sst s4  }
0xd: {  	[smem:$0x3FB1] =	sst s5  }
0xe: {  	[smem:$0x3FB2] =	sst s6  }
0xf: {  	[smem:$0x3FB3] =	sst s7  }
0x10: {  	[smem:$0x3FB4] =	sst s8  }
0x11: {  	[smem:$0x3FB5] =	sst s9;
	s0 =	simm.s32 @!p0 $0x0  }
0x12: {  	s1 =	sld [smem:$0x3F9B];
	s0 =	simm.s32 @p0 $0x1  }
0x13: {  	[smem:$0x3FB6] =	sst s0;
	s0 =	simm.s32 @!p1 $0x0  }
0x14: {  	s2 =	sld [smem:$0x3F9A];
	s0 =	simm.s32 @p1 $0x1  }
0x15: {  	[smem:$0x3FB7] =	sst s0;
	s0 =	simm.s32 @!p2 $0x0  }
0x16: {  	s3 =	sld [smem:$0x3FDB];
	s0 =	simm.s32 @p2 $0x1  }
0x17: {  	s4 =	simm.s32 $0x1BF5;
	[smem:$0x3FB9] =	sst s0  }
0x18: {  	s0 =	sld [smem:$0x3F9C];
	_ =	swait.ge [sflag:s4], $0x0  }
0x19: {  	s7 =	sld [smem:$0x3F9D]  }
0x1a: {  	s8 =	sadd.s32 $0xFFFFE003, lr  }
0x1b: {  	s9 =	sadd.s32 $0xFFFFFEF7, lr;
	s5 =	simm.s32 $0xFFFFFFFF;
	p2 =	slt.u32 s8, $0xFFFFF086  }
0x1c: {  	p1 =	slt.u32 s9, $0xF7A;
	s5 =	simm.s32 @!p2 $0x0  }
0x1d: {  	s5 =	simm.s32 @p1 $0x1;
	p0 =	seq.s32 s7, s2  }
0x1e: {  	s7 =	smul.u32 @!p0 $0xF7A, s2;
	p2 =	seq.s32 @!p0 s5, $0x0  }
0x1f: {  	s9 =	smul.u32 $0xF7A, s1;
	s8 =	simm.s32 @!p0 $0x1BF5;
	p2 =	por !p2, p0  }
0x20: {  	[sflag:s8] =	ssyncset.s32 @!p0 $0xFFFFF086;
	s6 =	sadd.s32 @!p0 s3, s7;
	s7 =	simm.s32 @!p0 $0x108  }
0x21: {  	s3 =	sadd.s32 s3, s9;
	s6 =	sadd.s32 @!p0 $0x88, s6;
	s7 =	simm.s32 @p2 $0x1082  }
0x22: {  	[simem:s7], [sflag:s8] =	dma.local @!p0 [hbm:s6], $0xF7A  }
0x23: {  	s9 =	sor.u32 $0xD0000000, s2;
	s6 =	simm.s32 $0x108;
	_ =	swait.ge @!p0 [sflag:s8], $0x0  }
0x24: {  	s3 =	sadd.s32 $0x88, s3;
	s6 =	simm.s32 @!p1 $0x1082;
	[sflag:s4] =	ssyncset.s32 $0xFFFFF086  }
0x25: {  	[simem:s6], [sflag:s4] =	dma.local [hbm:s3], $0xF7A  }
0x26: {  	[smem:$0x3F9D] =	sst s1;
	(tag) =	ssettag s2;
	_ =	strace s9  }
0x27: {  	s1 =	sld [smem:$0x3FAD]  }
0x28: {  	s2 =	sld [smem:$0x3FAE]  }
0x29: {  	s4 =	sld [smem:$0x3FB0]  }
0x2a: {  	p0 =	seq.s32 s5, $0x0;
	s5 =	sld [smem:$0x3FB1]  }
0x2b: {  	s6 =	sld [smem:$0x3FB2]  }
0x2c: {  	s7 =	sld [smem:$0x3FB3]  }
0x2d: {  	s3 =	simm.s32 $0x108;
	s8 =	sld [smem:$0x3FB4]  }
0x2e: {  	s3 =	simm.s32 @!p0 $0x1082;
	s9 =	sld [smem:$0x3FB5]  }
0x2f: {  	lr =	sadd.s32 s0, s3;
	s0 =	sld [smem:$0x3FAC]  }
0x30: {  	s3 =	sld [smem:$0x3FAF]  }
0x31: {  	[smem:$0x3FB8] =	sst s10  }
0x32: {  	s10 =	sld [smem:$0x3FB6];
	_ =	sdelay $0x3  }
0x33: {  	p0 =	seq.s32 s10, $0x1;
	s10 =	sld [smem:$0x3FB8];
	_ =	sdelay $0x3  }
0x34: {  	[smem:$0x3FB8] =	sst s10  }
0x35: {  	s10 =	sld [smem:$0x3FB7];
	_ =	sdelay $0x3  }
0x36: {  	p1 =	seq.s32 s10, $0x1;
	s10 =	sld [smem:$0x3FB8];
	_ =	sdelay $0x3  }
0x37: {  	[smem:$0x3FB8] =	sst s10  }
0x38: {  	s10 =	sld [smem:$0x3FB9]  }
0x39: {  	_ = 	snop;
	(pc) =	sbr.ind lr, $3  }
0x3a: {  	_ = 	snop  }
0x3b: {  	_ = 	snop  }
0x3c: {  	p2 =	seq.s32 s10, $0x1;
	s10 =	sld [smem:$0x3FB8]  }
0x3d: {  	_ =	shalt  }
0x3e: {  	_ =	shalt  }
0x3f: {  	_ =	shalt  }
0x40: {  	_ =	shalt  }
0x41: {  	_ =	shalt  }
0x42: {  	_ =	shalt  }
0x43: {  	_ =	shalt  }
0x44: {  	_ =	shalt  }
0x45: {  	_ =	shalt  }
0x46: {  	_ =	shalt  }
0x47: {  	_ =	shalt  }
0x48: {  	_ =	shalt  }
0x49: {  	_ =	shalt  }
0x4a: {  	_ =	shalt  }
0x4b: {  	_ =	shalt  }
0x4c: {  	_ =	shalt  }
0x4d: {  	_ =	shalt  }
0x4e: {  	_ =	shalt  }
0x4f: {  	_ =	shalt  }
0x50: {  	_ =	shalt  }
0x51: {  	_ =	shalt  }
0x52: {  	_ =	shalt  }
0x53: {  	_ =	shalt  }
0x54: {  	_ =	shalt  }
0x55: {  	_ =	shalt  }
0x56: {  	_ =	shalt  }
0x57: {  	_ =	shalt  }
0x58: {  	_ =	shalt  }
0x59: {  	_ =	shalt  }
0x5a: {  	_ =	shalt  }
0x5b: {  	_ =	shalt  }
0x5c: {  	_ =	shalt  }
0x5d: {  	_ =	shalt  }
0x5e: {  	_ =	shalt  }
0x5f: {  	_ =	shalt  }
0x60: {  	_ =	shalt  }
0x61: {  	_ =	shalt  }
0x62: {  	_ =	shalt  }
0x63: {  	_ =	shalt  }
0x64: {  	_ =	shalt  }
0x65: {  	_ =	shalt  }
0x66: {  	_ =	shalt  }
0x67: {  	_ =	shalt  }
0x68: {  	_ =	shalt  }
0x69: {  	_ =	shalt  }
0x6a: {  	_ =	shalt  }
0x6b: {  	_ =	shalt  }
0x6c: {  	_ =	shalt  }
0x6d: {  	_ =	shalt  }
0x6e: {  	_ =	shalt  }
0x6f: {  	_ =	shalt  }
0x70: {  	_ =	shalt  }
0x71: {  	_ =	shalt  }
0x72: {  	_ =	shalt  }
0x73: {  	_ =	shalt  }
0x74: {  	_ =	shalt  }
0x75: {  	_ =	shalt  }
0x76: {  	_ =	shalt  }
0x77: {  	_ =	shalt  }
0x78: {  	_ =	shalt  }
0x79: {  	_ =	shalt  }
0x7a: {  	_ =	shalt  }
0x7b: {  	_ =	shalt  }
0x7c: {  	_ =	shalt  }
0x7d: {  	_ =	shalt  }
0x7e: {  	_ =	shalt  }
0x7f: {  	_ =	shalt  }
0x80: {  	_ =	shalt  }
0x81: {  	_ =	shalt  }
0x82: {  	_ =	shalt  }
0x83: {  	_ =	shalt  }
0x84: {  	_ =	shalt  }
0x85: {  	_ =	shalt  }
0x86: {  	_ =	shalt  }
0x87: {  	_ =	shalt  }
.Lfunc_end0:
.L_simem_size_0:
called_computation.1_lowered:
.L_overlay_start_0:
0x88: {  	s2 =	sld [smem:$0x3FD9]  }
0x89: {  	s3 =	sld [smem:$0x3FFE];
	_ =	sdelay $0x1  }
0x8a: {  	s1 =	srdreg.scid  }
0x8b: {  	s0 =	sand.u32 $0x1, s1  }
0x8c: {  	s17 =	sshll.u32 s0, $0xA;
	s2 =	sadd.s32 s3, s2  }
0x8d: {  	s2 =	sadd.s32 s2, s17  }
0x8e: {  	[smem:$0x3FC4] =	sst s2  }
0x8f: {  	_ = 	snop  }
0x90: {  	s2 =	sld [smem:$0x3FD0];
	(tm) =	ssettm $0x1  }
0x91: {  	s18 =	sld [smem:$0x3FFB];
	_ =	sdelay $0x3  }
0x92: {  	_ =	strace s18  }
0x93: {  	s3 =	sld [smem:$0x3FFC];
	_ =	sdelay $0x3  }
0x94: {  	_ =	strace s3  }
0x95: {  	s3 =	sld [smem:$0x3FFD];
	_ =	sdelay $0x3  }
0x96: {  	_ =	strace s3  }
0x97: {  	_ =	strace $0x8FFFFFFF  }
0x98: {  	s19 =	sld [smem:$0x3FDB];
	_ =	sdelay $0x1  }
0x99: {  	s4 =	simm.s32 $_scs_section_size  }
0x9a: {  	s5 =	simm.s32 $_size__tile_overlayer_lowered;
	s6 =	simm.s32 $_tile_overlayer_lowered  }
0x9b: {  	s22 =	simm.s32 $0x1BFF;
	s21 =	sshll.u32 s6, $0x1;
	s3 =	sadd.s32 s4, s19  }
0x9c: {  	s7 =	simm.s32 $0x0;
	s20 =	sshll.u32 s5, $0x1;
	s5 =	sadd.s32 s21, s3  }
0x9d: {  	[timem:s7], [sflag:s22] =	dma.local [hbm:s5], s20  }
0x9e: {  	_ =	swait.ge [sflag:s22], s20  }
0x9f: {  	s4 =	ssub.s32 $0x0, s20;
	[sflag:s22] =	ssyncset.done $0x0  }
0xa0: {  	[sflag:s22] =	ssyncadd.s32 s4;
	_ =	sdelay $0x1  }
0xa1: {  	s23 =	simm.s32 $0x1B8B  }
0xa2: {  	_ =	swait.ge [sflag:s23], $0x1  }
0xa3: {  	[sflag:s23] =	ssyncset.done $0x0  }
0xa4: {  	s25 =	simm.s32 $0x1B8E;
	s24 =	sld [smem:$0x3FFE];
	[sflag:s23] =	ssyncadd.s32 $0xFFFFFFFF  }
0xa5: {  	s26 =	simm.s32 $execute0_lowered;
	[smem:$0x3FD2] =	sst s25  }
0xa6: {  	s5 =	sshll.u32 s26, $0x1;
	_ =	strace $0x80000049;
	[dreg:$0x1] =	wrdreg $0xFFFFFFFF  }
0xa7: {  	s28 =	simm.s32 $_size_execute0_lowered;
	s3 =	sadd.s32 s3, s5;
	[dreg:$0x0] =	wrdreg $0x0  }
0xa8: {  	s5 =	sshll.u32 s28, $0x1;
	[dreg:$0x2] =	wrdreg s3  }
0xa9: {  	[dreg:$0x3] =	wrdreg s5  }
0xaa: {  	[dreg:$0x4] =	wrdreg $0xC0  }
0xab: {  	_ =	task [dreg:s7], $0x5FFFF  }
0xac: {  	[dreg:$0x1] =	wrdreg $0xFFFFFFFF  }
0xad: {  	[dreg:$0x0] =	wrdreg $0x60  }
0xae: {  	[dreg:$0x2] =	wrdreg s24  }
0xaf: {  	[dreg:$0x3] =	wrdreg s2  }
0xb0: {  	[dreg:$0x4] =	wrdreg $0xF3800  }
0xb1: {  	[dreg:$0x5] =	wrdreg $0xDF800  }
0xb2: {  	[dreg:$0x6] =	wrdreg $0x9  }
0xb3: {  	_ =	task.clear_ibuf [dreg:s7], $0x7FFFF;
	_ =	strace $0x90000049  }
0xb4: {  	s29 =	simm.s32 $0x9;
	_ =	strace $0x8000004B  }
0xb5: {  	_ =	swait.ge [sflag:s29], $0x1  }
0xb6: {  	[sflag:s29] =	ssyncadd.s32 $0xFFFFFFFF  }
0xb7: {  	_ =	strace $0x9000004B  }
0xb8: {  	_ =	sfence  }
0xb9: {  	s30 =	sld [smem:$0x0];
	_ =	sdelay $0x2  }
0xba: {  	s31 =	sshll.u32 s1, $0xD;
	s1 =	sshrl.u32 s1, $0x2  }
0xbb: {  	s3 =	sand.u32 $0x4000, s31;
	s1 =	sadd.s32 s1, s30  }
0xbc: {  	s0 =	sor.u32 s3, s0;
	s1 =	sshll.u32 s1, $0x11  }
0xbd: {  	s0 =	sor.u32 s1, s0  }
0xbe: {  	s0 =	sadd.s32 $0x8F2B, s0  }
0xbf: {  	[sflag:s0] =	ssyncadd.remote.s32 $0x1  }
0xc0: {  	_ =	sfence.sel $0xFFFF  }
0xc1: {  	[dreg:$0x0] =	wrdreg $0xFFFFFFFF;
	(pc) =	sbr.abs _section_cstart, $3  }
0xc2: {  	[dreg:$0x1] =	wrdreg $0xFFFFFFFF  }
0xc3: {  	_ =	task.clear_ibuf [dreg:s7], $0x2FFFF;
	_ =	strace $0x9FFFFFFF  }
0xc4: {  	(tm) =	ssettm $0x7FFFFFFF  }
0xc5: {  	_ =	shalt  }
tec
execute0_lowered:
.L_overlay_start_1:
0x0: {  	(tag) =	ssettag $0x1  }
0x1: {  	s0 =	rddreg [dreg:$0x0]  }
0x2: {  	s3 =	rddreg [dreg:$0x2]  }
0x3: {  	s4 =	rddreg [dreg:$0x3];
	s1 =	stileid.u32;
	s5 =	simm.s32 $0x0  }
0x4: {  	s6 =	srdreg.scid;
	s15 =	simm.s32 $0x7B00;
	s17 =	simm.s32 $0x6700  }
0x5: {  	s18 =	simm.s32 $0x3;
	s19 =	simm.s32 $0x1;
	s20 =	simm.s32 $0xCB00  }
0x6: {  	s21 =	simm.s32 $0x2780;
	s22 =	simm.s32 $0x80;
	s23 =	simm.s32 $0x4F00  }
0x7: {  	s24 =	simm.s32 $0x5300;
	s25 =	simm.s32 $0x100;
	s26 =	simm.s32 $0x5700  }
0x8: {  	s28 =	simm.s32 $0x2;
	s29 =	simm.s32 $0x4E80;
	s30 =	simm.s32 $0x0  }
0x9: {  	s2 =	smul.u32 $0x2800, s1;
	s6 =	sand.u32 $0x1, s6;
	s7 =	sshll.u32 s1, $0x1  }
0xa: {  	s9 =	smul.u32 $0x1400, s1;
	[smem:$0x7FF] =	sst s5;
	s7 =	sor.u32 s6, s7  }
0xb: {  	s8 =	smul.u32 $0x14000, s6;
	_ =	strace $0x8000004A;
	s6 =	ssub.s32 $0x2, s6  }
0xc: {  	s2 =	sshrl.u32 s2, $0x3;
	s7 =	smul.u32 $0x2780, s7;
	s10 =	sshrl.u32 s6, $0x1  }
0xd: {  	s2 =	sadd.s32 s2, s0;
	s8 =	sadd.s32 s9, s8;
	s13 =	ssub.s32 s6, s10  }
0xe: {  	s7 =	sshrl.u32 s7, $0x3;
	s8 =	sshrl.u32 s8, $0x3;
	s6 =	sadd.s32 $0x19E00, s2  }
0xf: {  	s13 =	smax.u32 s13, $0x1;
	s11 =	sadd.s32 s7, s0;
	s0 =	sadd.s32 s8, s0  }
0x10: {  	v15 =	vlaneseq.u32;
	s7 =	sadd.s32 $0x1EE00, s2;
	s8 =	sadd.s32 s9, s3;
	s9 =	sadd.s32 s9, s4  }
0x11: {  	v2 =	vimm.f32 $0.0e+00;
	v1 =	vmul.u32 $0x8, v15;
	s10 =	sadd.s32 $0x6200, s11;
	s11 =	sadd.s32 $0x10000, s11;
	s12 =	sadd.s32 $0x1200, s0  }
.LBB2_1:
0x12: {  	s0 =	simm.s32 $0x10  }
0x13: {  	s2 =	simm.s32 $0x0;
	v0 =	vmov s0  }
0x14: {  	s14 =	rddreg [dreg:$0x1];
	s16 =	simm.s32 $0xDF00;
	v3 =	vmov s2;
	v0 =	vshll.u32 v0, $0x3  }
0x15: {  	[tilespmem:s16], [sflag:$0x1] =	stream.linear.gather [hbm4b:s14+s5], $0x80, $0x38;
	v3 =	vshll.u32 v3, $0x3;
	v9 =	vor.u32 v1, v0;
	[tilespmem:$0x10780] =	vst v63  }
0x16: {  	v0 =	vor.u32 v1, v3  }
0x17: {  	[tilespmem:s15], [sflag:$0x1] =	stream.linear.gather [hbm4b:s6+s5], $0x2800, $0x38;
	v3 =	vor.u32 $0x1, v0;
	[tilespmem:$0x10780] =	vst v63  }
0x18: {  	s31 =	simm.s32 $0xA300;
	v4 =	vor.u32 $0x2, v0  }
0x19: {  	v5 =	vor.u32 $0x3, v0;
	[tilespmem:s31], [sflag:$0x1] =	stream.linear.gather [hbm4b:s7+s5], $0x2800, $0x38;
	[tilespmem:$0x10780] =	vst v63  }
0x1a: {  	v6 =	vor.u32 $0x4, v0;
	[tilespmem:v9+s17+$0x0] =	vst.idx.msk $0xffff, v2  }
0x1b: {  	v7 =	vor.u32 $0x5, v0;
	[tilespmem:v0+s17+$0x0] =	vst.idx.msk $0xffff, v2  }
0x1c: {  	[tilespmem:v3+s17+$0x0] =	vst.idx.msk $0xffff, v2;
	v3 =	vor.u32 $0x6, v0  }
0x1d: {  	v10 =	vor.u32 $0x7, v0;
	[tilespmem:v4+s17+$0x0] =	vst.idx.msk $0xffff, v2  }
0x1e: {  	v8 =	vor.u32 $0x1, v9;
	[tilespmem:v5+s17+$0x0] =	vst.idx.msk $0xffff, v2  }
0x1f: {  	[tilespmem:v6+s17+$0x0] =	vst.idx.msk $0xffff, v2;
	v6 =	vor.u32 $0x2, v9  }
0x20: {  	[tilespmem:v7+s17+$0x0] =	vst.idx.msk $0xffff, v2;
	v7 =	vor.u32 $0x3, v9  }
0x21: {  	v4 =	vor.u32 $0x4, v9;
	[tilespmem:v3+s17+$0x0] =	vst.idx.msk $0xffff, v2  }
0x22: {  	s0 =	simm.s32 $0x0;
	s2 =	simm.s32 $0x30;
	v0 =	vor.u32 $0x6, v9;
	v5 =	vor.u32 $0x5, v9;
	v3 =	vor.u32 $0x7, v9;
	[tilespmem:v10+s17+$0x0] =	vst.idx.msk $0xffff, v2  }
.LBB2_2:
0x23: {  	s31 =	sadd.s32 $0xFFFFFFF0, s2;
	v9 =	vmov s2;
	[tilespmem:v8+s17+$0x0] =	vst.idx.msk $0xffff, v2  }
0x24: {  	v8 =	vmov s31;
	v9 =	vshll.u32 v9, $0x3;
	[tilespmem:v6+s17+$0x0] =	vst.idx.msk $0xffff, v2  }
0x25: {  	v6 =	vshll.u32 v8, $0x3;
	v9 =	vor.u32 v1, v9;
	[tilespmem:v7+s17+$0x0] =	vst.idx.msk $0xffff, v2  }
0x26: {  	v10 =	vor.u32 v1, v6;
	v8 =	vor.u32 $0x1, v9;
	v6 =	vor.u32 $0x2, v9;
	[tilespmem:v4+s17+$0x0] =	vst.idx.msk $0xffff, v2  }
0x27: {  	v7 =	vor.u32 $0x3, v9;
	v4 =	vor.u32 $0x4, v9;
	v11 =	vor.u32 $0x1, v10;
	[tilespmem:v5+s17+$0x0] =	vst.idx.msk $0xffff, v2  }
0x28: {  	v12 =	vor.u32 $0x2, v10;
	v5 =	vor.u32 $0x5, v9;
	[tilespmem:v0+s17+$0x0] =	vst.idx.msk $0xffff, v2;
	v0 =	vor.u32 $0x6, v9  }
0x29: {  	s0 =	sadd.s32 $0x2, s0;
	v13 =	vor.u32 $0x3, v10;
	[tilespmem:v3+s17+$0x0] =	vst.idx.msk $0xffff, v2;
	v3 =	vor.u32 $0x7, v9  }
0x2a: {  	p0 =	slt.u32 s0, $0x26;
	v14 =	vor.u32 $0x4, v10;
	[tilespmem:v9+s17+$0x0] =	vst.idx.msk $0xffff, v2  }
0x2b: {  	v9 =	vor.u32 $0x5, v10;
	[tilespmem:v10+s17+$0x0] =	vst.idx.msk $0xffff, v2  }
0x2c: {  	[tilespmem:v11+s17+$0x0] =	vst.idx.msk $0xffff, v2;
	v11 =	vor.u32 $0x6, v10  }
0x2d: {  	v10 =	vor.u32 $0x7, v10;
	[tilespmem:v12+s17+$0x0] =	vst.idx.msk $0xffff, v2  }
.Ltmp0:
0x2e: {  	[tilespmem:v13+s17+$0x0] =	vst.idx.msk $0xffff, v2;
	(pc) =	sbr.rel @p0 .LBB2_2-.Ltmp0, $4  }
0x2f: {  	[tilespmem:v14+s17+$0x0] =	vst.idx.msk $0xffff, v2  }
0x30: {  	[tilespmem:v9+s17+$0x0] =	vst.idx.msk $0xffff, v2  }
0x31: {  	[tilespmem:v11+s17+$0x0] =	vst.idx.msk $0xffff, v2  }
0x32: {  	s2 =	sadd.s32 $0x20, s2;
	[tilespmem:v10+s17+$0x0] =	vst.idx.msk $0xffff, v2  }
0x33: {  	_ =	sdelay $0x3  }
0x34: {  	[tilespmem:v8+s17+$0x0] =	vst.idx.msk $0xffff, v2  }
0x35: {  	[tilespmem:v6+s17+$0x0] =	vst.idx.msk $0xffff, v2  }
0x36: {  	[tilespmem:v7+s17+$0x0] =	vst.idx.msk $0xffff, v2  }
0x37: {  	[tilespmem:v4+s17+$0x0] =	vst.idx.msk $0xffff, v2  }
0x38: {  	[tilespmem:v5+s17+$0x0] =	vst.idx.msk $0xffff, v2  }
0x39: {  	[tilespmem:v0+s17+$0x0] =	vst.idx.msk $0xffff, v2  }
0x3a: {  	[tilespmem:v3+s17+$0x0] =	vst.idx.msk $0xffff, v2  }
0x3b: {  	[spmem:s8] =	stream.linear.scatter [tilespmem:s17], [sflag:$0x3], $0x1400, $0x38;
	[tilespmem:$0x10780] =	vst v63  }
0x3c: {  	_ =	swait.ge [sflag:s18], $0x1400  }
0x3d: {  	[sflag:s18] =	ssyncset.done $0x0  }
0x3e: {  	[sflag:s18] =	ssyncadd.s32 $0xFFFFEC00  }
0x3f: {  	_ =	swait.ge [sflag:s19], $0x80  }
0x40: {  	[sflag:s19] =	ssyncset.done $0x0  }
0x41: {  	[sflag:s19] =	ssyncadd.s32 $0xFFFFFF80  }
0x42: {  	_ =	swait.ge [sflag:s19], $0x2800  }
0x43: {  	[sflag:s19] =	ssyncset.done $0x0  }
0x44: {  	[sflag:s19] =	ssyncadd.s32 $0xFFFFD800  }
0x45: {  	_ =	swait.ge [sflag:s19], $0x2800  }
0x46: {  	[sflag:s19] =	ssyncset.done $0x0  }
0x47: {  	[sflag:s19] =	ssyncadd.s32 $0xFFFFD800  }
0x48: {  	v0 =	vld [tilespmem:$0xDF00];
	_ =	sdelay $0x3  }
0x49: {  	v3 =	vld [tilespmem:$0xDF10]  }
0x4a: {  	v6 =	vbroadcast v0, $0x0;
	_ =	sdelay $0x1  }
0x4b: {  	[tilespmem:$0x1FA30] =	vst v6;
	v6 =	vbroadcast v0, $0x8  }
0x4c: {  	v4 =	vld [tilespmem:$0xDF20]  }
0x4d: {  	[tilespmem:$0x1FA40] =	vst v6;
	v6 =	vbroadcast v3, $0x0;
	_ =	sdelay $0x1  }
0x4e: {  	[tilespmem:$0x1FA50] =	vst v6;
	v6 =	vbroadcast v3, $0x8  }
0x4f: {  	v5 =	vld [tilespmem:$0xDF30]  }
0x50: {  	[tilespmem:$0x1FA60] =	vst v6;
	v6 =	vbroadcast v4, $0x0;
	_ =	sdelay $0x1  }
0x51: {  	[tilespmem:$0x1FA70] =	vst v6;
	v6 =	vbroadcast v4, $0x8;
	_ =	sdelay $0x1  }
0x52: {  	[tilespmem:$0x1FA80] =	vst v6;
	v6 =	vbroadcast v5, $0x0;
	_ =	sdelay $0x1  }
0x53: {  	[tilespmem:$0x1FA90] =	vst v6;
	v6 =	vbroadcast v5, $0x8;
	_ =	sdelay $0x1  }
0x54: {  	[tilespmem:$0x1FAA0] =	vst v6;
	v6 =	vbroadcast v0, $0x1;
	_ =	sdelay $0x1  }
0x55: {  	[tilespmem:$0x1FAB0] =	vst v6;
	v6 =	vbroadcast v0, $0x9;
	_ =	sdelay $0x1  }
0x56: {  	[tilespmem:$0x1FAC0] =	vst v6;
	v6 =	vbroadcast v3, $0x1;
	_ =	sdelay $0x1  }
0x57: {  	[tilespmem:$0x1FAD0] =	vst v6;
	v6 =	vbroadcast v3, $0x9;
	_ =	sdelay $0x1  }
0x58: {  	[tilespmem:$0x1FAE0] =	vst v6;
	v6 =	vbroadcast v4, $0x1;
	_ =	sdelay $0x1  }
0x59: {  	[tilespmem:$0x1FAF0] =	vst v6;
	v6 =	vbroadcast v4, $0x9;
	_ =	sdelay $0x1  }
0x5a: {  	[tilespmem:$0x1FB00] =	vst v6;
	v6 =	vbroadcast v5, $0x1;
	_ =	sdelay $0x1  }
0x5b: {  	[tilespmem:$0x1FB10] =	vst v6;
	v6 =	vbroadcast v5, $0x9;
	_ =	sdelay $0x1  }
0x5c: {  	[tilespmem:$0x1FB20] =	vst v6;
	v6 =	vbroadcast v0, $0x2;
	_ =	sdelay $0x1  }
0x5d: {  	[tilespmem:$0x1FB30] =	vst v6;
	v6 =	vbroadcast v0, $0xA;
	_ =	sdelay $0x1  }
0x5e: {  	[tilespmem:$0x1FB40] =	vst v6;
	v6 =	vbroadcast v3, $0x2;
	_ =	sdelay $0x1  }
0x5f: {  	[tilespmem:$0x1FB50] =	vst v6;
	v6 =	vbroadcast v3, $0xA;
	_ =	sdelay $0x1  }
0x60: {  	[tilespmem:$0x1FB60] =	vst v6;
	v6 =	vbroadcast v4, $0x2;
	_ =	sdelay $0x1  }
0x61: {  	[tilespmem:$0x1FB70] =	vst v6;
	v6 =	vbroadcast v4, $0xA;
	_ =	sdelay $0x1  }
0x62: {  	[tilespmem:$0x1FB80] =	vst v6;
	v6 =	vbroadcast v5, $0x2;
	_ =	sdelay $0x1  }
0x63: {  	[tilespmem:$0x1FB90] =	vst v6;
	v6 =	vbroadcast v5, $0xA;
	_ =	sdelay $0x1  }
0x64: {  	[tilespmem:$0x1FBA0] =	vst v6;
	v6 =	vbroadcast v0, $0x3;
	_ =	sdelay $0x1  }
0x65: {  	[tilespmem:$0x1FBB0] =	vst v6;
	v6 =	vbroadcast v0, $0xB;
	_ =	sdelay $0x1  }
0x66: {  	[tilespmem:$0x1FBC0] =	vst v6;
	v6 =	vbroadcast v3, $0x3;
	_ =	sdelay $0x1  }
0x67: {  	[tilespmem:$0x1FBD0] =	vst v6;
	v6 =	vbroadcast v3, $0xB;
	_ =	sdelay $0x1  }
0x68: {  	[tilespmem:$0x1FBE0] =	vst v6;
	v6 =	vbroadcast v4, $0x3;
	_ =	sdelay $0x1  }
0x69: {  	[tilespmem:$0x1FBF0] =	vst v6;
	v6 =	vbroadcast v4, $0xB;
	_ =	sdelay $0x1  }
0x6a: {  	[tilespmem:$0x1FC00] =	vst v6;
	v6 =	vbroadcast v5, $0x3;
	_ =	sdelay $0x1  }
0x6b: {  	[tilespmem:$0x1FC10] =	vst v6;
	v6 =	vbroadcast v5, $0xB;
	_ =	sdelay $0x1  }
0x6c: {  	[tilespmem:$0x1FC20] =	vst v6;
	v6 =	vbroadcast v0, $0x4;
	_ =	sdelay $0x1  }
0x6d: {  	[tilespmem:$0x1FC30] =	vst v6;
	v6 =	vbroadcast v0, $0xC;
	_ =	sdelay $0x1  }
0x6e: {  	[tilespmem:$0x1FC40] =	vst v6;
	v6 =	vbroadcast v3, $0x4;
	_ =	sdelay $0x1  }
0x6f: {  	[tilespmem:$0x1FC50] =	vst v6;
	v6 =	vbroadcast v3, $0xC;
	_ =	sdelay $0x1  }
0x70: {  	[tilespmem:$0x1FC60] =	vst v6;
	v6 =	vbroadcast v4, $0x4;
	_ =	sdelay $0x1  }
0x71: {  	[tilespmem:$0x1FC70] =	vst v6;
	v6 =	vbroadcast v4, $0xC;
	_ =	sdelay $0x1  }
0x72: {  	[tilespmem:$0x1FC80] =	vst v6;
	v6 =	vbroadcast v5, $0x4;
	_ =	sdelay $0x1  }
0x73: {  	[tilespmem:$0x1FC90] =	vst v6;
	v6 =	vbroadcast v5, $0xC;
	_ =	sdelay $0x1  }
0x74: {  	[tilespmem:$0x1FCA0] =	vst v6;
	v6 =	vbroadcast v0, $0x5;
	_ =	sdelay $0x1  }
0x75: {  	[tilespmem:$0x1FCB0] =	vst v6;
	v6 =	vbroadcast v0, $0xD;
	_ =	sdelay $0x1  }
0x76: {  	[tilespmem:$0x1FCC0] =	vst v6;
	v6 =	vbroadcast v3, $0x5;
	_ =	sdelay $0x1  }
0x77: {  	[tilespmem:$0x1FCD0] =	vst v6;
	v6 =	vbroadcast v3, $0xD;
	_ =	sdelay $0x1  }
0x78: {  	[tilespmem:$0x1FCE0] =	vst v6;
	v6 =	vbroadcast v4, $0x5;
	_ =	sdelay $0x1  }
0x79: {  	[tilespmem:$0x1FCF0] =	vst v6;
	v6 =	vbroadcast v4, $0xD;
	_ =	sdelay $0x1  }
0x7a: {  	[tilespmem:$0x1FD00] =	vst v6;
	v6 =	vbroadcast v5, $0x5;
	_ =	sdelay $0x1  }
0x7b: {  	[tilespmem:$0x1FD10] =	vst v6;
	v6 =	vbroadcast v5, $0xD;
	_ =	sdelay $0x1  }
0x7c: {  	[tilespmem:$0x1FD20] =	vst v6;
	v6 =	vbroadcast v0, $0x6  }
0x7d: {  	v7 =	vbroadcast v5, $0x6  }
0x7e: {  	[tilespmem:$0x1FD30] =	vst v6;
	v6 =	vbroadcast v0, $0xE  }
0x7f: {  	[tilespmem:$0x1FD90] =	vst v7;
	v7 =	vbroadcast v5, $0xE  }
0x80: {  	[tilespmem:$0x1FD40] =	vst v6;
	v6 =	vbroadcast v3, $0x6  }
0x81: {  	[tilespmem:$0x1FDA0] =	vst v7;
	v7 =	vbroadcast v0, $0x7;
	v0 =	vbroadcast v0, $0xF  }
0x82: {  	[tilespmem:$0x1FD50] =	vst v6;
	v6 =	vbroadcast v3, $0xE  }
0x83: {  	[tilespmem:$0x1FDC0] =	vst v0;
	v0 =	vbroadcast v3, $0x7  }
0x84: {  	[tilespmem:$0x1FD60] =	vst v6;
	v6 =	vbroadcast v4, $0x6  }
0x85: {  	[tilespmem:$0x1FDD0] =	vst v0;
	v0 =	vbroadcast v3, $0xF  }
0x86: {  	[tilespmem:$0x1FD70] =	vst v6;
	v6 =	vbroadcast v4, $0xE  }
0x87: {  	[tilespmem:$0x1FDE0] =	vst v0  }
0x88: {  	v0 =	vbroadcast v4, $0x7;
	[tilespmem:$0x1FD80] =	vst v6;
	v6 =	vld [tilespmem:$0xDF40];
	_ =	sdelay $0x1  }
0x89: {  	[tilespmem:$0x1FDF0] =	vst v0;
	v0 =	vbroadcast v4, $0xF;
	_ =	sdelay $0x1  }
0x8a: {  	[tilespmem:$0x1FE00] =	vst v0;
	v0 =	vbroadcast v5, $0x7  }
0x8b: {  	v3 =	vbroadcast v6, $0x3  }
0x8c: {  	[tilespmem:$0x1FE10] =	vst v0;
	v0 =	vbroadcast v5, $0xF  }
0x8d: {  	[tilespmem:$0x1FE90] =	vst v3;
	v3 =	vbroadcast v6, $0xB  }
0x8e: {  	[tilespmem:$0x1FE20] =	vst v0;
	v0 =	vbroadcast v6, $0x0  }
0x8f: {  	[tilespmem:$0x1FEA0] =	vst v3;
	v3 =	vbroadcast v6, $0x4  }
0x90: {  	[tilespmem:$0x1FE30] =	vst v0;
	v0 =	vbroadcast v6, $0x8  }
0x91: {  	[tilespmem:$0x1FEB0] =	vst v3;
	v3 =	vbroadcast v6, $0xC  }
0x92: {  	[tilespmem:$0x1FE40] =	vst v0;
	v0 =	vbroadcast v6, $0x1  }
0x93: {  	[tilespmem:$0x1FEC0] =	vst v3;
	v3 =	vbroadcast v6, $0x5  }
0x94: {  	[tilespmem:$0x1FE50] =	vst v0;
	v0 =	vbroadcast v6, $0x9  }
0x95: {  	[tilespmem:$0x1FED0] =	vst v3;
	v3 =	vbroadcast v6, $0xD  }
0x96: {  	[tilespmem:$0x1FE60] =	vst v0;
	v0 =	vbroadcast v6, $0x2  }
0x97: {  	[tilespmem:$0x1FEE0] =	vst v3;
	v3 =	vbroadcast v6, $0x6  }
0x98: {  	[tilespmem:$0x1FE70] =	vst v0;
	v0 =	vbroadcast v6, $0xA  }
0x99: {  	[tilespmem:$0x1FEF0] =	vst v3;
	v3 =	vbroadcast v6, $0xE  }
0x9a: {  	[tilespmem:$0x1FE80] =	vst v0;
	v0 =	vld [tilespmem:$0xDF50]  }
0x9b: {  	[tilespmem:$0x1FF00] =	vst v3;
	v3 =	vbroadcast v6, $0x7;
	_ =	sdelay $0x1  }
0x9c: {  	[tilespmem:$0x1FF10] =	vst v3;
	v3 =	vbroadcast v6, $0xF;
	_ =	sdelay $0x1  }
0x9d: {  	[tilespmem:$0x1FF20] =	vst v3;
	v3 =	vbroadcast v0, $0x0  }
0x9e: {  	v4 =	vbroadcast v0, $0x3  }
0x9f: {  	v6 =	vld [tilespmem:$0xDF70];
	[tilespmem:$0x1FF30] =	vst v3;
	v3 =	vbroadcast v0, $0x8  }
0xa0: {  	[tilespmem:$0x1FF90] =	vst v4;
	v4 =	vbroadcast v0, $0xB  }
0xa1: {  	v34 =	vbroadcast v0, $0xE;
	[tilespmem:$0x1FF40] =	vst v3;
	v3 =	vbroadcast v0, $0x1  }
0xa2: {  	v35 =	vbroadcast v0, $0x7;
	[tilespmem:$0x1FFA0] =	vst v4;
	v4 =	vbroadcast v0, $0x4  }
0xa3: {  	v36 =	vbroadcast v0, $0xF;
	[tilespmem:$0x1FF50] =	vst v3;
	v3 =	vbroadcast v0, $0x9  }
0xa4: {  	[tilespmem:$0x1FFB0] =	vst v4;
	v4 =	vbroadcast v0, $0xC;
	v53 =	vbroadcast v6, $0x0  }
0xa5: {  	v54 =	vbroadcast v6, $0x8;
	[tilespmem:$0x1FF60] =	vst v3;
	v3 =	vbroadcast v0, $0x2  }
0xa6: {  	v55 =	vbroadcast v6, $0x1;
	[tilespmem:$0x1FFC0] =	vst v4;
	v4 =	vbroadcast v0, $0x5  }
0xa7: {  	v56 =	vbroadcast v6, $0x9;
	[tilespmem:$0x1FF70] =	vst v3;
	v3 =	vbroadcast v0, $0xA  }
0xa8: {  	v57 =	vbroadcast v6, $0x2;
	v58 =	vbroadcast v6, $0xA;
	[tilespmem:$0x1FFD0] =	vst v4  }
0xa9: {  	v59 =	vbroadcast v6, $0x3;
	v4 =	vbroadcast v0, $0xD;
	[tilespmem:$0x1FF80] =	vst v3;
	v3 =	vld [tilespmem:$0xDF60]  }
0xaa: {  	v60 =	vbroadcast v6, $0xB;
	v61 =	vbroadcast v6, $0x4  }
0xab: {  	v62 =	vbroadcast v6, $0xC;
	[tilespmem:$0x1FFE0] =	vst v4;
	v4 =	vbroadcast v0, $0x6  }
0xac: {  	v63 =	vbroadcast v6, $0x5;
	v5 =	vbroadcast v6, $0x7  }
0xad: {  	v0 =	vbroadcast v6, $0xD;
	[tilespmem:$0x1FFF0] =	vst v4;
	v4 =	vbroadcast v6, $0xE  }
0xae: {  	v37 =	vbroadcast v3, $0x0;
	v38 =	vbroadcast v3, $0x8  }
0xaf: {  	v39 =	vbroadcast v3, $0x1;
	v40 =	vbroadcast v3, $0x9  }
0xb0: {  	v41 =	vbroadcast v3, $0x2;
	v42 =	vbroadcast v3, $0xA  }
0xb1: {  	v43 =	vbroadcast v3, $0x3;
	v44 =	vbroadcast v3, $0xB  }
0xb2: {  	v45 =	vbroadcast v3, $0x4;
	v46 =	vbroadcast v3, $0xC  }
0xb3: {  	v47 =	vbroadcast v3, $0x5;
	v48 =	vbroadcast v3, $0xD  }
0xb4: {  	v49 =	vbroadcast v3, $0x6;
	v50 =	vbroadcast v3, $0xE  }
0xb5: {  	v51 =	vbroadcast v3, $0x7;
	v52 =	vbroadcast v3, $0xF  }
0xb6: {  	s31 =	simm.s32 $0x0;
	[tilespmem:$0x1FDB0] =	vst v7;
	v3 =	vbroadcast v6, $0x6;
	v6 =	vbroadcast v6, $0xF  }
.LBB2_4:
0xb7: {  	v7 =	vor.u32 s31, v15  }
0xb8: {  	v18 =	vshll.u32 v7, $0x4  }
0xb9: {  	v8 =	vadd.s32 $0x2800, v18  }
0xba: {  	v9 =	vor.u32 $0x1, v18  }
0xbb: {  	v10 =	vadd.s32 $0x2801, v18  }
0xbc: {  	v11 =	vor.u32 $0x2, v18  }
0xbd: {  	v13 =	vadd.s32 $0x2802, v18;
	v12 =	vld.idx.msk [tilespmem:v18+s15+$0x0], $0xffff  }
0xbe: {  	v14 =	vor.u32 $0x3, v18;
	v8 =	vld.idx.msk [tilespmem:v8+s15+$0x0], $0xffff  }
0xbf: {  	v15 =	vadd.s32 $0x2803, v18;
	v9 =	vld.idx.msk [tilespmem:v9+s15+$0x0], $0xffff  }
0xc0: {  	v16 =	vor.u32 $0x4, v18;
	v10 =	vld.idx.msk [tilespmem:v10+s15+$0x0], $0xffff  }
0xc1: {  	v17 =	vadd.s32 $0x2804, v18;
	v11 =	vld.idx.msk [tilespmem:v11+s15+$0x0], $0xffff  }
0xc2: {  	v13 =	vld.idx.msk [tilespmem:v13+s15+$0x0], $0xffff  }
0xc3: {  	v14 =	vld.idx.msk [tilespmem:v14+s15+$0x0], $0xffff  }
0xc4: {  	v15 =	vld.idx.msk [tilespmem:v15+s15+$0x0], $0xffff  }
0xc5: {  	v22 =	vld.idx.msk [tilespmem:v16+s15+$0x0], $0xffff  }
0xc6: {  	v17 =	vld.idx.msk [tilespmem:v17+s15+$0x0], $0xffff  }
0xc7: {  	v16 =	vadd.s32 $0x2806, v18;
	_ =	sdelay $0x1  }
0xc8: {  	v19 =	vor.u32 $0x5, v18;
	v8 =	vadd.f32 v8, v12  }
0xc9: {  	v20 =	vadd.s32 $0x2805, v18;
	v9 =	vadd.f32 v10, v9;
	v11 =	vadd.f32 v13, v11  }
0xca: {  	v13 =	vadd.f32 v15, v14;
	v15 =	vmax.f32 v8, $0.0e+00;
	v8 =	vadd.f32 v17, v22  }
0xcb: {  	v21 =	vor.u32 $0x6, v18;
	v31 =	vld.idx.msk [tilespmem:v16+s15+$0x0], $0xffff  }
0xcc: {  	v16 =	vmax.f32 v9, $0.0e+00;
	v9 =	vmax.f32 v8, $0.0e+00;
	v8 =	vld [tilespmem:$0x1FA30];
	_ =	sdelay $0x1  }
0xcd: {  	v23 =	vor.u32 $0x7, v18;
	v19 =	vld.idx.msk [tilespmem:v19+s15+$0x0], $0xffff  }
0xce: {  	v25 =	vor.u32 $0x8, v18;
	v20 =	vld.idx.msk [tilespmem:v20+s15+$0x0], $0xffff  }
0xcf: {  	v21 =	vld.idx.msk [tilespmem:v21+s15+$0x0], $0xffff  }
0xd0: {  	v24 =	vadd.s32 $0x2807, v18;
	v33 =	vmul.f32 v15, v8;
	v8 =	vld [tilespmem:$0x1FA40]  }
0xd1: {  	v30 =	vld [tilespmem:$0x1FA50];
	v26 =	vadd.s32 $0x2808, v18  }
0xd2: {  	v23 =	vld.idx.msk [tilespmem:v23+s15+$0x0], $0xffff;
	v12 =	vor.u32 $0x9, v18  }
0xd3: {  	v32 =	vadd.f32 v20, v19;
	v19 =	vld.idx.msk [tilespmem:v25+s15+$0x0], $0xffff  }
0xd4: {  	v10 =	vadd.f32 v31, v21;
	v31 =	vld [tilespmem:$0x1FA60]  }
0xd5: {  	v17 =	vld.idx.msk [tilespmem:v24+s15+$0x0], $0xffff;
	v28 =	vmul.f32 v16, v8  }
0xd6: {  	v20 =	vld.idx.msk [tilespmem:v26+s15+$0x0], $0xffff;
	v14 =	vmax.f32 v11, $0.0e+00  }
0xd7: {  	v22 =	vmul.f32 v14, v30;
	v21 =	vld.idx.msk [tilespmem:v12+s15+$0x0], $0xffff;
	v12 =	vor.u32 $0xA, v18;
	v29 =	vadd.f32 v28, v33  }
0xd8: {  	v13 =	vmax.f32 v13, $0.0e+00  }
0xd9: {  	v8 =	vmax.f32 v32, $0.0e+00;
	v32 =	vmul.f32 v13, v31;
	v22 =	vadd.f32 v22, v29  }
0xda: {  	v27 =	vadd.s32 $0x2809, v18;
	v17 =	vadd.f32 v17, v23  }
0xdb: {  	v33 =	vor.u32 $0xC, v18;
	v22 =	vadd.f32 v32, v22;
	v32 =	vld [tilespmem:$0x1FA80]  }
0xdc: {  	v11 =	vmax.f32 v17, $0.0e+00;
	v17 =	vadd.f32 v20, v19;
	v20 =	vld.idx.msk [tilespmem:v12+s15+$0x0], $0xffff  }
0xdd: {  	v12 =	vld [tilespmem:$0x1FA70];
	_ =	sdelay $0x1  }
0xde: {  	v25 =	vld.idx.msk [tilespmem:v27+s15+$0x0], $0xffff  }
0xdf: {  	v27 =	vmul.f32 v8, v32;
	v32 =	vld.idx.msk [tilespmem:v33+s15+$0x0], $0xffff  }
0xe0: {  	v33 =	vld [tilespmem:$0x1FA90]  }
0xe1: {  	v31 =	vmul.f32 v9, v12  }
0xe2: {  	v30 =	vld [tilespmem:$0x1FAB0]  }
0xe3: {  	v22 =	vadd.f32 v31, v22;
	v31 =	vld [tilespmem:$0x1FAC0]  }
0xe4: {  	v26 =	vadd.s32 $0x280A, v18;
	v10 =	vmax.f32 v10, $0.0e+00  }
0xe5: {  	v22 =	vadd.f32 v27, v22;
	v27 =	vmul.f32 v10, v33;
	v33 =	vld [tilespmem:$0x1FAD0];
	_ =	sdelay $0x2  }
0xe6: {  	v30 =	vmul.f32 v15, v30;
	v31 =	vmul.f32 v16, v31  }
0xe7: {  	v12 =	vmax.f32 v17, $0.0e+00;
	v17 =	vadd.f32 v25, v21;
	v21 =	vld.idx.msk [tilespmem:v26+s15+$0x0], $0xffff;
	v25 =	vor.u32 $0xD, v18  }
0xe8: {  	v30 =	vadd.f32 v31, v30;
	v31 =	vmul.f32 v14, v33;
	v33 =	vld [tilespmem:$0x1FAA0];
	_ =	sdelay $0x2  }
0xe9: {  	v24 =	vadd.s32 $0x280B, v18  }
0xea: {  	v23 =	vor.u32 $0xB, v18;
	v20 =	vadd.f32 v21, v20;
	v21 =	vld.idx.msk [tilespmem:v25+s15+$0x0], $0xffff  }
0xeb: {  	v28 =	vadd.s32 $0x280C, v18;
	v25 =	vmul.f32 v11, v33;
	v33 =	vld [tilespmem:$0x1FAE0];
	_ =	sdelay $0x2  }
0xec: {  	v24 =	vld.idx.msk [tilespmem:v24+s15+$0x0], $0xffff  }
0xed: {  	v23 =	vld.idx.msk [tilespmem:v23+s15+$0x0], $0xffff  }
0xee: {  	v28 =	vld.idx.msk [tilespmem:v28+s15+$0x0], $0xffff;
	v30 =	vadd.f32 v31, v30;
	v31 =	vmul.f32 v13, v33  }
0xef: {  	v19 =	vadd.s32 $0x280E, v18;
	v33 =	vld [tilespmem:$0x1FE30]  }
0xf0: {  	v30 =	vadd.f32 v31, v30;
	v31 =	vld [tilespmem:$0x1FAF0];
	_ =	sdelay $0x1  }
0xf1: {  	v22 =	vadd.f32 v27, v22;
	_ =	sdelay $0x1  }
0xf2: {  	v23 =	vadd.f32 v24, v23;
	v24 =	vld.idx.msk [tilespmem:v19+s15+$0x0], $0xffff;
	v22 =	vadd.f32 v25, v22;
	v25 =	vmul.f32 v12, v33  }
0xf3: {  	v28 =	vadd.f32 v28, v32;
	v32 =	vld [tilespmem:$0x1FB10];
	v33 =	vmul.f32 v9, v31  }
0xf4: {  	v26 =	vadd.s32 $0x280D, v18;
	v22 =	vadd.f32 v25, v22;
	v25 =	vld [tilespmem:$0x1FE40]  }
0xf5: {  	v19 =	vmax.f32 v23, $0.0e+00;
	v23 =	vadd.f32 v33, v30;
	v33 =	vld [tilespmem:$0x1FB00]  }
0xf6: {  	v31 =	vld [tilespmem:$0x1FF30];
	_ =	sdelay $0x1  }
0xf7: {  	v17 =	vmax.f32 v17, $0.0e+00;
	v29 =	vor.u32 $0xE, v18  }
0xf8: {  	v26 =	vld.idx.msk [tilespmem:v26+s15+$0x0], $0xffff;
	v27 =	vor.u32 $0xF, v18;
	v18 =	vadd.s32 $0x280F, v18;
	v25 =	vmul.f32 v17, v25  }
0xf9: {  	v20 =	vmax.f32 v20, $0.0e+00;
	v30 =	vmul.f32 v8, v33;
	v33 =	vmul.f32 v10, v32;
	v32 =	vld [tilespmem:$0x1FF40]  }
0xfa: {  	v22 =	vadd.f32 v25, v22;
	v25 =	vmul.f32 v20, v31;
	v31 =	vld [tilespmem:$0x1FB20];
	_ =	sdelay $0x2  }
0xfb: {  	v21 =	vadd.f32 v26, v21;
	v26 =	vld.idx.msk [tilespmem:v18+s15+$0x0], $0xffff;
	v18 =	vadd.f32 v30, v23  }
0xfc: {  	v22 =	vadd.f32 v25, v22  }
0xfd: {  	v33 =	vadd.f32 v33, v18;
	v25 =	vmul.f32 v19, v32;
	v32 =	vmul.f32 v11, v31;
	_ =	sdelay $0x1  }
0xfe: {  	v22 =	vadd.f32 v25, v22;
	v25 =	vadd.f32 v32, v33;
	v33 =	vld [tilespmem:$0x1FE50]  }
0xff: {  	v27 =	vld.idx.msk [tilespmem:v27+s15+$0x0], $0xffff  }
0x100: {  	v32 =	vld [tilespmem:$0x1FB30];
	_ =	sdelay $0x1  }
0x101: {  	v29 =	vld.idx.msk [tilespmem:v29+s15+$0x0], $0xffff  }
0x102: {  	v23 =	vmax.f32 v28, $0.0e+00;
	v28 =	vmul.f32 v12, v33;
	v33 =	vld [tilespmem:$0x1FB40];
	_ =	sdelay $0x1  }
0x103: {  	v26 =	vadd.f32 v26, v27;
	v27 =	vmul.f32 v15, v32;
	v32 =	vld [tilespmem:$0x1FB50];
	_ =	sdelay $0x2  }
0x104: {  	v24 =	vadd.f32 v24, v29;
	v29 =	vmul.f32 v16, v33;
	_ =	sdelay $0x1  }
0x105: {  	v31 =	vld [tilespmem:$0x1FE60];
	v33 =	vmul.f32 v14, v32;
	v27 =	vadd.f32 v29, v27;
	_ =	sdelay $0x1  }
0x106: {  	v27 =	vadd.f32 v33, v27;
	v33 =	vld [tilespmem:$0x1FB60];
	_ =	sdelay $0x2  }
0x107: {  	v25 =	vadd.f32 v28, v25;
	v28 =	vmul.f32 v17, v31;
	v32 =	vld [tilespmem:$0x1FF50];
	_ =	sdelay $0x1  }
0x108: {  	v25 =	vadd.f32 v28, v25;
	v28 =	vmul.f32 v13, v33;
	v33 =	vld [tilespmem:$0x1FF60]  }
0x109: {  	v21 =	vmax.f32 v21, $0.0e+00;
	v18 =	vmax.f32 v24, $0.0e+00;
	v24 =	vmul.f32 v23, v37  }
0x10a: {  	v30 =	vmul.f32 v21, v38;
	v31 =	vld [tilespmem:$0x1FBB0]  }
0x10b: {  	v24 =	vadd.f32 v24, v22;
	v22 =	vmax.f32 v26, $0.0e+00;
	v26 =	vmul.f32 v20, v32;
	v32 =	vld [tilespmem:$0x1FBC0];
	_ =	sdelay $0x1  }
0x10c: {  	v24 =	vadd.f32 v30, v24;
	v30 =	vmul.f32 v19, v33;
	v33 =	vld [tilespmem:$0x1FBD0];
	_ =	sdelay $0x2  }
0x10d: {  	v25 =	vadd.f32 v26, v25;
	v26 =	vmul.f32 v15, v31;
	v29 =	vmul.f32 v16, v32;
	_ =	sdelay $0x1  }
0x10e: {  	v26 =	vadd.f32 v29, v26;
	v29 =	vmul.f32 v14, v33;
	v33 =	vld [tilespmem:$0x1FBE0];
	_ =	sdelay $0x4  }
0x10f: {  	v26 =	vadd.f32 v29, v26;
	v29 =	vmul.f32 v13, v33;
	v33 =	vld [tilespmem:$0x1FBF0]  }
0x110: {  	v32 =	vld [tilespmem:$0x1FB70];
	_ =	sdelay $0x3  }
0x111: {  	v26 =	vadd.f32 v29, v26;
	v29 =	vmul.f32 v9, v33;
	v33 =	vld [tilespmem:$0x1FC00]  }
0x112: {  	v27 =	vadd.f32 v28, v27;
	v28 =	vmul.f32 v9, v32;
	v32 =	vld [tilespmem:$0x1FB80];
	_ =	sdelay $0x3  }
0x113: {  	v26 =	vadd.f32 v29, v26;
	v29 =	vmul.f32 v8, v33;
	v33 =	vld [tilespmem:$0x1FC10]  }
0x114: {  	v27 =	vadd.f32 v28, v27;
	v28 =	vmul.f32 v8, v32;
	v32 =	vld [tilespmem:$0x1FB90];
	_ =	sdelay $0x3  }
0x115: {  	v26 =	vadd.f32 v29, v26;
	v29 =	vmul.f32 v10, v33;
	v33 =	vld [tilespmem:$0x1FC20]  }
0x116: {  	v27 =	vadd.f32 v28, v27;
	v28 =	vmul.f32 v10, v32;
	v32 =	vld [tilespmem:$0x1FBA0];
	_ =	sdelay $0x3  }
0x117: {  	v26 =	vadd.f32 v29, v26;
	v29 =	vmul.f32 v11, v33;
	v33 =	vld [tilespmem:$0x1FF80]  }
0x118: {  	v31 =	vmul.f32 v18, v53;
	v27 =	vadd.f32 v28, v27;
	v28 =	vmul.f32 v11, v32;
	v32 =	vld [tilespmem:$0x1FE70];
	_ =	sdelay $0x1  }
0x119: {  	v24 =	vadd.f32 v31, v24;
	v31 =	vmul.f32 v22, v54;
	_ =	sdelay $0x1  }
0x11a: {  	v24 =	vadd.f32 v31, v24;
	v31 =	vmul.f32 v19, v33;
	v33 =	vld [tilespmem:$0x1FE90]  }
0x11b: {  	v27 =	vadd.f32 v28, v27;
	v28 =	vmul.f32 v12, v32;
	v32 =	vld [tilespmem:$0x1FE80];
	_ =	sdelay $0x3  }
0x11c: {  	v25 =	vadd.f32 v30, v25;
	v26 =	vadd.f32 v29, v26;
	v29 =	vmul.f32 v12, v33;
	v33 =	vld [tilespmem:$0x1FEA0]  }
0x11d: {  	v30 =	vmul.f32 v23, v39;
	v27 =	vadd.f32 v28, v27;
	v28 =	vmul.f32 v17, v32;
	v32 =	vld [tilespmem:$0x1FF70];
	_ =	sdelay $0x1  }
0x11e: {  	v25 =	vadd.f32 v30, v25;
	v30 =	vmul.f32 v21, v40;
	_ =	sdelay $0x1  }
0x11f: {  	v25 =	vadd.f32 v30, v25;
	v26 =	vadd.f32 v29, v26;
	v29 =	vmul.f32 v17, v33;
	v33 =	vld [tilespmem:$0x1FC50]  }
0x120: {  	v30 =	vmul.f32 v18, v55;
	v27 =	vadd.f32 v28, v27;
	v28 =	vmul.f32 v20, v32;
	v32 =	vld [tilespmem:$0x1FC30];
	_ =	sdelay $0x1  }
0x121: {  	v25 =	vadd.f32 v30, v25;
	v30 =	vmul.f32 v22, v56;
	_ =	sdelay $0x1  }
0x122: {  	v25 =	vadd.f32 v30, v25;
	v30 =	vmul.f32 v14, v33;
	v33 =	vld [tilespmem:$0x1FF90]  }
0x123: {  	v27 =	vadd.f32 v28, v27;
	v28 =	vmul.f32 v15, v32;
	v32 =	vld [tilespmem:$0x1FC40];
	_ =	sdelay $0x3  }
0x124: {  	v26 =	vadd.f32 v29, v26;
	v29 =	vmul.f32 v20, v33;
	v33 =	vld [tilespmem:$0x1FC60]  }
0x125: {  	v32 =	vmul.f32 v16, v32;
	_ =	sdelay $0x1  }
0x126: {  	v28 =	vadd.f32 v32, v28;
	_ =	sdelay $0x1  }
0x127: {  	v28 =	vadd.f32 v30, v28;
	v30 =	vmul.f32 v13, v33;
	v33 =	vld [tilespmem:$0x1FCB0];
	_ =	sdelay $0x2  }
0x128: {  	v27 =	vadd.f32 v31, v27;
	v31 =	vmul.f32 v23, v41;
	_ =	sdelay $0x1  }
0x129: {  	v27 =	vadd.f32 v31, v27;
	v31 =	vmul.f32 v15, v33;
	v33 =	vld [tilespmem:$0x1FCC0];
	_ =	sdelay $0x4  }
0x12a: {  	v33 =	vmul.f32 v16, v33  }
0x12b: {  	v28 =	vadd.f32 v30, v28;
	v30 =	vld [tilespmem:$0x1FFA0]  }
0x12c: {  	v31 =	vadd.f32 v33, v31;
	v33 =	vld [tilespmem:$0x1FCD0];
	_ =	sdelay $0x4  }
0x12d: {  	v26 =	vadd.f32 v29, v26;
	v30 =	vmul.f32 v19, v30;
	v33 =	vmul.f32 v14, v33  }
0x12e: {  	v29 =	vld [tilespmem:$0x1FC70]  }
0x12f: {  	v32 =	vmul.f32 v21, v42;
	v26 =	vadd.f32 v30, v26;
	v30 =	vadd.f32 v33, v31;
	v33 =	vld [tilespmem:$0x1FCE0];
	_ =	sdelay $0x1  }
0x130: {  	v27 =	vadd.f32 v32, v27;
	v32 =	vld [tilespmem:$0x1FC80];
	_ =	sdelay $0x2  }
0x131: {  	v29 =	vmul.f32 v9, v29;
	v31 =	vmul.f32 v13, v33;
	v33 =	vld [tilespmem:$0x1FC90];
	_ =	sdelay $0x1  }
0x132: {  	v28 =	vadd.f32 v29, v28;
	v29 =	vmul.f32 v8, v32  }
0x133: {  	v32 =	vmul.f32 v23, v43;
	v30 =	vadd.f32 v31, v30;
	v31 =	vld [tilespmem:$0x1FCF0]  }
0x134: {  	v28 =	vadd.f32 v29, v28  }
0x135: {  	v26 =	vadd.f32 v32, v26;
	v32 =	vld [tilespmem:$0x1FCA0];
	v29 =	vmul.f32 v10, v33;
	v33 =	vmul.f32 v18, v57;
	_ =	sdelay $0x1  }
0x136: {  	v27 =	vadd.f32 v33, v27;
	v33 =	vld [tilespmem:$0x1FEB0]  }
0x137: {  	v31 =	vmul.f32 v9, v31;
	_ =	sdelay $0x1  }
0x138: {  	v28 =	vadd.f32 v29, v28;
	v29 =	vmul.f32 v11, v32;
	v30 =	vadd.f32 v31, v30;
	v31 =	vld [tilespmem:$0x1FD00];
	_ =	sdelay $0x1  }
0x139: {  	v28 =	vadd.f32 v29, v28;
	v29 =	vmul.f32 v12, v33;
	v33 =	vld [tilespmem:$0x1FD10];
	_ =	sdelay $0x2  }
0x13a: {  	v31 =	vmul.f32 v8, v31;
	_ =	sdelay $0x1  }
0x13b: {  	v32 =	vmul.f32 v21, v44;
	v30 =	vadd.f32 v31, v30;
	v31 =	vmul.f32 v10, v33;
	v33 =	vld [tilespmem:$0x1FEC0];
	_ =	sdelay $0x1  }
0x13c: {  	v26 =	vadd.f32 v32, v26;
	v32 =	vmul.f32 v18, v59  }
0x13d: {  	v30 =	vadd.f32 v31, v30;
	v31 =	vld [tilespmem:$0x1FD20]  }
0x13e: {  	v26 =	vadd.f32 v32, v26  }
0x13f: {  	v32 =	vld [tilespmem:$0x1FFB0];
	v28 =	vadd.f32 v29, v28;
	v29 =	vmul.f32 v17, v33;
	v33 =	vmul.f32 v22, v58;
	_ =	sdelay $0x1  }
0x140: {  	v27 =	vadd.f32 v33, v27;
	v33 =	vld [tilespmem:$0x1FFC0]  }
0x141: {  	v31 =	vmul.f32 v11, v31;
	_ =	sdelay $0x1  }
0x142: {  	v28 =	vadd.f32 v29, v28;
	v29 =	vmul.f32 v20, v32;
	v30 =	vadd.f32 v31, v30;
	v31 =	vld [tilespmem:$0x1FED0];
	_ =	sdelay $0x1  }
0x143: {  	v32 =	vmul.f32 v22, v60;
	v28 =	vadd.f32 v29, v28;
	v29 =	vmul.f32 v19, v33;
	v33 =	vld [tilespmem:$0x1FEE0];
	_ =	sdelay $0x1  }
0x144: {  	v26 =	vadd.f32 v32, v26;
	v32 =	vld [tilespmem:$0x1FD30]  }
0x145: {  	v31 =	vmul.f32 v12, v31;
	_ =	sdelay $0x1  }
0x146: {  	v30 =	vadd.f32 v31, v30;
	v31 =	vmul.f32 v17, v33;
	v33 =	vld [tilespmem:$0x1FDB0];
	_ =	sdelay $0x1  }
0x147: {  	v28 =	vadd.f32 v29, v28;
	v29 =	vmul.f32 v15, v32;
	v32 =	vld [tilespmem:$0x1FD40];
	_ =	sdelay $0x2  }
0x148: {  	v15 =	vmul.f32 v15, v33;
	v33 =	vld [tilespmem:$0x1FDC0];
	_ =	sdelay $0x1  }
0x149: {  	v32 =	vmul.f32 v16, v32;
	_ =	sdelay $0x1  }
0x14a: {  	v29 =	vadd.f32 v32, v29;
	v32 =	vld [tilespmem:$0x1FD50]  }
0x14b: {  	v16 =	vmul.f32 v16, v33;
	v33 =	vld [tilespmem:$0x1FDD0];
	_ =	sdelay $0x4  }
0x14c: {  	v32 =	vmul.f32 v14, v32;
	v14 =	vmul.f32 v14, v33;
	v33 =	vld [tilespmem:$0x1FD60];
	_ =	sdelay $0x1  }
0x14d: {  	v15 =	vadd.f32 v16, v15  }
0x14e: {  	v30 =	vadd.f32 v31, v30;
	v31 =	vmul.f32 v23, v45;
	v16 =	vld [tilespmem:$0x1FFD0]  }
0x14f: {  	v14 =	vadd.f32 v14, v15;
	v15 =	vld [tilespmem:$0x1FDE0]  }
0x150: {  	v28 =	vadd.f32 v31, v28;
	v31 =	vmul.f32 v13, v33;
	v33 =	vld [tilespmem:$0x1FD70];
	_ =	sdelay $0x2  }
0x151: {  	v16 =	vmul.f32 v20, v16  }
0x152: {  	v29 =	vadd.f32 v32, v29;
	v32 =	vld [tilespmem:$0x1FD80];
	v13 =	vmul.f32 v13, v15  }
0x153: {  	v16 =	vadd.f32 v16, v30;
	v30 =	vmul.f32 v9, v33;
	v33 =	vld [tilespmem:$0x1FDF0]  }
0x154: {  	v13 =	vadd.f32 v13, v14;
	v14 =	vld [tilespmem:$0x1FFE0];
	_ =	sdelay $0x2  }
0x155: {  	v29 =	vadd.f32 v31, v29  }
0x156: {  	v9 =	vmul.f32 v9, v33  }
0x157: {  	v14 =	vmul.f32 v19, v14;
	v33 =	vadd.f32 v30, v29;
	v29 =	vmul.f32 v8, v32  }
0x158: {  	v9 =	vadd.f32 v9, v13;
	v13 =	vld [tilespmem:$0x1FE00]  }
0x159: {  	v14 =	vadd.f32 v14, v16;
	v16 =	vadd.f32 v29, v33;
	v33 =	vld [tilespmem:$0x1FD90];
	_ =	sdelay $0x2  }
0x15a: {  	v15 =	vmul.f32 v21, v46  }
0x15b: {  	v8 =	vmul.f32 v8, v13  }
0x15c: {  	v15 =	vadd.f32 v15, v28;
	v13 =	vmul.f32 v18, v61;
	v28 =	vmul.f32 v10, v33;
	_ =	sdelay $0x1  }
0x15d: {  	v13 =	vadd.f32 v13, v15;
	v15 =	vadd.f32 v28, v16;
	v16 =	vld [tilespmem:$0x1FDA0];
	_ =	sdelay $0x4  }
0x15e: {  	v32 =	vmul.f32 v23, v47;
	v16 =	vmul.f32 v11, v16  }
0x15f: {  	v33 =	vld [tilespmem:$0x1FE10];
	v8 =	vadd.f32 v8, v9  }
0x160: {  	v9 =	vadd.f32 v32, v14;
	v14 =	vadd.f32 v16, v15;
	v15 =	vld [tilespmem:$0x1FEF0];
	_ =	sdelay $0x1  }
0x161: {  	v31 =	vld [tilespmem:$0x1FE20];
	_ =	sdelay $0x1  }
0x162: {  	v10 =	vmul.f32 v10, v33  }
0x163: {  	v32 =	vmul.f32 v22, v62;
	v15 =	vmul.f32 v12, v15  }
0x164: {  	v8 =	vadd.f32 v10, v8  }
0x165: {  	v10 =	vmul.f32 v11, v31;
	v11 =	vadd.f32 v32, v13;
	v13 =	vadd.f32 v15, v14;
	v14 =	vld [tilespmem:$0x1FF00];
	_ =	sdelay $0x1  }
0x166: {  	v16 =	vld [tilespmem:$0x1FF10];
	_ =	sdelay $0x1  }
0x167: {  	v28 =	vld [tilespmem:$0x1FF20]  }
0x168: {  	v14 =	vmul.f32 v17, v14;
	_ =	sdelay $0x1  }
0x169: {  	v8 =	vadd.f32 v10, v8;
	v12 =	vmul.f32 v12, v16;
	v13 =	vadd.f32 v14, v13;
	v14 =	vld [tilespmem:$0x1FFF0];
	_ =	sdelay $0x1  }
0x16a: {  	v10 =	vmul.f32 v17, v28;
	v8 =	vadd.f32 v12, v8  }
0x16b: {  	v33 =	vmul.f32 v21, v48  }
0x16c: {  	v29 =	vmul.f32 v20, v35;
	v8 =	vadd.f32 v10, v8  }
0x16d: {  	v9 =	vadd.f32 v33, v9;
	v12 =	vmul.f32 v18, v63;
	v14 =	vmul.f32 v20, v14  }
0x16e: {  	v7 =	vshll.u32 v7, $0x3;
	v30 =	vmul.f32 v19, v36;
	v8 =	vadd.f32 v29, v8  }
0x16f: {  	v9 =	vadd.f32 v12, v9;
	v12 =	vadd.f32 v14, v13;
	v13 =	vmul.f32 v19, v34  }
0x170: {  	v16 =	vmul.f32 v23, v51;
	v8 =	vadd.f32 v30, v8;
	v14 =	vor.u32 $0x1, v7  }
0x171: {  	v15 =	vor.u32 $0x2, v7;
	v12 =	vadd.f32 v13, v12;
	v13 =	vmul.f32 v23, v49  }
0x172: {  	v32 =	vmul.f32 v21, v52;
	v8 =	vadd.f32 v16, v8  }
0x173: {  	v31 =	vor.u32 $0x3, v7;
	v12 =	vadd.f32 v13, v12;
	v13 =	vmul.f32 v21, v50  }
0x174: {  	[tilespmem:v7+s20+$0x0] =	vst.idx.msk $0xffff, v24;
	v17 =	vor.u32 $0x4, v7;
	v16 =	vmul.f32 v22, v0;
	v8 =	vadd.f32 v32, v8  }
0x175: {  	[tilespmem:v14+s20+$0x0] =	vst.idx.msk $0xffff, v25;
	v14 =	vor.u32 $0x5, v7;
	v12 =	vadd.f32 v13, v12;
	v13 =	vmul.f32 v18, v3  }
0x176: {  	v9 =	vadd.f32 v16, v9;
	[tilespmem:v15+s20+$0x0] =	vst.idx.msk $0xffff, v27;
	v15 =	vor.u32 $0x6, v7;
	v18 =	vmul.f32 v18, v5  }
0x177: {  	p0 =	sne.s32 s31, $0x270;
	v7 =	vor.u32 $0x7, v7;
	v33 =	vadd.f32 v13, v12;
	v12 =	vmul.f32 v22, v4  }
.Ltmp1:
0x178: {  	[tilespmem:v31+s20+$0x0] =	vst.idx.msk $0xffff, v26;
	v8 =	vadd.f32 v18, v8;
	v13 =	vmul.f32 v22, v6;
	(pc) =	sbr.rel @p0 .LBB2_4-.Ltmp1, $4  }
0x179: {  	[tilespmem:v17+s20+$0x0] =	vst.idx.msk $0xffff, v11;
	v10 =	vadd.f32 v12, v33  }
0x17a: {  	[tilespmem:v14+s20+$0x0] =	vst.idx.msk $0xffff, v9;
	v8 =	vadd.f32 v13, v8  }
0x17b: {  	[tilespmem:v15+s20+$0x0] =	vst.idx.msk $0xffff, v10  }
0x17c: {  	s31 =	sadd.s32 $0x10, s31;
	v15 =	vlaneseq.u32;
	[tilespmem:v7+s20+$0x0] =	vst.idx.msk $0xffff, v8  }
0x17d: {  	[spmem:s9] =	stream.linear.scatter [tilespmem:s20], [sflag:$0x3], $0x1400, $0x38;
	[tilespmem:$0x10780] =	vst v63  }
0x17e: {  	_ =	swait.ge [sflag:s18], $0x1400  }
0x17f: {  	[sflag:s18] =	ssyncset.done $0x0  }
0x180: {  	s31 =	simm.s32 $0x0;
	[sflag:s18] =	ssyncadd.s32 $0xFFFFEC00  }
0x181: {  	[tilespmem:s31], [sflag:$0x3] =	stream.linear.gather [hbm4b:s10+s31], $0x2780, $0x38;
	[tilespmem:$0x10780] =	vst v63  }
0x182: {  	_ =	swait.ge [sflag:s18], $0x2780  }
0x183: {  	[sflag:s18] =	ssyncset.done $0x0  }
0x184: {  	[sflag:s18] =	ssyncadd.s32 $0xFFFFD880  }
0x185: {  	[tilespmem:s21], [sflag:$0x3] =	stream.linear.gather [hbm4b:s11+s31], $0x2780, $0x38;
	[tilespmem:$0x10780] =	vst v63  }
0x186: {  	_ =	swait.ge [sflag:s18], $0x2780  }
0x187: {  	[sflag:s18] =	ssyncset.done $0x0  }
0x188: {  	[sflag:s18] =	ssyncadd.s32 $0xFFFFD880  }
0x189: {  	[bflag:$0x0] =	sbarrier.arrive $0xFFFF  }
0x18a: {  	[tilespmem:s23], [sflag:$0x1] =	stream.indirect.gather [spmem:s4], $0x8, s31, s22, $0xb8;
	[tilespmem:$0x10780] =	vst v63  }
0x18b: {  	_ = 	snop  }
0x18c: {  	[tilespmem:s24], [sflag:$0x1] =	stream.indirect.gather [spmem:s4], $0x8, s22, s22, $0xb8;
	[tilespmem:$0x10780] =	vst v63  }
0x18d: {  	s0 =	simm.s32 $0x200;
	s2 =	simm.s32 $0x2800  }
0x18e: {  	[tilespmem:s26], [sflag:$0x1] =	stream.indirect.gather [spmem:s4], $0x8, s25, s22, $0xb8;
	[tilespmem:$0x10780] =	vst v63  }
.LBB2_6:
0x18f: {  	_ =	swait.ge [sflag:s19], $0x400  }
0x190: {  	p0 =	slt.u32 s31, $0x3;
	[sflag:s19] =	ssyncset.done $0x0  }
0x191: {  	s14 =	simm.s32 @!p0 $0x2;
	[sflag:s19] =	ssyncadd.s32 $0xFFFFFC00  }
0x192: {  	p1 =	sgt.u32 @!p0 s31, $0x4B;
	_ =	swait.ge @!p0 [sflag:s14], $0x400  }
0x193: {  	p1 =	por p0, !p1;
	[sflag:s14] =	ssyncset.done @!p0 $0x0  }
0x194: {  	[sflag:s14] =	ssyncadd.s32 @!p0 $0xFFFFFC00;
	s14 =	sadd.s32 @p1 $0x3, s31  }
0x195: {  	s16 =	smul.u32 @p1 $0xAB, s14;
	_ =	sdelay $0x1  }
0x196: {  	s16 =	sshrl.u32 @p1 s16, $0xA  }
0x197: {  	s16 =	sand.u32 @p1 $0x3F, s16  }
0x198: {  	s16 =	smul.u32 @p1 $0x6, s16;
	_ =	sdelay $0x1  }
0x199: {  	s14 =	ssub.s32 @p1 s14, s16  }
0x19a: {  	s14 =	sand.u32 @p1 $0xFF, s14  }
0x19b: {  	s14 =	sshll.u32 @p1 s14, $0xA  }
0x19c: {  	s16 =	sadd.s32 @p1 $0xFFFFFF80, s0;
	s14 =	sadd.s32 @p1 $0x4F00, s14  }
0x19d: {  	[tilespmem:s14], [sflag:$0x1] =	stream.indirect.gather @p1 [spmem:s4], $0x8, s16, s22, $0xb8;
	[tilespmem:$0x10780] =	vst v63  }
0x19e: {  	s16 =	smul.u32 $0xAB, s31;
	_ =	sdelay $0x1  }
0x19f: {  	s14 =	sshrl.u32 s16, $0xA  }
0x1a0: {  	s14 =	sand.u32 $0x3F, s14  }
0x1a1: {  	s14 =	smul.u32 $0x6, s14;
	_ =	sdelay $0x1  }
0x1a2: {  	s14 =	ssub.s32 s31, s14  }
0x1a3: {  	s14 =	sand.u32 $0xFF, s14  }
0x1a4: {  	s14 =	sshll.u32 s14, $0xA  }
0x1a5: {  	s16 =	sadd.s32 $0xFFFFFF80, s2;
	s14 =	sadd.s32 $0x4F00, s14  }
0x1a6: {  	[spmem:s3] =	stream.indirect.scatter.add.f32 [tilespmem:s14], [sflag:$0x2], $0x8, s16, s22, $0xb8;
	[tilespmem:$0x10780] =	vst v63  }
0x1a7: {  	_ =	swait.ge [sflag:s19], $0x400  }
0x1a8: {  	p0 =	seq.s32 s31, $0x0;
	[sflag:s19] =	ssyncset.done $0x0  }
0x1a9: {  	s14 =	simm.s32 @!p0 $0x2;
	[sflag:s19] =	ssyncadd.s32 $0xFFFFFC00  }
0x1aa: {  	p1 =	sgt.u32 @!p0 s31, $0x4A;
	_ =	swait.ge @!p0 [sflag:s14], $0x400  }
0x1ab: {  	p1 =	por p0, !p1;
	[sflag:s14] =	ssyncset.done @!p0 $0x0  }
0x1ac: {  	[sflag:s14] =	ssyncadd.s32 @!p0 $0xFFFFFC00;
	s14 =	sadd.s32 @p1 $0x4, s31  }
0x1ad: {  	s16 =	smul.u32 @p1 $0xAB, s14;
	_ =	sdelay $0x1  }
0x1ae: {  	s16 =	sshrl.u32 @p1 s16, $0xA  }
0x1af: {  	s16 =	sand.u32 @p1 $0x3F, s16  }
0x1b0: {  	s16 =	smul.u32 @p1 $0x6, s16;
	_ =	sdelay $0x1  }
0x1b1: {  	s14 =	ssub.s32 @p1 s14, s16  }
0x1b2: {  	s14 =	sand.u32 @p1 $0xFF, s14  }
0x1b3: {  	s14 =	sshll.u32 @p1 s14, $0xA  }
0x1b4: {  	s14 =	sadd.s32 @p1 $0x4F00, s14  }
0x1b5: {  	[tilespmem:s14], [sflag:$0x1] =	stream.indirect.gather @p1 [spmem:s4], $0x8, s0, s22, $0xb8;
	[tilespmem:$0x10780] =	vst v63  }
0x1b6: {  	s14 =	sadd.s32 $0x1, s31  }
0x1b7: {  	s16 =	smul.u32 $0xAB, s14;
	_ =	sdelay $0x1  }
0x1b8: {  	s16 =	sshrl.u32 s16, $0xA  }
0x1b9: {  	s16 =	sand.u32 $0x3F, s16  }
0x1ba: {  	s16 =	smul.u32 $0x6, s16;
	_ =	sdelay $0x1  }
0x1bb: {  	p0 =	slt.u32 s31, $0x4C;
	s14 =	ssub.s32 s14, s16  }
.Ltmp2:
0x1bc: {  	s14 =	sand.u32 $0xFF, s14;
	(pc) =	sbr.rel @p0 .LBB2_6-.Ltmp2, $4  }
0x1bd: {  	s14 =	sshll.u32 s14, $0xA  }
0x1be: {  	s16 =	sadd.s32 $0x2, s31;
	s14 =	sadd.s32 $0x4F00, s14  }
0x1bf: {  	[spmem:s3] =	stream.indirect.scatter.add.f32 [tilespmem:s14], [sflag:$0x2], $0x8, s2, s22, $0xb8;
	[tilespmem:$0x10780] =	vst v63  }
0x1c0: {  	s0 =	sadd.s32 $0x100, s0;
	s31 =	smov.u32 s16;
	s2 =	sadd.s32 $0x100, s2  }
0x1c1: {  	_ =	swait.ge [sflag:s19], $0x400  }
0x1c2: {  	[sflag:s19] =	ssyncset.done $0x0  }
0x1c3: {  	[sflag:s19] =	ssyncadd.s32 $0xFFFFFC00  }
0x1c4: {  	_ =	swait.ge [sflag:s28], $0x400  }
0x1c5: {  	[sflag:s28] =	ssyncset.done $0x0  }
0x1c6: {  	[sflag:s28] =	ssyncadd.s32 $0xFFFFFC00  }
0x1c7: {  	[spmem:s3] =	stream.indirect.scatter.add.f32 [tilespmem:s23], [sflag:$0x2], $0x8, s29, s22, $0xb8;
	[tilespmem:$0x10780] =	vst v63  }
0x1c8: {  	_ =	swait.ge [sflag:s28], $0x400  }
0x1c9: {  	[sflag:s28] =	ssyncset.done $0x0  }
0x1ca: {  	[sflag:s28] =	ssyncadd.s32 $0xFFFFFC00  }
0x1cb: {  	_ =	swait.ge [sflag:s28], $0x400  }
0x1cc: {  	[sflag:s28] =	ssyncset.done $0x0  }
0x1cd: {  	[sflag:s28] =	ssyncadd.s32 $0xFFFFFC00  }
0x1ce: {  	_ =	swait.ge [sflag:s28], $0x400  }
0x1cf: {  	s0 =	sshll.u32 s1, $0x6;
	s30 =	sadd.s32 $0x1, s30;
	[sflag:s28] =	ssyncset.done $0x0  }
0x1d0: {  	s2 =	sshrl.u32 s8, $0x3;
	p0 =	sne.s32 s30, s13;
	[sflag:s28] =	ssyncadd.s32 $0xFFFFFC00  }
.Ltmp3:
0x1d1: {  	s0 =	sor.u32 $0x1C03, s0;
	[bflag:$0x0] =	sbarrier.arrive $0xFFFF;
	(pc) =	sbr.rel @p0 .LBB2_1-.Ltmp3, $4  }
0x1d2: {  	[hbm:s12], [sflag:s0] =	dma.local [spmem:s2], $0x280  }
0x1d3: {  	_ =	swait.ge [sflag:s18], $0x280  }
0x1d4: {  	[sflag:s18] =	ssyncset.done $0x0  }
0x1d5: {  	[sflag:s18] =	ssyncadd.s32 $0xFFFFFD80  }
0x1d6: {  	_ =	sfence.sel $0x180000  }
0x1d7: {  	[bflag:$0x0] =	sbarrier.arrive $0xFFFF  }
0x1d8: {  	_ =	strace $0x9000004A  }
0x1d9: {  	[bflag:$0x2] =	sbarrier.arrive $0xFFFF  }
0x1da: {  	p0 =	sne.s32 s1, $0x0;
	s0 =	rddreg [dreg:$0x4]  }
0x1db: {  	s0 =	sadd.s32 @!p0 $0x100000, s0  }
0x1dc: {  	[sflag:s0] =	ssyncadd.tile.s32 @!p0 $0x1;
	_ =	shalt  }
.Lfunc_end2:
_tile_overlayer_lowered:
.L_overlay_start_2:
0x1dd: {  	(tag) =	ssettag $0x2  }
0x1de: {  	s0 =	rddreg [dreg:$0x0];
	s2 =	stileid.u32  }
0x1df: {  	s1 =	rddreg [dreg:$0x1];
	p0 =	sne.s32 s2, $0x0  }
0x1e0: {  	s3 =	rddreg [dreg:$0x2];
	[bflag:$0x3] =	sbarrier.arrive $0xFFFF;
	s2 =	simm.s32 @!p0 $0x1C03  }
0x1e1: {  	[timem:s3], [sflag:s2] =	dma.local @!p0 [hbm:s0], s1  }
0x1e2: {  	s0 =	simm.s32 @!p0 $0x3  }
0x1e3: {  	_ =	swait.ge @!p0 [sflag:s0], s1  }
0x1e4: {  	s1 =	ssub.s32 @!p0 $0x0, s1;
	[sflag:s0] =	ssyncset.done @!p0 $0x0  }
0x1e5: {  	[sflag:s0] =	ssyncadd.s32 @!p0 s1  }
0x1e6: {  	[bflag:$0x3] =	sbarrier.arrive $0xFFFF  }
0x1e7: {  	_ =	shalt  }

</sc_bundles>
